<compile_context>
chip_gen: v7x
topology: tpu7x:2x2x1
jax: 0.10.2.dev20260603
libtpu: 0.0.44.dev20260713+nightly
codegen_flags: <defaults>
</compile_context>

<pallas_src>
import jax
import jax.numpy as jnp
from jax import lax
from jax.experimental import pallas as pl
from jax.experimental.pallas import tpu as pltpu
from jax.experimental.pallas import tpu_sc as plsc

N = 10000
E = 320000
D = 200
H = 80
R = 8
T = 6

NC = 2
NS = 16
NW = NC * NS
EPW = E // NW
CH = 80
NCHUNK = EPW // CH
NPAD = 10240
ROWS_PT = NPAD // NS
LANES = 16


def _rel_transform_body(x_ref, wbig_ref, wself_ref, src_ref, typ_ref,
                        hrel_ref, xw_ref, gidx_ref):
    xb = x_ref[...]
    hrel_ref[...] = jnp.dot(xb, wbig_ref[...], preferred_element_type=jnp.float32)
    xw_ref[...] = jnp.dot(xb, wself_ref[...], preferred_element_type=jnp.float32)
    gidx_ref[...] = src_ref[...] * R + typ_ref[...]


def _edge_agg_body(hrel_hbm, gidx_hbm, dst_hbm, nrm_hbm, out_hbm,
                   gbuf, dbuf, nbuf, rows_v, zero_v, acc_sh,
                   sg0, sg1, sg2, sm0, sm1, sm2, ss0, ss1, ss2):
    c = lax.axis_index("c")
    s = lax.axis_index("s")
    wid = s * NC + c
    base = wid * EPW
    sem_g = (sg0, sg1, sg2)
    sem_m = (sm0, sm1, sm2)
    sem_s = (ss0, ss1, ss2)

    zf = jnp.zeros((LANES,), jnp.float32)

    def zrow(j, carry):
        for k in range(H // LANES):
            zero_v[j, pl.ds(k * LANES, LANES)] = zf
        return carry

    lax.fori_loop(0, CH, zrow, 0)
    row0 = s * ROWS_PT
    for k in range(ROWS_PT // CH):
        pltpu.sync_copy(zero_v.at[pl.ds(0, CH)],
                        acc_sh.at[pl.ds(row0 + k * CH, CH)])
    plsc.subcore_barrier()

    def meta_copies(j, ph):
        off = pl.multiple_of(base + j * CH, 8)
        return (
            pltpu.make_async_copy(gidx_hbm.at[pl.ds(off, CH)], gbuf.at[ph],
                                  sem_m[ph]),
            pltpu.make_async_copy(dst_hbm.at[pl.ds(off, CH)], dbuf.at[ph],
                                  sem_m[ph]),
            pltpu.make_async_copy(nrm_hbm.at[pl.ds(off, CH)],
                                  nbuf.at[pl.ds(ph * CH, CH)], sem_m[ph]),
        )

    def issue_meta(j, ph):
        for cp in meta_copies(j, ph):
            cp.start()

    def wait_meta(j, ph):
        for cp in meta_copies(j, ph):
            cp.wait()

    def gather_copy(ph):
        return pltpu.make_async_copy(hrel_hbm.at[gbuf.at[ph]],
                                     rows_v.at[ph], sem_g[ph])

    def scatter_copy(ph):
        return pltpu.make_async_copy(rows_v.at[ph], acc_sh.at[dbuf.at[ph]],
                                     sem_s[ph])

    def scale(ph):
        def edge4(e4, carry):
            for u in range(4):
                e = e4 * 4 + u
                spl = plsc.load_gather(
                    nbuf, [jnp.full((LANES,), ph * CH, jnp.int32)
                           + jnp.full((LANES,), e, jnp.int32)])
                for k in range(H // LANES):
                    sl = pl.ds(k * LANES, LANES)
                    rows_v[ph, e, sl] = rows_v[ph, e, sl] * spl
            return carry

        lax.fori_loop(0, CH // 4, edge4, 0)

    issue_meta(0, 0)
    wait_meta(0, 0)
    gather_copy(0).start()
    issue_meta(1, 1)

    def triple(t, carry):
        j0 = t * 3
        for ph in range(3):
            j = j0 + ph
            nph = (ph + 1) % 3
            pph = (ph + 2) % 3
            wait_meta(j + 1, nph)
            gather_copy(nph).start()

            @pl.when(j >= 1)
            def _():
                scatter_copy(pph).wait()

            issue_meta(j + 2, pph)
            gather_copy(ph).wait()
            scale(ph)
            scatter_copy(ph).start(add=True)
        return carry

    lax.fori_loop(0, (NCHUNK - 2) // 3, triple, 0)

    ph_a = (NCHUNK - 2) % 3
    ph_b = (NCHUNK - 1) % 3
    wait_meta(NCHUNK - 1, ph_b)
    gather_copy(ph_b).start()
    gather_copy(ph_a).wait()
    scale(ph_a)
    scatter_copy((NCHUNK - 3) % 3).wait()
    scatter_copy(ph_a).start(add=True)
    gather_copy(ph_b).wait()
    scale(ph_b)
    scatter_copy(ph_a).wait()
    scatter_copy(ph_b).start(add=True)
    scatter_copy(ph_b).wait()

    plsc.subcore_barrier()
    pltpu.sync_copy(acc_sh.at[pl.ds(row0, ROWS_PT)],
                    out_hbm.at[c, pl.ds(row0, ROWS_PT)])


def _finish_body(p_ref, xw_ref, b_ref, wout_ref, bout_ref, out_ref):
    h = p_ref[0] + p_ref[1] + xw_ref[...] + b_ref[...]
    h = jnp.maximum(h, 0.0)
    logits = jnp.dot(h, wout_ref[...], preferred_element_type=jnp.float32)
    logits = logits + bout_ref[...]
    m = jnp.max(logits, axis=1, keepdims=True)
    lse = jnp.log(jnp.sum(jnp.exp(logits - m), axis=1, keepdims=True)) + m
    out_ref[...] = logits - lse


def kernel(x, edge_index, edge_norm, edge_type, W_rel, W_self, b, W_out, b_out):
    src = edge_index[0].astype(jnp.int32)
    dst = edge_index[1].astype(jnp.int32)
    typ = edge_type.astype(jnp.int32)
    nrm = edge_norm.astype(jnp.float32)
    W_big = jnp.transpose(W_rel, (1, 0, 2)).reshape(D, R * H)

    BN = 1000
    NB = N // BN
    EB = E // NB
    src2 = src.reshape(NB, 1, EB)
    typ2 = typ.reshape(NB, 1, EB)
    hrel, xw, gidx2 = pl.pallas_call(
        _rel_transform_body,
        grid=(NB,),
        in_specs=[pl.BlockSpec((BN, D), lambda i: (i, 0)),
                  pl.BlockSpec((D, R * H), lambda i: (0, 0)),
                  pl.BlockSpec((D, H), lambda i: (0, 0)),
                  pl.BlockSpec((1, 1, EB), lambda i: (i, 0, 0)),
                  pl.BlockSpec((1, 1, EB), lambda i: (i, 0, 0))],
        out_specs=[pl.BlockSpec((BN, R * H), lambda i: (i, 0)),
                   pl.BlockSpec((BN, H), lambda i: (i, 0)),
                   pl.BlockSpec((1, 1, EB), lambda i: (i, 0, 0))],
        out_shape=[jax.ShapeDtypeStruct((N, R * H), jnp.float32),
                   jax.ShapeDtypeStruct((N, H), jnp.float32),
                   jax.ShapeDtypeStruct((NB, 1, EB), jnp.int32)],
    )(x, W_big, W_self, src2, typ2)
    hrel_flat = hrel.reshape(R * N, H)
    gidx = gidx2.reshape(E)

    mesh = plsc.VectorSubcoreMesh(core_axis_name="c", subcore_axis_name="s",
                                  num_cores=NC, num_subcores=NS)
    agg2 = pl.kernel(
        _edge_agg_body,
        out_type=jax.ShapeDtypeStruct((NC, NPAD, H), jnp.float32),
        mesh=mesh,
        compiler_params=pltpu.CompilerParams(use_tc_tiling_on_sc=False,
                                             needs_layout_passes=False),
        scratch_types=[
            pltpu.VMEM((3, CH), jnp.int32),
            pltpu.VMEM((3, CH), jnp.int32),
            pltpu.VMEM((3 * CH,), jnp.float32),
            pltpu.VMEM((3, CH, H), jnp.float32),
            pltpu.VMEM((CH, H), jnp.float32),
            pltpu.VMEM_SHARED((NPAD, H), jnp.float32),
            pltpu.SemaphoreType.DMA,
            pltpu.SemaphoreType.DMA,
            pltpu.SemaphoreType.DMA,
            pltpu.SemaphoreType.DMA,
            pltpu.SemaphoreType.DMA,
            pltpu.SemaphoreType.DMA,
            pltpu.SemaphoreType.DMA,
            pltpu.SemaphoreType.DMA,
            pltpu.SemaphoreType.DMA,
        ],
    )(hrel_flat, gidx, dst, nrm)

    out = pl.pallas_call(
        _finish_body,
        grid=(NB,),
        in_specs=[pl.BlockSpec((NC, BN, H), lambda i: (0, i, 0)),
                  pl.BlockSpec((BN, H), lambda i: (i, 0)),
                  pl.BlockSpec((1, H), lambda i: (0, 0)),
                  pl.BlockSpec((H, T), lambda i: (0, 0)),
                  pl.BlockSpec((1, T), lambda i: (0, 0))],
        out_specs=pl.BlockSpec((BN, T), lambda i: (i, 0)),
        out_shape=jax.ShapeDtypeStruct((N, T), jnp.float32),
    )(agg2, xw, b.reshape(1, H), W_out, b_out.reshape(1, T))
    return out

# --- scband reference (transcript-rebuilt; emitter-appended) ---
"""Pipeline reference for scband-dialogue-gcn-7954279432496 (READ-ONLY COPY).

The authoritative reference and input builder live on the scoring server;
editing this copy changes nothing except your own understanding.
"""

import jax, jax.numpy as jnp
import numpy as np

N = 10000
E = 320000
D = 200
H = 80
R = 8  # n_speakers^2 * 2 edge types (past/future)
T = 6  # tag_size


def setup_inputs(seed: int = 0) -> dict:
    key = jax.random.key(seed)
    ks = jax.random.split(key, 8)
    x = jax.random.normal(ks[0], (N, D), dtype=jnp.float32)
    edge_index = jax.random.randint(ks[1], (2, E), 0, N, dtype=jnp.int64)
    edge_norm = jax.random.uniform(ks[2], (E,), dtype=jnp.float32)
    edge_type = jax.random.randint(ks[3], (E,), 0, R, dtype=jnp.int64)
    W_rel = jax.random.normal(ks[4], (R, D, H), dtype=jnp.float32) * 0.05
    W_self = jax.random.normal(ks[5], (D, H), dtype=jnp.float32) * 0.05
    b = jnp.zeros((H,), dtype=jnp.float32)
    W_out = jax.random.normal(ks[6], (H, T), dtype=jnp.float32) * 0.05
    b_out = jnp.zeros((T,), dtype=jnp.float32)
    return {"x": x, "edge_index": edge_index, "edge_norm": edge_norm,
            "edge_type": edge_type, "W_rel": W_rel, "W_self": W_self,
            "b": b, "W_out": W_out, "b_out": b_out}


def reference(x, edge_index, edge_norm, edge_type, W_rel, W_self, b, W_out, b_out):
    # Relational graph conv over the dialogue graph built by batch_graphify:
    # per-relation transform, edge-norm-weighted gather of source nodes,
    # scatter-add into destination nodes, self-loop, then tag classifier + log_softmax.
    src = edge_index[0]
    dst = edge_index[1]
    # [R, N, H] per-relation transformed node features
    h_rel = jnp.einsum('nd,rdh->rnh', x, W_rel)
    # gather per-edge messages by (relation, source node)
    msg = h_rel[edge_type, src] * edge_norm[:, None]  # [E, H]
    # scatter-add to destination nodes
    agg = jax.ops.segment_sum(msg, dst, num_segments=x.shape[0])  # [N, H]
    h = jax.nn.relu(agg + x @ W_self + b)
    logits = h @ W_out + b_out
    return jax.nn.log_softmax(logits, axis=1)

if __name__ == "__main__":
    import jax
    _d = setup_inputs()
    print(jax.jit(kernel)(*tuple(_d.values())))

</pallas_src>

<mosaic_0001>
#map = affine_map<(d0, d1) -> (0, 0)>
#map1 = affine_map<(d0, d1) -> (0)>
#map2 = affine_map<(d0, d1) -> (0, 0, 0)>
module attributes {stable_mosaic.version = 14 : i64} {
  func.func @_edge_agg_body(%arg0: i32, %arg1: i32, %arg2: memref<80000x80xf32, #tpu.memory_space<hbm>>, %arg3: memref<320000xi32, #tpu.memory_space<hbm>>, %arg4: memref<320000xi32, #tpu.memory_space<hbm>>, %arg5: memref<320000xf32, #tpu.memory_space<hbm>>, %arg6: memref<2x10240x80xf32, #tpu.memory_space<hbm>>, %arg7: memref<3x80xi32, #tpu.memory_space<vmem>>, %arg8: memref<3x80xi32, #tpu.memory_space<vmem>>, %arg9: memref<240xf32, #tpu.memory_space<vmem>>, %arg10: memref<3x80x80xf32, #tpu.memory_space<vmem>>, %arg11: memref<80x80xf32, #tpu.memory_space<vmem>>, %arg12: memref<10240x80xf32, #tpu.memory_space<vmem_shared>>, %arg13: memref<!tpu.dma_semaphore, #tpu.memory_space<semaphore_mem>>, %arg14: memref<!tpu.dma_semaphore, #tpu.memory_space<semaphore_mem>>, %arg15: memref<!tpu.dma_semaphore, #tpu.memory_space<semaphore_mem>>, %arg16: memref<!tpu.dma_semaphore, #tpu.memory_space<semaphore_mem>>, %arg17: memref<!tpu.dma_semaphore, #tpu.memory_space<semaphore_mem>>, %arg18: memref<!tpu.dma_semaphore, #tpu.memory_space<semaphore_mem>>, %arg19: memref<!tpu.dma_semaphore, #tpu.memory_space<semaphore_mem>>, %arg20: memref<!tpu.dma_semaphore, #tpu.memory_space<semaphore_mem>>, %arg21: memref<!tpu.dma_semaphore, #tpu.memory_space<semaphore_mem>>) attributes {dimension_semantics = [#tpu.dimension_semantics<core_parallel>, #tpu.dimension_semantics<subcore_parallel>], iteration_bounds = array<i64: 2, 16>, scalar_prefetch = 0 : i64, scratch_operands = 15 : i64, tpu.core_type = #tpu.core_type<sc_vector_subcore>, window_params = [{transform_indices = #map}, {transform_indices = #map1}, {transform_indices = #map1}, {transform_indices = #map1}, {transform_indices = #map2}]} {
    %mul3A = arith.constant 2 : i32
    %mul3A_0 = arith.muli %arg1, %mul3A : i32
    %add3A = arith.addi %mul3A_0, %arg0 : i32
    %mul3A_1 = arith.constant 10000 : i32
    %mul3A_2 = arith.muli %add3A, %mul3A_1 : i32
    %broadcast_in_dim3A = arith.constant 0.000000e+00 : f32
    %broadcast_in_dim3A_3 = vector.broadcast %broadcast_in_dim3A : f32 to vector<16xf32>
    %scan3A = arith.constant 0 : i32
    %scan3A_4 = arith.constant 0 : i32
    %scan3A_5 = arith.constant 80 : i32
    %scan3A_6 = arith.addi %scan3A_4, %scan3A_5 : i32
    %scan3A_7 = arith.constant 1 : i32
    scf.for %scan3A_259 = %scan3A_4 to %scan3A_6 step %scan3A_7  : i32 {
      %swap3A = arith.index_cast %scan3A_259 : i32 to index
      %swap3A_260 = arith.constant 0 : index
      %swap3A_261 = tpu.vector_load %arg11[%swap3A, %swap3A_260] {strides = array<i32>} : memref<80x80xf32, #tpu.memory_space<vmem>>, vector<16xf32>,
      tpu.vector_store %arg11[%swap3A, %swap3A_260], %broadcast_in_dim3A_3 {strides = array<i32>} : memref<80x80xf32, #tpu.memory_space<vmem>>, vector<16xf32>,
      %swap3A_262 = arith.index_cast %scan3A_259 : i32 to index
      %swap3A_263 = arith.constant 16 : index
      %swap3A_264 = tpu.vector_load %arg11[%swap3A_262, %swap3A_263] {strides = array<i32>} : memref<80x80xf32, #tpu.memory_space<vmem>>, vector<16xf32>,
      tpu.vector_store %arg11[%swap3A_262, %swap3A_263], %broadcast_in_dim3A_3 {strides = array<i32>} : memref<80x80xf32, #tpu.memory_space<vmem>>, vector<16xf32>,
      %swap3A_265 = arith.index_cast %scan3A_259 : i32 to index
      %swap3A_266 = arith.constant 32 : index
      %swap3A_267 = tpu.vector_load %arg11[%swap3A_265, %swap3A_266] {strides = array<i32>} : memref<80x80xf32, #tpu.memory_space<vmem>>, vector<16xf32>,
      tpu.vector_store %arg11[%swap3A_265, %swap3A_266], %broadcast_in_dim3A_3 {strides = array<i32>} : memref<80x80xf32, #tpu.memory_space<vmem>>, vector<16xf32>,
      %swap3A_268 = arith.index_cast %scan3A_259 : i32 to index
      %swap3A_269 = arith.constant 48 : index
      %swap3A_270 = tpu.vector_load %arg11[%swap3A_268, %swap3A_269] {strides = array<i32>} : memref<80x80xf32, #tpu.memory_space<vmem>>, vector<16xf32>,
      tpu.vector_store %arg11[%swap3A_268, %swap3A_269], %broadcast_in_dim3A_3 {strides = array<i32>} : memref<80x80xf32, #tpu.memory_space<vmem>>, vector<16xf32>,
      %swap3A_271 = arith.index_cast %scan3A_259 : i32 to index
      %swap3A_272 = arith.constant 64 : index
      %swap3A_273 = tpu.vector_load %arg11[%swap3A_271, %swap3A_272] {strides = array<i32>} : memref<80x80xf32, #tpu.memory_space<vmem>>, vector<16xf32>,
      tpu.vector_store %arg11[%swap3A_271, %swap3A_272], %broadcast_in_dim3A_3 {strides = array<i32>} : memref<80x80xf32, #tpu.memory_space<vmem>>, vector<16xf32>,
    }
    %scan3A_8 = arith.constant 80 : i32
    %mul3A_9 = arith.constant 640 : i32
    %mul3A_10 = arith.muli %arg1, %mul3A_9 : i32
    %add3A_11 = arith.constant 0 : i32
    %add3A_12 = arith.addi %mul3A_10, %add3A_11 : i32
    "tpu.region"() ({
      %run_scoped3A = tpu.sem_alloc : memref<!tpu.dma_semaphore, #tpu.memory_space<semaphore_mem>>
      %dma_start3A_259 = arith.constant 0 : i32
      %dma_start3A_260 = arith.constant 0 : i32
      %dma_start3A_261 = tpu.memref_slice %arg11[%dma_start3A_259, %dma_start3A_260] : memref<80x80xf32, #tpu.memory_space<vmem>> -> memref<80x80xf32, #tpu.memory_space<vmem>>
      %dma_start3A_262 = arith.constant 0 : i32
      %dma_start3A_263 = tpu.memref_slice %arg12[%add3A_12, %dma_start3A_262] : memref<10240x80xf32, #tpu.memory_space<vmem_shared>> -> memref<80x80xf32, #tpu.memory_space<vmem_shared>>
      %dma_start3A_264 = arith.constant 0 : i32
      %dma_start3A_265 = tpu.memref_slice %arg12[%add3A_12, %dma_start3A_264] : memref<10240x80xf32, #tpu.memory_space<vmem_shared>> -> memref<80x80xf32, #tpu.memory_space<vmem_shared>>
      %dma_start3A_266 = arith.constant 0 : i32
      %dma_start3A_267 = arith.constant 0 : i32
      %dma_start3A_268 = tpu.memref_slice %arg11[%dma_start3A_266, %dma_start3A_267] : memref<80x80xf32, #tpu.memory_space<vmem>> -> memref<80x80xf32, #tpu.memory_space<vmem>>
      tpu.enqueue_dma source(%dma_start3A_268 : memref<80x80xf32, #tpu.memory_space<vmem>>) target(%dma_start3A_265 : memref<80x80xf32, #tpu.memory_space<vmem_shared>>) target_semaphore(%run_scoped3A : memref<!tpu.dma_semaphore, #tpu.memory_space<semaphore_mem>>)
      %dma_wait3A_269 = arith.constant 0 : i32
      %dma_wait3A_270 = arith.constant 0 : i32
      %dma_wait3A_271 = tpu.memref_slice %arg11[%dma_wait3A_269, %dma_wait3A_270] : memref<80x80xf32, #tpu.memory_space<vmem>> -> memref<80x80xf32, #tpu.memory_space<vmem>>
      %dma_wait3A_272 = arith.constant 0 : i32
      %dma_wait3A_273 = tpu.memref_slice %arg12[%add3A_12, %dma_wait3A_272] : memref<10240x80xf32, #tpu.memory_space<vmem_shared>> -> memref<80x80xf32, #tpu.memory_space<vmem_shared>>
      %dma_wait3A_274 = arith.constant 0 : i32
      %dma_wait3A_275 = tpu.memref_slice %arg12[%add3A_12, %dma_wait3A_274] : memref<10240x80xf32, #tpu.memory_space<vmem_shared>> -> memref<80x80xf32, #tpu.memory_space<vmem_shared>>
      %dma_wait3A_276 = arith.constant 0 : i32
      %dma_wait3A_277 = arith.constant 0 : i32
      %dma_wait3A_278 = tpu.memref_slice %arg11[%dma_wait3A_276, %dma_wait3A_277] : memref<80x80xf32, #tpu.memory_space<vmem>> -> memref<80x80xf32, #tpu.memory_space<vmem>>
      tpu.wait_dma2 semaphore(%run_scoped3A : memref<!tpu.dma_semaphore, #tpu.memory_space<semaphore_mem>>) src(%dma_wait3A_278 : memref<80x80xf32, #tpu.memory_space<vmem>>) dst(%dma_wait3A_275 : memref<80x80xf32, #tpu.memory_space<vmem_shared>>)
      tpu.yield
    }) : () -> ()
    %add3A_13 = arith.constant 80 : i32
    %add3A_14 = arith.addi %mul3A_10, %add3A_13 : i32
    "tpu.region"() ({
      %run_scoped3A = tpu.sem_alloc : memref<!tpu.dma_semaphore, #tpu.memory_space<semaphore_mem>>
      %dma_start3A_259 = arith.constant 0 : i32
      %dma_start3A_260 = arith.constant 0 : i32
      %dma_start3A_261 = tpu.memref_slice %arg11[%dma_start3A_259, %dma_start3A_260] : memref<80x80xf32, #tpu.memory_space<vmem>> -> memref<80x80xf32, #tpu.memory_space<vmem>>
      %dma_start3A_262 = arith.constant 0 : i32
      %dma_start3A_263 = tpu.memref_slice %arg12[%add3A_14, %dma_start3A_262] : memref<10240x80xf32, #tpu.memory_space<vmem_shared>> -> memref<80x80xf32, #tpu.memory_space<vmem_shared>>
      %dma_start3A_264 = arith.constant 0 : i32
      %dma_start3A_265 = tpu.memref_slice %arg12[%add3A_14, %dma_start3A_264] : memref<10240x80xf32, #tpu.memory_space<vmem_shared>> -> memref<80x80xf32, #tpu.memory_space<vmem_shared>>
      %dma_start3A_266 = arith.constant 0 : i32
      %dma_start3A_267 = arith.constant 0 : i32
      %dma_start3A_268 = tpu.memref_slice %arg11[%dma_start3A_266, %dma_start3A_267] : memref<80x80xf32, #tpu.memory_space<vmem>> -> memref<80x80xf32, #tpu.memory_space<vmem>>
      tpu.enqueue_dma source(%dma_start3A_268 : memref<80x80xf32, #tpu.memory_space<vmem>>) target(%dma_start3A_265 : memref<80x80xf32, #tpu.memory_space<vmem_shared>>) target_semaphore(%run_scoped3A : memref<!tpu.dma_semaphore, #tpu.memory_space<semaphore_mem>>)
      %dma_wait3A_269 = arith.constant 0 : i32
      %dma_wait3A_270 = arith.constant 0 : i32
      %dma_wait3A_271 = tpu.memref_slice %arg11[%dma_wait3A_269, %dma_wait3A_270] : memref<80x80xf32, #tpu.memory_space<vmem>> -> memref<80x80xf32, #tpu.memory_space<vmem>>
      %dma_wait3A_272 = arith.constant 0 : i32
      %dma_wait3A_273 = tpu.memref_slice %arg12[%add3A_14, %dma_wait3A_272] : memref<10240x80xf32, #tpu.memory_space<vmem_shared>> -> memref<80x80xf32, #tpu.memory_space<vmem_shared>>
      %dma_wait3A_274 = arith.constant 0 : i32
      %dma_wait3A_275 = tpu.memref_slice %arg12[%add3A_14, %dma_wait3A_274] : memref<10240x80xf32, #tpu.memory_space<vmem_shared>> -> memref<80x80xf32, #tpu.memory_space<vmem_shared>>
      %dma_wait3A_276 = arith.constant 0 : i32
      %dma_wait3A_277 = arith.constant 0 : i32
      %dma_wait3A_278 = tpu.memref_slice %arg11[%dma_wait3A_276, %dma_wait3A_277] : memref<80x80xf32, #tpu.memory_space<vmem>> -> memref<80x80xf32, #tpu.memory_space<vmem>>
      tpu.wait_dma2 semaphore(%run_scoped3A : memref<!tpu.dma_semaphore, #tpu.memory_space<semaphore_mem>>) src(%dma_wait3A_278 : memref<80x80xf32, #tpu.memory_space<vmem>>) dst(%dma_wait3A_275 : memref<80x80xf32, #tpu.memory_space<vmem_shared>>)
      tpu.yield
    }) : () -> ()
    %add3A_15 = arith.constant 160 : i32
    %add3A_16 = arith.addi %mul3A_10, %add3A_15 : i32
    "tpu.region"() ({
      %run_scoped3A = tpu.sem_alloc : memref<!tpu.dma_semaphore, #tpu.memory_space<semaphore_mem>>
      %dma_start3A_259 = arith.constant 0 : i32
      %dma_start3A_260 = arith.constant 0 : i32
      %dma_start3A_261 = tpu.memref_slice %arg11[%dma_start3A_259, %dma_start3A_260] : memref<80x80xf32, #tpu.memory_space<vmem>> -> memref<80x80xf32, #tpu.memory_space<vmem>>
      %dma_start3A_262 = arith.constant 0 : i32
      %dma_start3A_263 = tpu.memref_slice %arg12[%add3A_16, %dma_start3A_262] : memref<10240x80xf32, #tpu.memory_space<vmem_shared>> -> memref<80x80xf32, #tpu.memory_space<vmem_shared>>
      %dma_start3A_264 = arith.constant 0 : i32
      %dma_start3A_265 = tpu.memref_slice %arg12[%add3A_16, %dma_start3A_264] : memref<10240x80xf32, #tpu.memory_space<vmem_shared>> -> memref<80x80xf32, #tpu.memory_space<vmem_shared>>
      %dma_start3A_266 = arith.constant 0 : i32
      %dma_start3A_267 = arith.constant 0 : i32
      %dma_start3A_268 = tpu.memref_slice %arg11[%dma_start3A_266, %dma_start3A_267] : memref<80x80xf32, #tpu.memory_space<vmem>> -> memref<80x80xf32, #tpu.memory_space<vmem>>
      tpu.enqueue_dma source(%dma_start3A_268 : memref<80x80xf32, #tpu.memory_space<vmem>>) target(%dma_start3A_265 : memref<80x80xf32, #tpu.memory_space<vmem_shared>>) target_semaphore(%run_scoped3A : memref<!tpu.dma_semaphore, #tpu.memory_space<semaphore_mem>>)
      %dma_wait3A_269 = arith.constant 0 : i32
      %dma_wait3A_270 = arith.constant 0 : i32
      %dma_wait3A_271 = tpu.memref_slice %arg11[%dma_wait3A_269, %dma_wait3A_270] : memref<80x80xf32, #tpu.memory_space<vmem>> -> memref<80x80xf32, #tpu.memory_space<vmem>>
      %dma_wait3A_272 = arith.constant 0 : i32
      %dma_wait3A_273 = tpu.memref_slice %arg12[%add3A_16, %dma_wait3A_272] : memref<10240x80xf32, #tpu.memory_space<vmem_shared>> -> memref<80x80xf32, #tpu.memory_space<vmem_shared>>
      %dma_wait3A_274 = arith.constant 0 : i32
      %dma_wait3A_275 = tpu.memref_slice %arg12[%add3A_16, %dma_wait3A_274] : memref<10240x80xf32, #tpu.memory_space<vmem_shared>> -> memref<80x80xf32, #tpu.memory_space<vmem_shared>>
      %dma_wait3A_276 = arith.constant 0 : i32
      %dma_wait3A_277 = arith.constant 0 : i32
      %dma_wait3A_278 = tpu.memref_slice %arg11[%dma_wait3A_276, %dma_wait3A_277] : memref<80x80xf32, #tpu.memory_space<vmem>> -> memref<80x80xf32, #tpu.memory_space<vmem>>
      tpu.wait_dma2 semaphore(%run_scoped3A : memref<!tpu.dma_semaphore, #tpu.memory_space<semaphore_mem>>) src(%dma_wait3A_278 : memref<80x80xf32, #tpu.memory_space<vmem>>) dst(%dma_wait3A_275 : memref<80x80xf32, #tpu.memory_space<vmem_shared>>)
      tpu.yield
    }) : () -> ()
    %add3A_17 = arith.constant 240 : i32
    %add3A_18 = arith.addi %mul3A_10, %add3A_17 : i32
    "tpu.region"() ({
      %run_scoped3A = tpu.sem_alloc : memref<!tpu.dma_semaphore, #tpu.memory_space<semaphore_mem>>
      %dma_start3A_259 = arith.constant 0 : i32
      %dma_start3A_260 = arith.constant 0 : i32
      %dma_start3A_261 = tpu.memref_slice %arg11[%dma_start3A_259, %dma_start3A_260] : memref<80x80xf32, #tpu.memory_space<vmem>> -> memref<80x80xf32, #tpu.memory_space<vmem>>
      %dma_start3A_262 = arith.constant 0 : i32
      %dma_start3A_263 = tpu.memref_slice %arg12[%add3A_18, %dma_start3A_262] : memref<10240x80xf32, #tpu.memory_space<vmem_shared>> -> memref<80x80xf32, #tpu.memory_space<vmem_shared>>
      %dma_start3A_264 = arith.constant 0 : i32
      %dma_start3A_265 = tpu.memref_slice %arg12[%add3A_18, %dma_start3A_264] : memref<10240x80xf32, #tpu.memory_space<vmem_shared>> -> memref<80x80xf32, #tpu.memory_space<vmem_shared>>
      %dma_start3A_266 = arith.constant 0 : i32
      %dma_start3A_267 = arith.constant 0 : i32
      %dma_start3A_268 = tpu.memref_slice %arg11[%dma_start3A_266, %dma_start3A_267] : memref<80x80xf32, #tpu.memory_space<vmem>> -> memref<80x80xf32, #tpu.memory_space<vmem>>
      tpu.enqueue_dma source(%dma_start3A_268 : memref<80x80xf32, #tpu.memory_space<vmem>>) target(%dma_start3A_265 : memref<80x80xf32, #tpu.memory_space<vmem_shared>>) target_semaphore(%run_scoped3A : memref<!tpu.dma_semaphore, #tpu.memory_space<semaphore_mem>>)
      %dma_wait3A_269 = arith.constant 0 : i32
      %dma_wait3A_270 = arith.constant 0 : i32
      %dma_wait3A_271 = tpu.memref_slice %arg11[%dma_wait3A_269, %dma_wait3A_270] : memref<80x80xf32, #tpu.memory_space<vmem>> -> memref<80x80xf32, #tpu.memory_space<vmem>>
      %dma_wait3A_272 = arith.constant 0 : i32
      %dma_wait3A_273 = tpu.memref_slice %arg12[%add3A_18, %dma_wait3A_272] : memref<10240x80xf32, #tpu.memory_space<vmem_shared>> -> memref<80x80xf32, #tpu.memory_space<vmem_shared>>
      %dma_wait3A_274 = arith.constant 0 : i32
      %dma_wait3A_275 = tpu.memref_slice %arg12[%add3A_18, %dma_wait3A_274] : memref<10240x80xf32, #tpu.memory_space<vmem_shared>> -> memref<80x80xf32, #tpu.memory_space<vmem_shared>>
      %dma_wait3A_276 = arith.constant 0 : i32
      %dma_wait3A_277 = arith.constant 0 : i32
      %dma_wait3A_278 = tpu.memref_slice %arg11[%dma_wait3A_276, %dma_wait3A_277] : memref<80x80xf32, #tpu.memory_space<vmem>> -> memref<80x80xf32, #tpu.memory_space<vmem>>
      tpu.wait_dma2 semaphore(%run_scoped3A : memref<!tpu.dma_semaphore, #tpu.memory_space<semaphore_mem>>) src(%dma_wait3A_278 : memref<80x80xf32, #tpu.memory_space<vmem>>) dst(%dma_wait3A_275 : memref<80x80xf32, #tpu.memory_space<vmem_shared>>)
      tpu.yield
    }) : () -> ()
    %add3A_19 = arith.constant 320 : i32
    %add3A_20 = arith.addi %mul3A_10, %add3A_19 : i32
    "tpu.region"() ({
      %run_scoped3A = tpu.sem_alloc : memref<!tpu.dma_semaphore, #tpu.memory_space<semaphore_mem>>
      %dma_start3A_259 = arith.constant 0 : i32
      %dma_start3A_260 = arith.constant 0 : i32
      %dma_start3A_261 = tpu.memref_slice %arg11[%dma_start3A_259, %dma_start3A_260] : memref<80x80xf32, #tpu.memory_space<vmem>> -> memref<80x80xf32, #tpu.memory_space<vmem>>
      %dma_start3A_262 = arith.constant 0 : i32
      %dma_start3A_263 = tpu.memref_slice %arg12[%add3A_20, %dma_start3A_262] : memref<10240x80xf32, #tpu.memory_space<vmem_shared>> -> memref<80x80xf32, #tpu.memory_space<vmem_shared>>
      %dma_start3A_264 = arith.constant 0 : i32
      %dma_start3A_265 = tpu.memref_slice %arg12[%add3A_20, %dma_start3A_264] : memref<10240x80xf32, #tpu.memory_space<vmem_shared>> -> memref<80x80xf32, #tpu.memory_space<vmem_shared>>
      %dma_start3A_266 = arith.constant 0 : i32
      %dma_start3A_267 = arith.constant 0 : i32
      %dma_start3A_268 = tpu.memref_slice %arg11[%dma_start3A_266, %dma_start3A_267] : memref<80x80xf32, #tpu.memory_space<vmem>> -> memref<80x80xf32, #tpu.memory_space<vmem>>
      tpu.enqueue_dma source(%dma_start3A_268 : memref<80x80xf32, #tpu.memory_space<vmem>>) target(%dma_start3A_265 : memref<80x80xf32, #tpu.memory_space<vmem_shared>>) target_semaphore(%run_scoped3A : memref<!tpu.dma_semaphore, #tpu.memory_space<semaphore_mem>>)
      %dma_wait3A_269 = arith.constant 0 : i32
      %dma_wait3A_270 = arith.constant 0 : i32
      %dma_wait3A_271 = tpu.memref_slice %arg11[%dma_wait3A_269, %dma_wait3A_270] : memref<80x80xf32, #tpu.memory_space<vmem>> -> memref<80x80xf32, #tpu.memory_space<vmem>>
      %dma_wait3A_272 = arith.constant 0 : i32
      %dma_wait3A_273 = tpu.memref_slice %arg12[%add3A_20, %dma_wait3A_272] : memref<10240x80xf32, #tpu.memory_space<vmem_shared>> -> memref<80x80xf32, #tpu.memory_space<vmem_shared>>
      %dma_wait3A_274 = arith.constant 0 : i32
      %dma_wait3A_275 = tpu.memref_slice %arg12[%add3A_20, %dma_wait3A_274] : memref<10240x80xf32, #tpu.memory_space<vmem_shared>> -> memref<80x80xf32, #tpu.memory_space<vmem_shared>>
      %dma_wait3A_276 = arith.constant 0 : i32
      %dma_wait3A_277 = arith.constant 0 : i32
      %dma_wait3A_278 = tpu.memref_slice %arg11[%dma_wait3A_276, %dma_wait3A_277] : memref<80x80xf32, #tpu.memory_space<vmem>> -> memref<80x80xf32, #tpu.memory_space<vmem>>
      tpu.wait_dma2 semaphore(%run_scoped3A : memref<!tpu.dma_semaphore, #tpu.memory_space<semaphore_mem>>) src(%dma_wait3A_278 : memref<80x80xf32, #tpu.memory_space<vmem>>) dst(%dma_wait3A_275 : memref<80x80xf32, #tpu.memory_space<vmem_shared>>)
      tpu.yield
    }) : () -> ()
    %add3A_21 = arith.constant 400 : i32
    %add3A_22 = arith.addi %mul3A_10, %add3A_21 : i32
    "tpu.region"() ({
      %run_scoped3A = tpu.sem_alloc : memref<!tpu.dma_semaphore, #tpu.memory_space<semaphore_mem>>
      %dma_start3A_259 = arith.constant 0 : i32
      %dma_start3A_260 = arith.constant 0 : i32
      %dma_start3A_261 = tpu.memref_slice %arg11[%dma_start3A_259, %dma_start3A_260] : memref<80x80xf32, #tpu.memory_space<vmem>> -> memref<80x80xf32, #tpu.memory_space<vmem>>
      %dma_start3A_262 = arith.constant 0 : i32
      %dma_start3A_263 = tpu.memref_slice %arg12[%add3A_22, %dma_start3A_262] : memref<10240x80xf32, #tpu.memory_space<vmem_shared>> -> memref<80x80xf32, #tpu.memory_space<vmem_shared>>
      %dma_start3A_264 = arith.constant 0 : i32
      %dma_start3A_265 = tpu.memref_slice %arg12[%add3A_22, %dma_start3A_264] : memref<10240x80xf32, #tpu.memory_space<vmem_shared>> -> memref<80x80xf32, #tpu.memory_space<vmem_shared>>
      %dma_start3A_266 = arith.constant 0 : i32
      %dma_start3A_267 = arith.constant 0 : i32
      %dma_start3A_268 = tpu.memref_slice %arg11[%dma_start3A_266, %dma_start3A_267] : memref<80x80xf32, #tpu.memory_space<vmem>> -> memref<80x80xf32, #tpu.memory_space<vmem>>
      tpu.enqueue_dma source(%dma_start3A_268 : memref<80x80xf32, #tpu.memory_space<vmem>>) target(%dma_start3A_265 : memref<80x80xf32, #tpu.memory_space<vmem_shared>>) target_semaphore(%run_scoped3A : memref<!tpu.dma_semaphore, #tpu.memory_space<semaphore_mem>>)
      %dma_wait3A_269 = arith.constant 0 : i32
      %dma_wait3A_270 = arith.constant 0 : i32
      %dma_wait3A_271 = tpu.memref_slice %arg11[%dma_wait3A_269, %dma_wait3A_270] : memref<80x80xf32, #tpu.memory_space<vmem>> -> memref<80x80xf32, #tpu.memory_space<vmem>>
      %dma_wait3A_272 = arith.constant 0 : i32
      %dma_wait3A_273 = tpu.memref_slice %arg12[%add3A_22, %dma_wait3A_272] : memref<10240x80xf32, #tpu.memory_space<vmem_shared>> -> memref<80x80xf32, #tpu.memory_space<vmem_shared>>
      %dma_wait3A_274 = arith.constant 0 : i32
      %dma_wait3A_275 = tpu.memref_slice %arg12[%add3A_22, %dma_wait3A_274] : memref<10240x80xf32, #tpu.memory_space<vmem_shared>> -> memref<80x80xf32, #tpu.memory_space<vmem_shared>>
      %dma_wait3A_276 = arith.constant 0 : i32
      %dma_wait3A_277 = arith.constant 0 : i32
      %dma_wait3A_278 = tpu.memref_slice %arg11[%dma_wait3A_276, %dma_wait3A_277] : memref<80x80xf32, #tpu.memory_space<vmem>> -> memref<80x80xf32, #tpu.memory_space<vmem>>
      tpu.wait_dma2 semaphore(%run_scoped3A : memref<!tpu.dma_semaphore, #tpu.memory_space<semaphore_mem>>) src(%dma_wait3A_278 : memref<80x80xf32, #tpu.memory_space<vmem>>) dst(%dma_wait3A_275 : memref<80x80xf32, #tpu.memory_space<vmem_shared>>)
      tpu.yield
    }) : () -> ()
    %add3A_23 = arith.constant 480 : i32
    %add3A_24 = arith.addi %mul3A_10, %add3A_23 : i32
    "tpu.region"() ({
      %run_scoped3A = tpu.sem_alloc : memref<!tpu.dma_semaphore, #tpu.memory_space<semaphore_mem>>
      %dma_start3A_259 = arith.constant 0 : i32
      %dma_start3A_260 = arith.constant 0 : i32
      %dma_start3A_261 = tpu.memref_slice %arg11[%dma_start3A_259, %dma_start3A_260] : memref<80x80xf32, #tpu.memory_space<vmem>> -> memref<80x80xf32, #tpu.memory_space<vmem>>
      %dma_start3A_262 = arith.constant 0 : i32
      %dma_start3A_263 = tpu.memref_slice %arg12[%add3A_24, %dma_start3A_262] : memref<10240x80xf32, #tpu.memory_space<vmem_shared>> -> memref<80x80xf32, #tpu.memory_space<vmem_shared>>
      %dma_start3A_264 = arith.constant 0 : i32
      %dma_start3A_265 = tpu.memref_slice %arg12[%add3A_24, %dma_start3A_264] : memref<10240x80xf32, #tpu.memory_space<vmem_shared>> -> memref<80x80xf32, #tpu.memory_space<vmem_shared>>
      %dma_start3A_266 = arith.constant 0 : i32
      %dma_start3A_267 = arith.constant 0 : i32
      %dma_start3A_268 = tpu.memref_slice %arg11[%dma_start3A_266, %dma_start3A_267] : memref<80x80xf32, #tpu.memory_space<vmem>> -> memref<80x80xf32, #tpu.memory_space<vmem>>
      tpu.enqueue_dma source(%dma_start3A_268 : memref<80x80xf32, #tpu.memory_space<vmem>>) target(%dma_start3A_265 : memref<80x80xf32, #tpu.memory_space<vmem_shared>>) target_semaphore(%run_scoped3A : memref<!tpu.dma_semaphore, #tpu.memory_space<semaphore_mem>>)
      %dma_wait3A_269 = arith.constant 0 : i32
      %dma_wait3A_270 = arith.constant 0 : i32
      %dma_wait3A_271 = tpu.memref_slice %arg11[%dma_wait3A_269, %dma_wait3A_270] : memref<80x80xf32, #tpu.memory_space<vmem>> -> memref<80x80xf32, #tpu.memory_space<vmem>>
      %dma_wait3A_272 = arith.constant 0 : i32
      %dma_wait3A_273 = tpu.memref_slice %arg12[%add3A_24, %dma_wait3A_272] : memref<10240x80xf32, #tpu.memory_space<vmem_shared>> -> memref<80x80xf32, #tpu.memory_space<vmem_shared>>
      %dma_wait3A_274 = arith.constant 0 : i32
      %dma_wait3A_275 = tpu.memref_slice %arg12[%add3A_24, %dma_wait3A_274] : memref<10240x80xf32, #tpu.memory_space<vmem_shared>> -> memref<80x80xf32, #tpu.memory_space<vmem_shared>>
      %dma_wait3A_276 = arith.constant 0 : i32
      %dma_wait3A_277 = arith.constant 0 : i32
      %dma_wait3A_278 = tpu.memref_slice %arg11[%dma_wait3A_276, %dma_wait3A_277] : memref<80x80xf32, #tpu.memory_space<vmem>> -> memref<80x80xf32, #tpu.memory_space<vmem>>
      tpu.wait_dma2 semaphore(%run_scoped3A : memref<!tpu.dma_semaphore, #tpu.memory_space<semaphore_mem>>) src(%dma_wait3A_278 : memref<80x80xf32, #tpu.memory_space<vmem>>) dst(%dma_wait3A_275 : memref<80x80xf32, #tpu.memory_space<vmem_shared>>)
      tpu.yield
    }) : () -> ()
    %add3A_25 = arith.constant 560 : i32
    %add3A_26 = arith.addi %mul3A_10, %add3A_25 : i32
    "tpu.region"() ({
      %run_scoped3A = tpu.sem_alloc : memref<!tpu.dma_semaphore, #tpu.memory_space<semaphore_mem>>
      %dma_start3A_259 = arith.constant 0 : i32
      %dma_start3A_260 = arith.constant 0 : i32
      %dma_start3A_261 = tpu.memref_slice %arg11[%dma_start3A_259, %dma_start3A_260] : memref<80x80xf32, #tpu.memory_space<vmem>> -> memref<80x80xf32, #tpu.memory_space<vmem>>
      %dma_start3A_262 = arith.constant 0 : i32
      %dma_start3A_263 = tpu.memref_slice %arg12[%add3A_26, %dma_start3A_262] : memref<10240x80xf32, #tpu.memory_space<vmem_shared>> -> memref<80x80xf32, #tpu.memory_space<vmem_shared>>
      %dma_start3A_264 = arith.constant 0 : i32
      %dma_start3A_265 = tpu.memref_slice %arg12[%add3A_26, %dma_start3A_264] : memref<10240x80xf32, #tpu.memory_space<vmem_shared>> -> memref<80x80xf32, #tpu.memory_space<vmem_shared>>
      %dma_start3A_266 = arith.constant 0 : i32
      %dma_start3A_267 = arith.constant 0 : i32
      %dma_start3A_268 = tpu.memref_slice %arg11[%dma_start3A_266, %dma_start3A_267] : memref<80x80xf32, #tpu.memory_space<vmem>> -> memref<80x80xf32, #tpu.memory_space<vmem>>
      tpu.enqueue_dma source(%dma_start3A_268 : memref<80x80xf32, #tpu.memory_space<vmem>>) target(%dma_start3A_265 : memref<80x80xf32, #tpu.memory_space<vmem_shared>>) target_semaphore(%run_scoped3A : memref<!tpu.dma_semaphore, #tpu.memory_space<semaphore_mem>>)
      %dma_wait3A_269 = arith.constant 0 : i32
      %dma_wait3A_270 = arith.constant 0 : i32
      %dma_wait3A_271 = tpu.memref_slice %arg11[%dma_wait3A_269, %dma_wait3A_270] : memref<80x80xf32, #tpu.memory_space<vmem>> -> memref<80x80xf32, #tpu.memory_space<vmem>>
      %dma_wait3A_272 = arith.constant 0 : i32
      %dma_wait3A_273 = tpu.memref_slice %arg12[%add3A_26, %dma_wait3A_272] : memref<10240x80xf32, #tpu.memory_space<vmem_shared>> -> memref<80x80xf32, #tpu.memory_space<vmem_shared>>
      %dma_wait3A_274 = arith.constant 0 : i32
      %dma_wait3A_275 = tpu.memref_slice %arg12[%add3A_26, %dma_wait3A_274] : memref<10240x80xf32, #tpu.memory_space<vmem_shared>> -> memref<80x80xf32, #tpu.memory_space<vmem_shared>>
      %dma_wait3A_276 = arith.constant 0 : i32
      %dma_wait3A_277 = arith.constant 0 : i32
      %dma_wait3A_278 = tpu.memref_slice %arg11[%dma_wait3A_276, %dma_wait3A_277] : memref<80x80xf32, #tpu.memory_space<vmem>> -> memref<80x80xf32, #tpu.memory_space<vmem>>
      tpu.wait_dma2 semaphore(%run_scoped3A : memref<!tpu.dma_semaphore, #tpu.memory_space<semaphore_mem>>) src(%dma_wait3A_278 : memref<80x80xf32, #tpu.memory_space<vmem>>) dst(%dma_wait3A_275 : memref<80x80xf32, #tpu.memory_space<vmem_shared>>)
      tpu.yield
    }) : () -> ()
    %barrier3A = arith.constant 0 : index
    tpu.barrier barrier_id(%barrier3A)
    %add3A_27 = arith.constant 0 : i32
    %add3A_28 = arith.addi %mul3A_2, %add3A_27 : i32
    %multiple_of3A = tpu.assume_multiple %add3A_28, 8 : i32
    %dma_start3A = arith.constant 0 : i32
    %dma_start3A_29 = arith.constant 0 : i32
    %dma_start3A_30 = tpu.memref_slice %arg7[%dma_start3A, %dma_start3A_29] : memref<3x80xi32, #tpu.memory_space<vmem>> -> memref<1x80xi32, #tpu.memory_space<vmem>>
    %dma_start3A_31 = tpu.memref_squeeze %dma_start3A_30 : memref<1x80xi32, #tpu.memory_space<vmem>> -> memref<80xi32, #tpu.memory_space<vmem>>
    %dma_start3A_32 = tpu.memref_slice %arg3[%multiple_of3A] : memref<320000xi32, #tpu.memory_space<hbm>> -> memref<80xi32, #tpu.memory_space<hbm>>
    %dma_start3A_33 = arith.constant 0 : i32
    %dma_start3A_34 = tpu.memref_slice %arg7[%dma_start3A, %dma_start3A_33] : memref<3x80xi32, #tpu.memory_space<vmem>> -> memref<1x80xi32, #tpu.memory_space<vmem>>
    %dma_start3A_35 = tpu.memref_squeeze %dma_start3A_34 : memref<1x80xi32, #tpu.memory_space<vmem>> -> memref<80xi32, #tpu.memory_space<vmem>>
    %dma_start3A_36 = tpu.memref_slice %arg3[%multiple_of3A] : memref<320000xi32, #tpu.memory_space<hbm>> -> memref<80xi32, #tpu.memory_space<hbm>>
    tpu.enqueue_dma source(%dma_start3A_36 : memref<80xi32, #tpu.memory_space<hbm>>) target(%dma_start3A_35 : memref<80xi32, #tpu.memory_space<vmem>>) target_semaphore(%arg16 : memref<!tpu.dma_semaphore, #tpu.memory_space<semaphore_mem>>)
    %dma_start3A_37 = arith.constant 0 : i32
    %dma_start3A_38 = arith.constant 0 : i32
    %dma_start3A_39 = tpu.memref_slice %arg8[%dma_start3A_37, %dma_start3A_38] : memref<3x80xi32, #tpu.memory_space<vmem>> -> memref<1x80xi32, #tpu.memory_space<vmem>>
    %dma_start3A_40 = tpu.memref_squeeze %dma_start3A_39 : memref<1x80xi32, #tpu.memory_space<vmem>> -> memref<80xi32, #tpu.memory_space<vmem>>
    %dma_start3A_41 = tpu.memref_slice %arg4[%multiple_of3A] : memref<320000xi32, #tpu.memory_space<hbm>> -> memref<80xi32, #tpu.memory_space<hbm>>
    %dma_start3A_42 = arith.constant 0 : i32
    %dma_start3A_43 = tpu.memref_slice %arg8[%dma_start3A_37, %dma_start3A_42] : memref<3x80xi32, #tpu.memory_space<vmem>> -> memref<1x80xi32, #tpu.memory_space<vmem>>
    %dma_start3A_44 = tpu.memref_squeeze %dma_start3A_43 : memref<1x80xi32, #tpu.memory_space<vmem>> -> memref<80xi32, #tpu.memory_space<vmem>>
    %dma_start3A_45 = tpu.memref_slice %arg4[%multiple_of3A] : memref<320000xi32, #tpu.memory_space<hbm>> -> memref<80xi32, #tpu.memory_space<hbm>>
    tpu.enqueue_dma source(%dma_start3A_45 : memref<80xi32, #tpu.memory_space<hbm>>) target(%dma_start3A_44 : memref<80xi32, #tpu.memory_space<vmem>>) target_semaphore(%arg16 : memref<!tpu.dma_semaphore, #tpu.memory_space<semaphore_mem>>)
    %dma_start3A_46 = arith.constant 0 : i32
    %dma_start3A_47 = tpu.memref_slice %arg9[%dma_start3A_46] : memref<240xf32, #tpu.memory_space<vmem>> -> memref<80xf32, #tpu.memory_space<vmem>>
    %dma_start3A_48 = tpu.memref_slice %arg5[%multiple_of3A] : memref<320000xf32, #tpu.memory_space<hbm>> -> memref<80xf32, #tpu.memory_space<hbm>>
    %dma_start3A_49 = arith.constant 0 : i32
    %dma_start3A_50 = tpu.memref_slice %arg9[%dma_start3A_49] : memref<240xf32, #tpu.memory_space<vmem>> -> memref<80xf32, #tpu.memory_space<vmem>>
    %dma_start3A_51 = tpu.memref_slice %arg5[%multiple_of3A] : memref<320000xf32, #tpu.memory_space<hbm>> -> memref<80xf32, #tpu.memory_space<hbm>>
    tpu.enqueue_dma source(%dma_start3A_51 : memref<80xf32, #tpu.memory_space<hbm>>) target(%dma_start3A_50 : memref<80xf32, #tpu.memory_space<vmem>>) target_semaphore(%arg16 : memref<!tpu.dma_semaphore, #tpu.memory_space<semaphore_mem>>)
    %add3A_52 = arith.constant 0 : i32
    %add3A_53 = arith.addi %mul3A_2, %add3A_52 : i32
    %multiple_of3A_54 = tpu.assume_multiple %add3A_53, 8 : i32
    %dma_wait3A = arith.constant 0 : i32
    %dma_wait3A_55 = arith.constant 0 : i32
    %dma_wait3A_56 = tpu.memref_slice %arg7[%dma_wait3A, %dma_wait3A_55] : memref<3x80xi32, #tpu.memory_space<vmem>> -> memref<1x80xi32, #tpu.memory_space<vmem>>
    %dma_wait3A_57 = tpu.memref_squeeze %dma_wait3A_56 : memref<1x80xi32, #tpu.memory_space<vmem>> -> memref<80xi32, #tpu.memory_space<vmem>>
    %dma_wait3A_58 = tpu.memref_slice %arg3[%multiple_of3A_54] : memref<320000xi32, #tpu.memory_space<hbm>> -> memref<80xi32, #tpu.memory_space<hbm>>
    %dma_wait3A_59 = arith.constant 0 : i32
    %dma_wait3A_60 = tpu.memref_slice %arg7[%dma_wait3A, %dma_wait3A_59] : memref<3x80xi32, #tpu.memory_space<vmem>> -> memref<1x80xi32, #tpu.memory_space<vmem>>
    %dma_wait3A_61 = tpu.memref_squeeze %dma_wait3A_60 : memref<1x80xi32, #tpu.memory_space<vmem>> -> memref<80xi32, #tpu.memory_space<vmem>>
    %dma_wait3A_62 = tpu.memref_slice %arg3[%multiple_of3A_54] : memref<320000xi32, #tpu.memory_space<hbm>> -> memref<80xi32, #tpu.memory_space<hbm>>
    tpu.wait_dma2 semaphore(%arg16 : memref<!tpu.dma_semaphore, #tpu.memory_space<semaphore_mem>>) src(%dma_wait3A_62 : memref<80xi32, #tpu.memory_space<hbm>>) dst(%dma_wait3A_61 : memref<80xi32, #tpu.memory_space<vmem>>)
    %dma_wait3A_63 = arith.constant 0 : i32
    %dma_wait3A_64 = arith.constant 0 : i32
    %dma_wait3A_65 = tpu.memref_slice %arg8[%dma_wait3A_63, %dma_wait3A_64] : memref<3x80xi32, #tpu.memory_space<vmem>> -> memref<1x80xi32, #tpu.memory_space<vmem>>
    %dma_wait3A_66 = tpu.memref_squeeze %dma_wait3A_65 : memref<1x80xi32, #tpu.memory_space<vmem>> -> memref<80xi32, #tpu.memory_space<vmem>>
    %dma_wait3A_67 = tpu.memref_slice %arg4[%multiple_of3A_54] : memref<320000xi32, #tpu.memory_space<hbm>> -> memref<80xi32, #tpu.memory_space<hbm>>
    %dma_wait3A_68 = arith.constant 0 : i32
    %dma_wait3A_69 = tpu.memref_slice %arg8[%dma_wait3A_63, %dma_wait3A_68] : memref<3x80xi32, #tpu.memory_space<vmem>> -> memref<1x80xi32, #tpu.memory_space<vmem>>
    %dma_wait3A_70 = tpu.memref_squeeze %dma_wait3A_69 : memref<1x80xi32, #tpu.memory_space<vmem>> -> memref<80xi32, #tpu.memory_space<vmem>>
    %dma_wait3A_71 = tpu.memref_slice %arg4[%multiple_of3A_54] : memref<320000xi32, #tpu.memory_space<hbm>> -> memref<80xi32, #tpu.memory_space<hbm>>
    tpu.wait_dma2 semaphore(%arg16 : memref<!tpu.dma_semaphore, #tpu.memory_space<semaphore_mem>>) src(%dma_wait3A_71 : memref<80xi32, #tpu.memory_space<hbm>>) dst(%dma_wait3A_70 : memref<80xi32, #tpu.memory_space<vmem>>)
    %dma_wait3A_72 = arith.constant 0 : i32
    %dma_wait3A_73 = tpu.memref_slice %arg9[%dma_wait3A_72] : memref<240xf32, #tpu.memory_space<vmem>> -> memref<80xf32, #tpu.memory_space<vmem>>
    %dma_wait3A_74 = tpu.memref_slice %arg5[%multiple_of3A_54] : memref<320000xf32, #tpu.memory_space<hbm>> -> memref<80xf32, #tpu.memory_space<hbm>>
    %dma_wait3A_75 = arith.constant 0 : i32
    %dma_wait3A_76 = tpu.memref_slice %arg9[%dma_wait3A_75] : memref<240xf32, #tpu.memory_space<vmem>> -> memref<80xf32, #tpu.memory_space<vmem>>
    %dma_wait3A_77 = tpu.memref_slice %arg5[%multiple_of3A_54] : memref<320000xf32, #tpu.memory_space<hbm>> -> memref<80xf32, #tpu.memory_space<hbm>>
    tpu.wait_dma2 semaphore(%arg16 : memref<!tpu.dma_semaphore, #tpu.memory_space<semaphore_mem>>) src(%dma_wait3A_77 : memref<80xf32, #tpu.memory_space<hbm>>) dst(%dma_wait3A_76 : memref<80xf32, #tpu.memory_space<vmem>>)
    %dma_start3A_78 = arith.constant 0 : i32
    %dma_start3A_79 = arith.constant 0 : i32
    %dma_start3A_80 = arith.constant 0 : i32
    %dma_start3A_81 = arith.constant 0 : i32
    %dma_start3A_82 = tpu.memref_slice %arg10[%dma_start3A_79, %dma_start3A_80, %dma_start3A_81] : memref<3x80x80xf32, #tpu.memory_space<vmem>> -> memref<1x80x80xf32, #tpu.memory_space<vmem>>
    %dma_start3A_83 = tpu.memref_squeeze %dma_start3A_82 : memref<1x80x80xf32, #tpu.memory_space<vmem>> -> memref<80x80xf32, #tpu.memory_space<vmem>>
    %dma_start3A_84 = arith.constant 0 : i32
    %dma_start3A_85 = tpu.memref_slice %arg7[%dma_start3A_78, %dma_start3A_84] : memref<3x80xi32, #tpu.memory_space<vmem>> -> memref<1x80xi32, #tpu.memory_space<vmem>>
    %dma_start3A_86 = tpu.memref_squeeze %dma_start3A_85 : memref<1x80xi32, #tpu.memory_space<vmem>> -> memref<80xi32, #tpu.memory_space<vmem>>
    %dma_start3A_87 = arith.constant 0 : i32
    %dma_start3A_88 = arith.constant 0 : i32
    %dma_start3A_89 = tpu.memref_slice %arg2[%dma_start3A_87, %dma_start3A_88] : memref<80000x80xf32, #tpu.memory_space<hbm>> -> memref<80000x80xf32, #tpu.memory_space<hbm>>
    tpu.enqueue_indirect_dma source(%dma_start3A_89 : memref<80000x80xf32, #tpu.memory_space<hbm>>) target(%dma_start3A_83 : memref<80x80xf32, #tpu.memory_space<vmem>>) offsets(%dma_start3A_86 : memref<80xi32, #tpu.memory_space<vmem>>) semaphore(%arg13 : memref<!tpu.dma_semaphore, #tpu.memory_space<semaphore_mem>>)
    %add3A_90 = arith.constant 80 : i32
    %add3A_91 = arith.addi %mul3A_2, %add3A_90 : i32
    %multiple_of3A_92 = tpu.assume_multiple %add3A_91, 8 : i32
    %dma_start3A_93 = arith.constant 1 : i32
    %dma_start3A_94 = arith.constant 0 : i32
    %dma_start3A_95 = tpu.memref_slice %arg7[%dma_start3A_93, %dma_start3A_94] : memref<3x80xi32, #tpu.memory_space<vmem>> -> memref<1x80xi32, #tpu.memory_space<vmem>>
    %dma_start3A_96 = tpu.memref_squeeze %dma_start3A_95 : memref<1x80xi32, #tpu.memory_space<vmem>> -> memref<80xi32, #tpu.memory_space<vmem>>
    %dma_start3A_97 = tpu.memref_slice %arg3[%multiple_of3A_92] : memref<320000xi32, #tpu.memory_space<hbm>> -> memref<80xi32, #tpu.memory_space<hbm>>
    %dma_start3A_98 = arith.constant 0 : i32
    %dma_start3A_99 = tpu.memref_slice %arg7[%dma_start3A_93, %dma_start3A_98] : memref<3x80xi32, #tpu.memory_space<vmem>> -> memref<1x80xi32, #tpu.memory_space<vmem>>
    %dma_start3A_100 = tpu.memref_squeeze %dma_start3A_99 : memref<1x80xi32, #tpu.memory_space<vmem>> -> memref<80xi32, #tpu.memory_space<vmem>>
    %dma_start3A_101 = tpu.memref_slice %arg3[%multiple_of3A_92] : memref<320000xi32, #tpu.memory_space<hbm>> -> memref<80xi32, #tpu.memory_space<hbm>>
    tpu.enqueue_dma source(%dma_start3A_101 : memref<80xi32, #tpu.memory_space<hbm>>) target(%dma_start3A_100 : memref<80xi32, #tpu.memory_space<vmem>>) target_semaphore(%arg17 : memref<!tpu.dma_semaphore, #tpu.memory_space<semaphore_mem>>)
    %dma_start3A_102 = arith.constant 1 : i32
    %dma_start3A_103 = arith.constant 0 : i32
    %dma_start3A_104 = tpu.memref_slice %arg8[%dma_start3A_102, %dma_start3A_103] : memref<3x80xi32, #tpu.memory_space<vmem>> -> memref<1x80xi32, #tpu.memory_space<vmem>>
    %dma_start3A_105 = tpu.memref_squeeze %dma_start3A_104 : memref<1x80xi32, #tpu.memory_space<vmem>> -> memref<80xi32, #tpu.memory_space<vmem>>
    %dma_start3A_106 = tpu.memref_slice %arg4[%multiple_of3A_92] : memref<320000xi32, #tpu.memory_space<hbm>> -> memref<80xi32, #tpu.memory_space<hbm>>
    %dma_start3A_107 = arith.constant 0 : i32
    %dma_start3A_108 = tpu.memref_slice %arg8[%dma_start3A_102, %dma_start3A_107] : memref<3x80xi32, #tpu.memory_space<vmem>> -> memref<1x80xi32, #tpu.memory_space<vmem>>
    %dma_start3A_109 = tpu.memref_squeeze %dma_start3A_108 : memref<1x80xi32, #tpu.memory_space<vmem>> -> memref<80xi32, #tpu.memory_space<vmem>>
    %dma_start3A_110 = tpu.memref_slice %arg4[%multiple_of3A_92] : memref<320000xi32, #tpu.memory_space<hbm>> -> memref<80xi32, #tpu.memory_space<hbm>>
    tpu.enqueue_dma source(%dma_start3A_110 : memref<80xi32, #tpu.memory_space<hbm>>) target(%dma_start3A_109 : memref<80xi32, #tpu.memory_space<vmem>>) target_semaphore(%arg17 : memref<!tpu.dma_semaphore, #tpu.memory_space<semaphore_mem>>)
    %dma_start3A_111 = arith.constant 80 : i32
    %dma_start3A_112 = tpu.memref_slice %arg9[%dma_start3A_111] : memref<240xf32, #tpu.memory_space<vmem>> -> memref<80xf32, #tpu.memory_space<vmem>>
    %dma_start3A_113 = tpu.memref_slice %arg5[%multiple_of3A_92] : memref<320000xf32, #tpu.memory_space<hbm>> -> memref<80xf32, #tpu.memory_space<hbm>>
    %dma_start3A_114 = arith.constant 80 : i32
    %dma_start3A_115 = tpu.memref_slice %arg9[%dma_start3A_114] : memref<240xf32, #tpu.memory_space<vmem>> -> memref<80xf32, #tpu.memory_space<vmem>>
    %dma_start3A_116 = tpu.memref_slice %arg5[%multiple_of3A_92] : memref<320000xf32, #tpu.memory_space<hbm>> -> memref<80xf32, #tpu.memory_space<hbm>>
    tpu.enqueue_dma source(%dma_start3A_116 : memref<80xf32, #tpu.memory_space<hbm>>) target(%dma_start3A_115 : memref<80xf32, #tpu.memory_space<vmem>>) target_semaphore(%arg17 : memref<!tpu.dma_semaphore, #tpu.memory_space<semaphore_mem>>)
    %scan3A_117 = arith.constant 0 : i32
    %scan3A_118 = arith.constant 0 : i32
    %scan3A_119 = arith.constant 41 : i32
    %scan3A_120 = arith.addi %scan3A_118, %scan3A_119 : i32
    %scan3A_121 = arith.constant 1 : i32
    scf.for %scan3A_259 = %scan3A_118 to %scan3A_120 step %scan3A_121  : i32 {
      %mul3A_260 = arith.constant 3 : i32
      %mul3A_261 = arith.muli %scan3A_259, %mul3A_260 : i32
      %add3A_262 = arith.constant 0 : i32
      %add3A_263 = arith.addi %mul3A_261, %add3A_262 : i32
      %add3A_264 = arith.constant 1 : i32
      %add3A_265 = arith.addi %add3A_263, %add3A_264 : i32
      %mul3A_266 = arith.constant 80 : i32
      %mul3A_267 = arith.muli %add3A_265, %mul3A_266 : i32
      %add3A_268 = arith.addi %mul3A_2, %mul3A_267 : i32
      %multiple_of3A_269 = tpu.assume_multiple %add3A_268, 8 : i32
      %dma_wait3A_270 = arith.constant 1 : i32
      %dma_wait3A_271 = arith.constant 0 : i32
      %dma_wait3A_272 = tpu.memref_slice %arg7[%dma_wait3A_270, %dma_wait3A_271] : memref<3x80xi32, #tpu.memory_space<vmem>> -> memref<1x80xi32, #tpu.memory_space<vmem>>
      %dma_wait3A_273 = tpu.memref_squeeze %dma_wait3A_272 : memref<1x80xi32, #tpu.memory_space<vmem>> -> memref<80xi32, #tpu.memory_space<vmem>>
      %dma_wait3A_274 = tpu.memref_slice %arg3[%multiple_of3A_269] : memref<320000xi32, #tpu.memory_space<hbm>> -> memref<80xi32, #tpu.memory_space<hbm>>
      %dma_wait3A_275 = arith.constant 0 : i32
      %dma_wait3A_276 = tpu.memref_slice %arg7[%dma_wait3A_270, %dma_wait3A_275] : memref<3x80xi32, #tpu.memory_space<vmem>> -> memref<1x80xi32, #tpu.memory_space<vmem>>
      %dma_wait3A_277 = tpu.memref_squeeze %dma_wait3A_276 : memref<1x80xi32, #tpu.memory_space<vmem>> -> memref<80xi32, #tpu.memory_space<vmem>>
      %dma_wait3A_278 = tpu.memref_slice %arg3[%multiple_of3A_269] : memref<320000xi32, #tpu.memory_space<hbm>> -> memref<80xi32, #tpu.memory_space<hbm>>
      tpu.wait_dma2 semaphore(%arg17 : memref<!tpu.dma_semaphore, #tpu.memory_space<semaphore_mem>>) src(%dma_wait3A_278 : memref<80xi32, #tpu.memory_space<hbm>>) dst(%dma_wait3A_277 : memref<80xi32, #tpu.memory_space<vmem>>)
      %dma_wait3A_279 = arith.constant 1 : i32
      %dma_wait3A_280 = arith.constant 0 : i32
      %dma_wait3A_281 = tpu.memref_slice %arg8[%dma_wait3A_279, %dma_wait3A_280] : memref<3x80xi32, #tpu.memory_space<vmem>> -> memref<1x80xi32, #tpu.memory_space<vmem>>
      %dma_wait3A_282 = tpu.memref_squeeze %dma_wait3A_281 : memref<1x80xi32, #tpu.memory_space<vmem>> -> memref<80xi32, #tpu.memory_space<vmem>>
      %dma_wait3A_283 = tpu.memref_slice %arg4[%multiple_of3A_269] : memref<320000xi32, #tpu.memory_space<hbm>> -> memref<80xi32, #tpu.memory_space<hbm>>
      %dma_wait3A_284 = arith.constant 0 : i32
      %dma_wait3A_285 = tpu.memref_slice %arg8[%dma_wait3A_279, %dma_wait3A_284] : memref<3x80xi32, #tpu.memory_space<vmem>> -> memref<1x80xi32, #tpu.memory_space<vmem>>
      %dma_wait3A_286 = tpu.memref_squeeze %dma_wait3A_285 : memref<1x80xi32, #tpu.memory_space<vmem>> -> memref<80xi32, #tpu.memory_space<vmem>>
      %dma_wait3A_287 = tpu.memref_slice %arg4[%multiple_of3A_269] : memref<320000xi32, #tpu.memory_space<hbm>> -> memref<80xi32, #tpu.memory_space<hbm>>
      tpu.wait_dma2 semaphore(%arg17 : memref<!tpu.dma_semaphore, #tpu.memory_space<semaphore_mem>>) src(%dma_wait3A_287 : memref<80xi32, #tpu.memory_space<hbm>>) dst(%dma_wait3A_286 : memref<80xi32, #tpu.memory_space<vmem>>)
      %dma_wait3A_288 = arith.constant 80 : i32
      %dma_wait3A_289 = tpu.memref_slice %arg9[%dma_wait3A_288] : memref<240xf32, #tpu.memory_space<vmem>> -> memref<80xf32, #tpu.memory_space<vmem>>
      %dma_wait3A_290 = tpu.memref_slice %arg5[%multiple_of3A_269] : memref<320000xf32, #tpu.memory_space<hbm>> -> memref<80xf32, #tpu.memory_space<hbm>>
      %dma_wait3A_291 = arith.constant 80 : i32
      %dma_wait3A_292 = tpu.memref_slice %arg9[%dma_wait3A_291] : memref<240xf32, #tpu.memory_space<vmem>> -> memref<80xf32, #tpu.memory_space<vmem>>
      %dma_wait3A_293 = tpu.memref_slice %arg5[%multiple_of3A_269] : memref<320000xf32, #tpu.memory_space<hbm>> -> memref<80xf32, #tpu.memory_space<hbm>>
      tpu.wait_dma2 semaphore(%arg17 : memref<!tpu.dma_semaphore, #tpu.memory_space<semaphore_mem>>) src(%dma_wait3A_293 : memref<80xf32, #tpu.memory_space<hbm>>) dst(%dma_wait3A_292 : memref<80xf32, #tpu.memory_space<vmem>>)
      %dma_start3A_294 = arith.constant 1 : i32
      %dma_start3A_295 = arith.constant 1 : i32
      %dma_start3A_296 = arith.constant 0 : i32
      %dma_start3A_297 = arith.constant 0 : i32
      %dma_start3A_298 = tpu.memref_slice %arg10[%dma_start3A_295, %dma_start3A_296, %dma_start3A_297] : memref<3x80x80xf32, #tpu.memory_space<vmem>> -> memref<1x80x80xf32, #tpu.memory_space<vmem>>
      %dma_start3A_299 = tpu.memref_squeeze %dma_start3A_298 : memref<1x80x80xf32, #tpu.memory_space<vmem>> -> memref<80x80xf32, #tpu.memory_space<vmem>>
      %dma_start3A_300 = arith.constant 0 : i32
      %dma_start3A_301 = tpu.memref_slice %arg7[%dma_start3A_294, %dma_start3A_300] : memref<3x80xi32, #tpu.memory_space<vmem>> -> memref<1x80xi32, #tpu.memory_space<vmem>>
      %dma_start3A_302 = tpu.memref_squeeze %dma_start3A_301 : memref<1x80xi32, #tpu.memory_space<vmem>> -> memref<80xi32, #tpu.memory_space<vmem>>
      %dma_start3A_303 = arith.constant 0 : i32
      %dma_start3A_304 = arith.constant 0 : i32
      %dma_start3A_305 = tpu.memref_slice %arg2[%dma_start3A_303, %dma_start3A_304] : memref<80000x80xf32, #tpu.memory_space<hbm>> -> memref<80000x80xf32, #tpu.memory_space<hbm>>
      tpu.enqueue_indirect_dma source(%dma_start3A_305 : memref<80000x80xf32, #tpu.memory_space<hbm>>) target(%dma_start3A_299 : memref<80x80xf32, #tpu.memory_space<vmem>>) offsets(%dma_start3A_302 : memref<80xi32, #tpu.memory_space<vmem>>) semaphore(%arg14 : memref<!tpu.dma_semaphore, #tpu.memory_space<semaphore_mem>>)
      %ge3A = arith.constant 1 : i32
      %ge3A_306 = arith.cmpi sge, %add3A_263, %ge3A : i32
      %convert_element_type3A = arith.extui %ge3A_306 : i1 to i32
      %cond3A = arith.constant 0 : i32
      %cond3A_307 = arith.cmpi ne, %convert_element_type3A, %cond3A : i32
      scf.if %cond3A_307 {
        %dma_wait3A_586 = arith.constant 2 : i32
        %dma_wait3A_587 = arith.constant 2 : i32
        %dma_wait3A_588 = arith.constant 0 : i32
        %dma_wait3A_589 = arith.constant 0 : i32
        %dma_wait3A_590 = tpu.memref_slice %arg10[%dma_wait3A_586, %dma_wait3A_588, %dma_wait3A_589] : memref<3x80x80xf32, #tpu.memory_space<vmem>> -> memref<1x80x80xf32, #tpu.memory_space<vmem>>
        %dma_wait3A_591 = tpu.memref_squeeze %dma_wait3A_590 : memref<1x80x80xf32, #tpu.memory_space<vmem>> -> memref<80x80xf32, #tpu.memory_space<vmem>>
        %dma_wait3A_592 = arith.constant 0 : i32
        %dma_wait3A_593 = tpu.memref_slice %arg8[%dma_wait3A_587, %dma_wait3A_592] : memref<3x80xi32, #tpu.memory_space<vmem>> -> memref<1x80xi32, #tpu.memory_space<vmem>>
        %dma_wait3A_594 = tpu.memref_squeeze %dma_wait3A_593 : memref<1x80xi32, #tpu.memory_space<vmem>> -> memref<80xi32, #tpu.memory_space<vmem>>
        %dma_wait3A_595 = arith.constant 0 : i32
        %dma_wait3A_596 = arith.constant 0 : i32
        %dma_wait3A_597 = tpu.memref_slice %arg12[%dma_wait3A_595, %dma_wait3A_596] : memref<10240x80xf32, #tpu.memory_space<vmem_shared>> -> memref<10240x80xf32, #tpu.memory_space<vmem_shared>>
        tpu.wait_indirect_dma semaphore(%arg21 : memref<!tpu.dma_semaphore, #tpu.memory_space<semaphore_mem>>) src(%dma_wait3A_591 : memref<80x80xf32, #tpu.memory_space<vmem>>) dst(%dma_wait3A_597 : memref<10240x80xf32, #tpu.memory_space<vmem_shared>>)
      } else {
      }
      %add3A_308 = arith.constant 2 : i32
      %add3A_309 = arith.addi %add3A_263, %add3A_308 : i32
      %mul3A_310 = arith.constant 80 : i32
      %mul3A_311 = arith.muli %add3A_309, %mul3A_310 : i32
      %add3A_312 = arith.addi %mul3A_2, %mul3A_311 : i32
      %multiple_of3A_313 = tpu.assume_multiple %add3A_312, 8 : i32
      %dma_start3A_314 = arith.constant 2 : i32
      %dma_start3A_315 = arith.constant 0 : i32
      %dma_start3A_316 = tpu.memref_slice %arg7[%dma_start3A_314, %dma_start3A_315] : memref<3x80xi32, #tpu.memory_space<vmem>> -> memref<1x80xi32, #tpu.memory_space<vmem>>
      %dma_start3A_317 = tpu.memref_squeeze %dma_start3A_316 : memref<1x80xi32, #tpu.memory_space<vmem>> -> memref<80xi32, #tpu.memory_space<vmem>>
      %dma_start3A_318 = tpu.memref_slice %arg3[%multiple_of3A_313] : memref<320000xi32, #tpu.memory_space<hbm>> -> memref<80xi32, #tpu.memory_space<hbm>>
      %dma_start3A_319 = arith.constant 0 : i32
      %dma_start3A_320 = tpu.memref_slice %arg7[%dma_start3A_314, %dma_start3A_319] : memref<3x80xi32, #tpu.memory_space<vmem>> -> memref<1x80xi32, #tpu.memory_space<vmem>>
      %dma_start3A_321 = tpu.memref_squeeze %dma_start3A_320 : memref<1x80xi32, #tpu.memory_space<vmem>> -> memref<80xi32, #tpu.memory_space<vmem>>
      %dma_start3A_322 = tpu.memref_slice %arg3[%multiple_of3A_313] : memref<320000xi32, #tpu.memory_space<hbm>> -> memref<80xi32, #tpu.memory_space<hbm>>
      tpu.enqueue_dma source(%dma_start3A_322 : memref<80xi32, #tpu.memory_space<hbm>>) target(%dma_start3A_321 : memref<80xi32, #tpu.memory_space<vmem>>) target_semaphore(%arg18 : memref<!tpu.dma_semaphore, #tpu.memory_space<semaphore_mem>>)
      %dma_start3A_323 = arith.constant 2 : i32
      %dma_start3A_324 = arith.constant 0 : i32
      %dma_start3A_325 = tpu.memref_slice %arg8[%dma_start3A_323, %dma_start3A_324] : memref<3x80xi32, #tpu.memory_space<vmem>> -> memref<1x80xi32, #tpu.memory_space<vmem>>
      %dma_start3A_326 = tpu.memref_squeeze %dma_start3A_325 : memref<1x80xi32, #tpu.memory_space<vmem>> -> memref<80xi32, #tpu.memory_space<vmem>>
      %dma_start3A_327 = tpu.memref_slice %arg4[%multiple_of3A_313] : memref<320000xi32, #tpu.memory_space<hbm>> -> memref<80xi32, #tpu.memory_space<hbm>>
      %dma_start3A_328 = arith.constant 0 : i32
      %dma_start3A_329 = tpu.memref_slice %arg8[%dma_start3A_323, %dma_start3A_328] : memref<3x80xi32, #tpu.memory_space<vmem>> -> memref<1x80xi32, #tpu.memory_space<vmem>>
      %dma_start3A_330 = tpu.memref_squeeze %dma_start3A_329 : memref<1x80xi32, #tpu.memory_space<vmem>> -> memref<80xi32, #tpu.memory_space<vmem>>
      %dma_start3A_331 = tpu.memref_slice %arg4[%multiple_of3A_313] : memref<320000xi32, #tpu.memory_space<hbm>> -> memref<80xi32, #tpu.memory_space<hbm>>
      tpu.enqueue_dma source(%dma_start3A_331 : memref<80xi32, #tpu.memory_space<hbm>>) target(%dma_start3A_330 : memref<80xi32, #tpu.memory_space<vmem>>) target_semaphore(%arg18 : memref<!tpu.dma_semaphore, #tpu.memory_space<semaphore_mem>>)
      %dma_start3A_332 = arith.constant 160 : i32
      %dma_start3A_333 = tpu.memref_slice %arg9[%dma_start3A_332] : memref<240xf32, #tpu.memory_space<vmem>> -> memref<80xf32, #tpu.memory_space<vmem>>
      %dma_start3A_334 = tpu.memref_slice %arg5[%multiple_of3A_313] : memref<320000xf32, #tpu.memory_space<hbm>> -> memref<80xf32, #tpu.memory_space<hbm>>
      %dma_start3A_335 = arith.constant 160 : i32
      %dma_start3A_336 = tpu.memref_slice %arg9[%dma_start3A_335] : memref<240xf32, #tpu.memory_space<vmem>> -> memref<80xf32, #tpu.memory_space<vmem>>
      %dma_start3A_337 = tpu.memref_slice %arg5[%multiple_of3A_313] : memref<320000xf32, #tpu.memory_space<hbm>> -> memref<80xf32, #tpu.memory_space<hbm>>
      tpu.enqueue_dma source(%dma_start3A_337 : memref<80xf32, #tpu.memory_space<hbm>>) target(%dma_start3A_336 : memref<80xf32, #tpu.memory_space<vmem>>) target_semaphore(%arg18 : memref<!tpu.dma_semaphore, #tpu.memory_space<semaphore_mem>>)
      %dma_wait3A_338 = arith.constant 0 : i32
      %dma_wait3A_339 = arith.constant 0 : i32
      %dma_wait3A_340 = arith.constant 0 : i32
      %dma_wait3A_341 = arith.constant 0 : i32
      %dma_wait3A_342 = tpu.memref_slice %arg10[%dma_wait3A_339, %dma_wait3A_340, %dma_wait3A_341] : memref<3x80x80xf32, #tpu.memory_space<vmem>> -> memref<1x80x80xf32, #tpu.memory_space<vmem>>
      %dma_wait3A_343 = tpu.memref_squeeze %dma_wait3A_342 : memref<1x80x80xf32, #tpu.memory_space<vmem>> -> memref<80x80xf32, #tpu.memory_space<vmem>>
      %dma_wait3A_344 = arith.constant 0 : i32
      %dma_wait3A_345 = tpu.memref_slice %arg7[%dma_wait3A_338, %dma_wait3A_344] : memref<3x80xi32, #tpu.memory_space<vmem>> -> memref<1x80xi32, #tpu.memory_space<vmem>>
      %dma_wait3A_346 = tpu.memref_squeeze %dma_wait3A_345 : memref<1x80xi32, #tpu.memory_space<vmem>> -> memref<80xi32, #tpu.memory_space<vmem>>
      %dma_wait3A_347 = arith.constant 0 : i32
      %dma_wait3A_348 = arith.constant 0 : i32
      %dma_wait3A_349 = tpu.memref_slice %arg2[%dma_wait3A_347, %dma_wait3A_348] : memref<80000x80xf32, #tpu.memory_space<hbm>> -> memref<80000x80xf32, #tpu.memory_space<hbm>>
      tpu.wait_indirect_dma semaphore(%arg13 : memref<!tpu.dma_semaphore, #tpu.memory_space<semaphore_mem>>) src(%dma_wait3A_349 : memref<80000x80xf32, #tpu.memory_space<hbm>>) dst(%dma_wait3A_343 : memref<80x80xf32, #tpu.memory_space<vmem>>)
      %scan3A_350 = arith.constant 0 : i32
      %scan3A_351 = arith.constant 0 : i32
      %scan3A_352 = arith.constant 20 : i32
      %scan3A_353 = arith.addi %scan3A_351, %scan3A_352 : i32
      %scan3A_354 = arith.constant 1 : i32
      scf.for %scan3A_586 = %scan3A_351 to %scan3A_353 step %scan3A_354  : i32 {
        %mul3A_587 = arith.constant 4 : i32
        %mul3A_588 = arith.muli %scan3A_586, %mul3A_587 : i32
        %add3A_589 = arith.constant 0 : i32
        %add3A_590 = arith.addi %mul3A_588, %add3A_589 : i32
        %broadcast_in_dim3A_591 = arith.constant 0 : i32
        %broadcast_in_dim3A_592 = vector.broadcast %broadcast_in_dim3A_591 : i32 to vector<16xi32>
        %broadcast_in_dim3A_593 = vector.broadcast %add3A_590 : i32 to vector<16xi32>
        %add3A_594 = arith.addi %broadcast_in_dim3A_592, %broadcast_in_dim3A_593 : vector<16xi32>
        %gather3A = tpu.vector_load_idx %arg9[%add3A_594] : memref<240xf32, #tpu.memory_space<vmem>>[vector<16xi32>], vector<16xf32>,
        %get3A = arith.constant 0 : i32
        %get3A_595 = arith.index_cast %get3A : i32 to index
        %get3A_596 = arith.index_cast %add3A_590 : i32 to index
        %get3A_597 = arith.constant 0 : index
        %get3A_598 = tpu.vector_load %arg10[%get3A_595, %get3A_596, %get3A_597] {strides = array<i32>} : memref<3x80x80xf32, #tpu.memory_space<vmem>>, vector<16xf32>,
        %mul3A_599 = arith.mulf %get3A_598, %gather3A : vector<16xf32>
        %swap3A = arith.constant 0 : i32
        %swap3A_600 = arith.index_cast %swap3A : i32 to index
        %swap3A_601 = arith.index_cast %add3A_590 : i32 to index
        %swap3A_602 = arith.constant 0 : index
        %swap3A_603 = tpu.vector_load %arg10[%swap3A_600, %swap3A_601, %swap3A_602] {strides = array<i32>} : memref<3x80x80xf32, #tpu.memory_space<vmem>>, vector<16xf32>,
        tpu.vector_store %arg10[%swap3A_600, %swap3A_601, %swap3A_602], %mul3A_599 {strides = array<i32>} : memref<3x80x80xf32, #tpu.memory_space<vmem>>, vector<16xf32>,
        %get3A_604 = arith.constant 0 : i32
        %get3A_605 = arith.index_cast %get3A_604 : i32 to index
        %get3A_606 = arith.index_cast %add3A_590 : i32 to index
        %get3A_607 = arith.constant 16 : index
        %get3A_608 = tpu.vector_load %arg10[%get3A_605, %get3A_606, %get3A_607] {strides = array<i32>} : memref<3x80x80xf32, #tpu.memory_space<vmem>>, vector<16xf32>,
        %mul3A_609 = arith.mulf %get3A_608, %gather3A : vector<16xf32>
        %swap3A_610 = arith.constant 0 : i32
        %swap3A_611 = arith.index_cast %swap3A_610 : i32 to index
        %swap3A_612 = arith.index_cast %add3A_590 : i32 to index
        %swap3A_613 = arith.constant 16 : index
        %swap3A_614 = tpu.vector_load %arg10[%swap3A_611, %swap3A_612, %swap3A_613] {strides = array<i32>} : memref<3x80x80xf32, #tpu.memory_space<vmem>>, vector<16xf32>,
        tpu.vector_store %arg10[%swap3A_611, %swap3A_612, %swap3A_613], %mul3A_609 {strides = array<i32>} : memref<3x80x80xf32, #tpu.memory_space<vmem>>, vector<16xf32>,
        %get3A_615 = arith.constant 0 : i32
        %get3A_616 = arith.index_cast %get3A_615 : i32 to index
        %get3A_617 = arith.index_cast %add3A_590 : i32 to index
        %get3A_618 = arith.constant 32 : index
        %get3A_619 = tpu.vector_load %arg10[%get3A_616, %get3A_617, %get3A_618] {strides = array<i32>} : memref<3x80x80xf32, #tpu.memory_space<vmem>>, vector<16xf32>,
        %mul3A_620 = arith.mulf %get3A_619, %gather3A : vector<16xf32>
        %swap3A_621 = arith.constant 0 : i32
        %swap3A_622 = arith.index_cast %swap3A_621 : i32 to index
        %swap3A_623 = arith.index_cast %add3A_590 : i32 to index
        %swap3A_624 = arith.constant 32 : index
        %swap3A_625 = tpu.vector_load %arg10[%swap3A_622, %swap3A_623, %swap3A_624] {strides = array<i32>} : memref<3x80x80xf32, #tpu.memory_space<vmem>>, vector<16xf32>,
        tpu.vector_store %arg10[%swap3A_622, %swap3A_623, %swap3A_624], %mul3A_620 {strides = array<i32>} : memref<3x80x80xf32, #tpu.memory_space<vmem>>, vector<16xf32>,
        %get3A_626 = arith.constant 0 : i32
        %get3A_627 = arith.index_cast %get3A_626 : i32 to index
        %get3A_628 = arith.index_cast %add3A_590 : i32 to index
        %get3A_629 = arith.constant 48 : index
        %get3A_630 = tpu.vector_load %arg10[%get3A_627, %get3A_628, %get3A_629] {strides = array<i32>} : memref<3x80x80xf32, #tpu.memory_space<vmem>>, vector<16xf32>,
        %mul3A_631 = arith.mulf %get3A_630, %gather3A : vector<16xf32>
        %swap3A_632 = arith.constant 0 : i32
        %swap3A_633 = arith.index_cast %swap3A_632 : i32 to index
        %swap3A_634 = arith.index_cast %add3A_590 : i32 to index
        %swap3A_635 = arith.constant 48 : index
        %swap3A_636 = tpu.vector_load %arg10[%swap3A_633, %swap3A_634, %swap3A_635] {strides = array<i32>} : memref<3x80x80xf32, #tpu.memory_space<vmem>>, vector<16xf32>,
        tpu.vector_store %arg10[%swap3A_633, %swap3A_634, %swap3A_635], %mul3A_631 {strides = array<i32>} : memref<3x80x80xf32, #tpu.memory_space<vmem>>, vector<16xf32>,
        %get3A_637 = arith.constant 0 : i32
        %get3A_638 = arith.index_cast %get3A_637 : i32 to index
        %get3A_639 = arith.index_cast %add3A_590 : i32 to index
        %get3A_640 = arith.constant 64 : index
        %get3A_641 = tpu.vector_load %arg10[%get3A_638, %get3A_639, %get3A_640] {strides = array<i32>} : memref<3x80x80xf32, #tpu.memory_space<vmem>>, vector<16xf32>,
        %mul3A_642 = arith.mulf %get3A_641, %gather3A : vector<16xf32>
        %swap3A_643 = arith.constant 0 : i32
        %swap3A_644 = arith.index_cast %swap3A_643 : i32 to index
        %swap3A_645 = arith.index_cast %add3A_590 : i32 to index
        %swap3A_646 = arith.constant 64 : index
        %swap3A_647 = tpu.vector_load %arg10[%swap3A_644, %swap3A_645, %swap3A_646] {strides = array<i32>} : memref<3x80x80xf32, #tpu.memory_space<vmem>>, vector<16xf32>,
        tpu.vector_store %arg10[%swap3A_644, %swap3A_645, %swap3A_646], %mul3A_642 {strides = array<i32>} : memref<3x80x80xf32, #tpu.memory_space<vmem>>, vector<16xf32>,
        %mul3A_648 = arith.constant 4 : i32
        %mul3A_649 = arith.muli %scan3A_586, %mul3A_648 : i32
        %add3A_650 = arith.constant 1 : i32
        %add3A_651 = arith.addi %mul3A_649, %add3A_650 : i32
        %broadcast_in_dim3A_652 = arith.constant 0 : i32
        %broadcast_in_dim3A_653 = vector.broadcast %broadcast_in_dim3A_652 : i32 to vector<16xi32>
        %broadcast_in_dim3A_654 = vector.broadcast %add3A_651 : i32 to vector<16xi32>
        %add3A_655 = arith.addi %broadcast_in_dim3A_653, %broadcast_in_dim3A_654 : vector<16xi32>
        %gather3A_656 = tpu.vector_load_idx %arg9[%add3A_655] : memref<240xf32, #tpu.memory_space<vmem>>[vector<16xi32>], vector<16xf32>,
        %get3A_657 = arith.constant 0 : i32
        %get3A_658 = arith.index_cast %get3A_657 : i32 to index
        %get3A_659 = arith.index_cast %add3A_651 : i32 to index
        %get3A_660 = arith.constant 0 : index
        %get3A_661 = tpu.vector_load %arg10[%get3A_658, %get3A_659, %get3A_660] {strides = array<i32>} : memref<3x80x80xf32, #tpu.memory_space<vmem>>, vector<16xf32>,
        %mul3A_662 = arith.mulf %get3A_661, %gather3A_656 : vector<16xf32>
        %swap3A_663 = arith.constant 0 : i32
        %swap3A_664 = arith.index_cast %swap3A_663 : i32 to index
        %swap3A_665 = arith.index_cast %add3A_651 : i32 to index
        %swap3A_666 = arith.constant 0 : index
        %swap3A_667 = tpu.vector_load %arg10[%swap3A_664, %swap3A_665, %swap3A_666] {strides = array<i32>} : memref<3x80x80xf32, #tpu.memory_space<vmem>>, vector<16xf32>,
        tpu.vector_store %arg10[%swap3A_664, %swap3A_665, %swap3A_666], %mul3A_662 {strides = array<i32>} : memref<3x80x80xf32, #tpu.memory_space<vmem>>, vector<16xf32>,
        %get3A_668 = arith.constant 0 : i32
        %get3A_669 = arith.index_cast %get3A_668 : i32 to index
        %get3A_670 = arith.index_cast %add3A_651 : i32 to index
        %get3A_671 = arith.constant 16 : index
        %get3A_672 = tpu.vector_load %arg10[%get3A_669, %get3A_670, %get3A_671] {strides = array<i32>} : memref<3x80x80xf32, #tpu.memory_space<vmem>>, vector<16xf32>,
        %mul3A_673 = arith.mulf %get3A_672, %gather3A_656 : vector<16xf32>
        %swap3A_674 = arith.constant 0 : i32
        %swap3A_675 = arith.index_cast %swap3A_674 : i32 to index
        %swap3A_676 = arith.index_cast %add3A_651 : i32 to index
        %swap3A_677 = arith.constant 16 : index
        %swap3A_678 = tpu.vector_load %arg10[%swap3A_675, %swap3A_676, %swap3A_677] {strides = array<i32>} : memref<3x80x80xf32, #tpu.memory_space<vmem>>, vector<16xf32>,
        tpu.vector_store %arg10[%swap3A_675, %swap3A_676, %swap3A_677], %mul3A_673 {strides = array<i32>} : memref<3x80x80xf32, #tpu.memory_space<vmem>>, vector<16xf32>,
        %get3A_679 = arith.constant 0 : i32
        %get3A_680 = arith.index_cast %get3A_679 : i32 to index
        %get3A_681 = arith.index_cast %add3A_651 : i32 to index
        %get3A_682 = arith.constant 32 : index
        %get3A_683 = tpu.vector_load %arg10[%get3A_680, %get3A_681, %get3A_682] {strides = array<i32>} : memref<3x80x80xf32, #tpu.memory_space<vmem>>, vector<16xf32>,
        %mul3A_684 = arith.mulf %get3A_683, %gather3A_656 : vector<16xf32>
        %swap3A_685 = arith.constant 0 : i32
        %swap3A_686 = arith.index_cast %swap3A_685 : i32 to index
        %swap3A_687 = arith.index_cast %add3A_651 : i32 to index
        %swap3A_688 = arith.constant 32 : index
        %swap3A_689 = tpu.vector_load %arg10[%swap3A_686, %swap3A_687, %swap3A_688] {strides = array<i32>} : memref<3x80x80xf32, #tpu.memory_space<vmem>>, vector<16xf32>,
        tpu.vector_store %arg10[%swap3A_686, %swap3A_687, %swap3A_688], %mul3A_684 {strides = array<i32>} : memref<3x80x80xf32, #tpu.memory_space<vmem>>, vector<16xf32>,
        %get3A_690 = arith.constant 0 : i32
        %get3A_691 = arith.index_cast %get3A_690 : i32 to index
        %get3A_692 = arith.index_cast %add3A_651 : i32 to index
        %get3A_693 = arith.constant 48 : index
        %get3A_694 = tpu.vector_load %arg10[%get3A_691, %get3A_692, %get3A_693] {strides = array<i32>} : memref<3x80x80xf32, #tpu.memory_space<vmem>>, vector<16xf32>,
        %mul3A_695 = arith.mulf %get3A_694, %gather3A_656 : vector<16xf32>
        %swap3A_696 = arith.constant 0 : i32
        %swap3A_697 = arith.index_cast %swap3A_696 : i32 to index
        %swap3A_698 = arith.index_cast %add3A_651 : i32 to index
        %swap3A_699 = arith.constant 48 : index
        %swap3A_700 = tpu.vector_load %arg10[%swap3A_697, %swap3A_698, %swap3A_699] {strides = array<i32>} : memref<3x80x80xf32, #tpu.memory_space<vmem>>, vector<16xf32>,
        tpu.vector_store %arg10[%swap3A_697, %swap3A_698, %swap3A_699], %mul3A_695 {strides = array<i32>} : memref<3x80x80xf32, #tpu.memory_space<vmem>>, vector<16xf32>,
        %get3A_701 = arith.constant 0 : i32
        %get3A_702 = arith.index_cast %get3A_701 : i32 to index
        %get3A_703 = arith.index_cast %add3A_651 : i32 to index
        %get3A_704 = arith.constant 64 : index
        %get3A_705 = tpu.vector_load %arg10[%get3A_702, %get3A_703, %get3A_704] {strides = array<i32>} : memref<3x80x80xf32, #tpu.memory_space<vmem>>, vector<16xf32>,
        %mul3A_706 = arith.mulf %get3A_705, %gather3A_656 : vector<16xf32>
        %swap3A_707 = arith.constant 0 : i32
        %swap3A_708 = arith.index_cast %swap3A_707 : i32 to index
        %swap3A_709 = arith.index_cast %add3A_651 : i32 to index
        %swap3A_710 = arith.constant 64 : index
        %swap3A_711 = tpu.vector_load %arg10[%swap3A_708, %swap3A_709, %swap3A_710] {strides = array<i32>} : memref<3x80x80xf32, #tpu.memory_space<vmem>>, vector<16xf32>,
        tpu.vector_store %arg10[%swap3A_708, %swap3A_709, %swap3A_710], %mul3A_706 {strides = array<i32>} : memref<3x80x80xf32, #tpu.memory_space<vmem>>, vector<16xf32>,
        %mul3A_712 = arith.constant 4 : i32
        %mul3A_713 = arith.muli %scan3A_586, %mul3A_712 : i32
        %add3A_714 = arith.constant 2 : i32
        %add3A_715 = arith.addi %mul3A_713, %add3A_714 : i32
        %broadcast_in_dim3A_716 = arith.constant 0 : i32
        %broadcast_in_dim3A_717 = vector.broadcast %broadcast_in_dim3A_716 : i32 to vector<16xi32>
        %broadcast_in_dim3A_718 = vector.broadcast %add3A_715 : i32 to vector<16xi32>
        %add3A_719 = arith.addi %broadcast_in_dim3A_717, %broadcast_in_dim3A_718 : vector<16xi32>
        %gather3A_720 = tpu.vector_load_idx %arg9[%add3A_719] : memref<240xf32, #tpu.memory_space<vmem>>[vector<16xi32>], vector<16xf32>,
        %get3A_721 = arith.constant 0 : i32
        %get3A_722 = arith.index_cast %get3A_721 : i32 to index
        %get3A_723 = arith.index_cast %add3A_715 : i32 to index
        %get3A_724 = arith.constant 0 : index
        %get3A_725 = tpu.vector_load %arg10[%get3A_722, %get3A_723, %get3A_724] {strides = array<i32>} : memref<3x80x80xf32, #tpu.memory_space<vmem>>, vector<16xf32>,
        %mul3A_726 = arith.mulf %get3A_725, %gather3A_720 : vector<16xf32>
        %swap3A_727 = arith.constant 0 : i32
        %swap3A_728 = arith.index_cast %swap3A_727 : i32 to index
        %swap3A_729 = arith.index_cast %add3A_715 : i32 to index
        %swap3A_730 = arith.constant 0 : index
        %swap3A_731 = tpu.vector_load %arg10[%swap3A_728, %swap3A_729, %swap3A_730] {strides = array<i32>} : memref<3x80x80xf32, #tpu.memory_space<vmem>>, vector<16xf32>,
        tpu.vector_store %arg10[%swap3A_728, %swap3A_729, %swap3A_730], %mul3A_726 {strides = array<i32>} : memref<3x80x80xf32, #tpu.memory_space<vmem>>, vector<16xf32>,
        %get3A_732 = arith.constant 0 : i32
        %get3A_733 = arith.index_cast %get3A_732 : i32 to index
        %get3A_734 = arith.index_cast %add3A_715 : i32 to index
        %get3A_735 = arith.constant 16 : index
        %get3A_736 = tpu.vector_load %arg10[%get3A_733, %get3A_734, %get3A_735] {strides = array<i32>} : memref<3x80x80xf32, #tpu.memory_space<vmem>>, vector<16xf32>,
        %mul3A_737 = arith.mulf %get3A_736, %gather3A_720 : vector<16xf32>
        %swap3A_738 = arith.constant 0 : i32
        %swap3A_739 = arith.index_cast %swap3A_738 : i32 to index
        %swap3A_740 = arith.index_cast %add3A_715 : i32 to index
        %swap3A_741 = arith.constant 16 : index
        %swap3A_742 = tpu.vector_load %arg10[%swap3A_739, %swap3A_740, %swap3A_741] {strides = array<i32>} : memref<3x80x80xf32, #tpu.memory_space<vmem>>, vector<16xf32>,
        tpu.vector_store %arg10[%swap3A_739, %swap3A_740, %swap3A_741], %mul3A_737 {strides = array<i32>} : memref<3x80x80xf32, #tpu.memory_space<vmem>>, vector<16xf32>,
        %get3A_743 = arith.constant 0 : i32
        %get3A_744 = arith.index_cast %get3A_743 : i32 to index
        %get3A_745 = arith.index_cast %add3A_715 : i32 to index
        %get3A_746 = arith.constant 32 : index
        %get3A_747 = tpu.vector_load %arg10[%get3A_744, %get3A_745, %get3A_746] {strides = array<i32>} : memref<3x80x80xf32, #tpu.memory_space<vmem>>, vector<16xf32>,
        %mul3A_748 = arith.mulf %get3A_747, %gather3A_720 : vector<16xf32>
        %swap3A_749 = arith.constant 0 : i32
        %swap3A_750 = arith.index_cast %swap3A_749 : i32 to index
        %swap3A_751 = arith.index_cast %add3A_715 : i32 to index
        %swap3A_752 = arith.constant 32 : index
        %swap3A_753 = tpu.vector_load %arg10[%swap3A_750, %swap3A_751, %swap3A_752] {strides = array<i32>} : memref<3x80x80xf32, #tpu.memory_space<vmem>>, vector<16xf32>,
        tpu.vector_store %arg10[%swap3A_750, %swap3A_751, %swap3A_752], %mul3A_748 {strides = array<i32>} : memref<3x80x80xf32, #tpu.memory_space<vmem>>, vector<16xf32>,
        %get3A_754 = arith.constant 0 : i32
        %get3A_755 = arith.index_cast %get3A_754 : i32 to index
        %get3A_756 = arith.index_cast %add3A_715 : i32 to index
        %get3A_757 = arith.constant 48 : index
        %get3A_758 = tpu.vector_load %arg10[%get3A_755, %get3A_756, %get3A_757] {strides = array<i32>} : memref<3x80x80xf32, #tpu.memory_space<vmem>>, vector<16xf32>,
        %mul3A_759 = arith.mulf %get3A_758, %gather3A_720 : vector<16xf32>
        %swap3A_760 = arith.constant 0 : i32
        %swap3A_761 = arith.index_cast %swap3A_760 : i32 to index
        %swap3A_762 = arith.index_cast %add3A_715 : i32 to index
        %swap3A_763 = arith.constant 48 : index
        %swap3A_764 = tpu.vector_load %arg10[%swap3A_761, %swap3A_762, %swap3A_763] {strides = array<i32>} : memref<3x80x80xf32, #tpu.memory_space<vmem>>, vector<16xf32>,
        tpu.vector_store %arg10[%swap3A_761, %swap3A_762, %swap3A_763], %mul3A_759 {strides = array<i32>} : memref<3x80x80xf32, #tpu.memory_space<vmem>>, vector<16xf32>,
        %get3A_765 = arith.constant 0 : i32
        %get3A_766 = arith.index_cast %get3A_765 : i32 to index
        %get3A_767 = arith.index_cast %add3A_715 : i32 to index
        %get3A_768 = arith.constant 64 : index
        %get3A_769 = tpu.vector_load %arg10[%get3A_766, %get3A_767, %get3A_768] {strides = array<i32>} : memref<3x80x80xf32, #tpu.memory_space<vmem>>, vector<16xf32>,
        %mul3A_770 = arith.mulf %get3A_769, %gather3A_720 : vector<16xf32>
        %swap3A_771 = arith.constant 0 : i32
        %swap3A_772 = arith.index_cast %swap3A_771 : i32 to index
        %swap3A_773 = arith.index_cast %add3A_715 : i32 to index
        %swap3A_774 = arith.constant 64 : index
        %swap3A_775 = tpu.vector_load %arg10[%swap3A_772, %swap3A_773, %swap3A_774] {strides = array<i32>} : memref<3x80x80xf32, #tpu.memory_space<vmem>>, vector<16xf32>,
        tpu.vector_store %arg10[%swap3A_772, %swap3A_773, %swap3A_774], %mul3A_770 {strides = array<i32>} : memref<3x80x80xf32, #tpu.memory_space<vmem>>, vector<16xf32>,
        %mul3A_776 = arith.constant 4 : i32
        %mul3A_777 = arith.muli %scan3A_586, %mul3A_776 : i32
        %add3A_778 = arith.constant 3 : i32
        %add3A_779 = arith.addi %mul3A_777, %add3A_778 : i32
        %broadcast_in_dim3A_780 = arith.constant 0 : i32
        %broadcast_in_dim3A_781 = vector.broadcast %broadcast_in_dim3A_780 : i32 to vector<16xi32>
        %broadcast_in_dim3A_782 = vector.broadcast %add3A_779 : i32 to vector<16xi32>
        %add3A_783 = arith.addi %broadcast_in_dim3A_781, %broadcast_in_dim3A_782 : vector<16xi32>
        %gather3A_784 = tpu.vector_load_idx %arg9[%add3A_783] : memref<240xf32, #tpu.memory_space<vmem>>[vector<16xi32>], vector<16xf32>,
        %get3A_785 = arith.constant 0 : i32
        %get3A_786 = arith.index_cast %get3A_785 : i32 to index
        %get3A_787 = arith.index_cast %add3A_779 : i32 to index
        %get3A_788 = arith.constant 0 : index
        %get3A_789 = tpu.vector_load %arg10[%get3A_786, %get3A_787, %get3A_788] {strides = array<i32>} : memref<3x80x80xf32, #tpu.memory_space<vmem>>, vector<16xf32>,
        %mul3A_790 = arith.mulf %get3A_789, %gather3A_784 : vector<16xf32>
        %swap3A_791 = arith.constant 0 : i32
        %swap3A_792 = arith.index_cast %swap3A_791 : i32 to index
        %swap3A_793 = arith.index_cast %add3A_779 : i32 to index
        %swap3A_794 = arith.constant 0 : index
        %swap3A_795 = tpu.vector_load %arg10[%swap3A_792, %swap3A_793, %swap3A_794] {strides = array<i32>} : memref<3x80x80xf32, #tpu.memory_space<vmem>>, vector<16xf32>,
        tpu.vector_store %arg10[%swap3A_792, %swap3A_793, %swap3A_794], %mul3A_790 {strides = array<i32>} : memref<3x80x80xf32, #tpu.memory_space<vmem>>, vector<16xf32>,
        %get3A_796 = arith.constant 0 : i32
        %get3A_797 = arith.index_cast %get3A_796 : i32 to index
        %get3A_798 = arith.index_cast %add3A_779 : i32 to index
        %get3A_799 = arith.constant 16 : index
        %get3A_800 = tpu.vector_load %arg10[%get3A_797, %get3A_798, %get3A_799] {strides = array<i32>} : memref<3x80x80xf32, #tpu.memory_space<vmem>>, vector<16xf32>,
        %mul3A_801 = arith.mulf %get3A_800, %gather3A_784 : vector<16xf32>
        %swap3A_802 = arith.constant 0 : i32
        %swap3A_803 = arith.index_cast %swap3A_802 : i32 to index
        %swap3A_804 = arith.index_cast %add3A_779 : i32 to index
        %swap3A_805 = arith.constant 16 : index
        %swap3A_806 = tpu.vector_load %arg10[%swap3A_803, %swap3A_804, %swap3A_805] {strides = array<i32>} : memref<3x80x80xf32, #tpu.memory_space<vmem>>, vector<16xf32>,
        tpu.vector_store %arg10[%swap3A_803, %swap3A_804, %swap3A_805], %mul3A_801 {strides = array<i32>} : memref<3x80x80xf32, #tpu.memory_space<vmem>>, vector<16xf32>,
        %get3A_807 = arith.constant 0 : i32
        %get3A_808 = arith.index_cast %get3A_807 : i32 to index
        %get3A_809 = arith.index_cast %add3A_779 : i32 to index
        %get3A_810 = arith.constant 32 : index
        %get3A_811 = tpu.vector_load %arg10[%get3A_808, %get3A_809, %get3A_810] {strides = array<i32>} : memref<3x80x80xf32, #tpu.memory_space<vmem>>, vector<16xf32>,
        %mul3A_812 = arith.mulf %get3A_811, %gather3A_784 : vector<16xf32>
        %swap3A_813 = arith.constant 0 : i32
        %swap3A_814 = arith.index_cast %swap3A_813 : i32 to index
        %swap3A_815 = arith.index_cast %add3A_779 : i32 to index
        %swap3A_816 = arith.constant 32 : index
        %swap3A_817 = tpu.vector_load %arg10[%swap3A_814, %swap3A_815, %swap3A_816] {strides = array<i32>} : memref<3x80x80xf32, #tpu.memory_space<vmem>>, vector<16xf32>,
        tpu.vector_store %arg10[%swap3A_814, %swap3A_815, %swap3A_816], %mul3A_812 {strides = array<i32>} : memref<3x80x80xf32, #tpu.memory_space<vmem>>, vector<16xf32>,
        %get3A_818 = arith.constant 0 : i32
        %get3A_819 = arith.index_cast %get3A_818 : i32 to index
        %get3A_820 = arith.index_cast %add3A_779 : i32 to index
        %get3A_821 = arith.constant 48 : index
        %get3A_822 = tpu.vector_load %arg10[%get3A_819, %get3A_820, %get3A_821] {strides = array<i32>} : memref<3x80x80xf32, #tpu.memory_space<vmem>>, vector<16xf32>,
        %mul3A_823 = arith.mulf %get3A_822, %gather3A_784 : vector<16xf32>
        %swap3A_824 = arith.constant 0 : i32
        %swap3A_825 = arith.index_cast %swap3A_824 : i32 to index
        %swap3A_826 = arith.index_cast %add3A_779 : i32 to index
        %swap3A_827 = arith.constant 48 : index
        %swap3A_828 = tpu.vector_load %arg10[%swap3A_825, %swap3A_826, %swap3A_827] {strides = array<i32>} : memref<3x80x80xf32, #tpu.memory_space<vmem>>, vector<16xf32>,
        tpu.vector_store %arg10[%swap3A_825, %swap3A_826, %swap3A_827], %mul3A_823 {strides = array<i32>} : memref<3x80x80xf32, #tpu.memory_space<vmem>>, vector<16xf32>,
        %get3A_829 = arith.constant 0 : i32
        %get3A_830 = arith.index_cast %get3A_829 : i32 to index
        %get3A_831 = arith.index_cast %add3A_779 : i32 to index
        %get3A_832 = arith.constant 64 : index
        %get3A_833 = tpu.vector_load %arg10[%get3A_830, %get3A_831, %get3A_832] {strides = array<i32>} : memref<3x80x80xf32, #tpu.memory_space<vmem>>, vector<16xf32>,
        %mul3A_834 = arith.mulf %get3A_833, %gather3A_784 : vector<16xf32>
        %swap3A_835 = arith.constant 0 : i32
        %swap3A_836 = arith.index_cast %swap3A_835 : i32 to index
        %swap3A_837 = arith.index_cast %add3A_779 : i32 to index
        %swap3A_838 = arith.constant 64 : index
        %swap3A_839 = tpu.vector_load %arg10[%swap3A_836, %swap3A_837, %swap3A_838] {strides = array<i32>} : memref<3x80x80xf32, #tpu.memory_space<vmem>>, vector<16xf32>,
        tpu.vector_store %arg10[%swap3A_836, %swap3A_837, %swap3A_838], %mul3A_834 {strides = array<i32>} : memref<3x80x80xf32, #tpu.memory_space<vmem>>, vector<16xf32>,
      }
      %scan3A_355 = arith.constant 20 : i32
      %dma_start3A_356 = arith.constant 0 : i32
      %dma_start3A_357 = arith.constant 0 : i32
      %dma_start3A_358 = arith.constant 0 : i32
      %dma_start3A_359 = arith.constant 0 : i32
      %dma_start3A_360 = tpu.memref_slice %arg10[%dma_start3A_356, %dma_start3A_358, %dma_start3A_359] : memref<3x80x80xf32, #tpu.memory_space<vmem>> -> memref<1x80x80xf32, #tpu.memory_space<vmem>>
      %dma_start3A_361 = tpu.memref_squeeze %dma_start3A_360 : memref<1x80x80xf32, #tpu.memory_space<vmem>> -> memref<80x80xf32, #tpu.memory_space<vmem>>
      %dma_start3A_362 = arith.constant 0 : i32
      %dma_start3A_363 = tpu.memref_slice %arg8[%dma_start3A_357, %dma_start3A_362] : memref<3x80xi32, #tpu.memory_space<vmem>> -> memref<1x80xi32, #tpu.memory_space<vmem>>
      %dma_start3A_364 = tpu.memref_squeeze %dma_start3A_363 : memref<1x80xi32, #tpu.memory_space<vmem>> -> memref<80xi32, #tpu.memory_space<vmem>>
      %dma_start3A_365 = arith.constant 0 : i32
      %dma_start3A_366 = arith.constant 0 : i32
      %dma_start3A_367 = tpu.memref_slice %arg12[%dma_start3A_365, %dma_start3A_366] : memref<10240x80xf32, #tpu.memory_space<vmem_shared>> -> memref<10240x80xf32, #tpu.memory_space<vmem_shared>>
      tpu.enqueue_indirect_dma source(%dma_start3A_361 : memref<80x80xf32, #tpu.memory_space<vmem>>) target(%dma_start3A_367 : memref<10240x80xf32, #tpu.memory_space<vmem_shared>>) offsets(%dma_start3A_364 : memref<80xi32, #tpu.memory_space<vmem>>) semaphore(%arg19 : memref<!tpu.dma_semaphore, #tpu.memory_space<semaphore_mem>>) {add = true}
      %add3A_368 = arith.constant 1 : i32
      %add3A_369 = arith.addi %mul3A_261, %add3A_368 : i32
      %add3A_370 = arith.constant 1 : i32
      %add3A_371 = arith.addi %add3A_369, %add3A_370 : i32
      %mul3A_372 = arith.constant 80 : i32
      %mul3A_373 = arith.muli %add3A_371, %mul3A_372 : i32
      %add3A_374 = arith.addi %mul3A_2, %mul3A_373 : i32
      %multiple_of3A_375 = tpu.assume_multiple %add3A_374, 8 : i32
      %dma_wait3A_376 = arith.constant 2 : i32
      %dma_wait3A_377 = arith.constant 0 : i32
      %dma_wait3A_378 = tpu.memref_slice %arg7[%dma_wait3A_376, %dma_wait3A_377] : memref<3x80xi32, #tpu.memory_space<vmem>> -> memref<1x80xi32, #tpu.memory_space<vmem>>
      %dma_wait3A_379 = tpu.memref_squeeze %dma_wait3A_378 : memref<1x80xi32, #tpu.memory_space<vmem>> -> memref<80xi32, #tpu.memory_space<vmem>>
      %dma_wait3A_380 = tpu.memref_slice %arg3[%multiple_of3A_375] : memref<320000xi32, #tpu.memory_space<hbm>> -> memref<80xi32, #tpu.memory_space<hbm>>
      %dma_wait3A_381 = arith.constant 0 : i32
      %dma_wait3A_382 = tpu.memref_slice %arg7[%dma_wait3A_376, %dma_wait3A_381] : memref<3x80xi32, #tpu.memory_space<vmem>> -> memref<1x80xi32, #tpu.memory_space<vmem>>
      %dma_wait3A_383 = tpu.memref_squeeze %dma_wait3A_382 : memref<1x80xi32, #tpu.memory_space<vmem>> -> memref<80xi32, #tpu.memory_space<vmem>>
      %dma_wait3A_384 = tpu.memref_slice %arg3[%multiple_of3A_375] : memref<320000xi32, #tpu.memory_space<hbm>> -> memref<80xi32, #tpu.memory_space<hbm>>
      tpu.wait_dma2 semaphore(%arg18 : memref<!tpu.dma_semaphore, #tpu.memory_space<semaphore_mem>>) src(%dma_wait3A_384 : memref<80xi32, #tpu.memory_space<hbm>>) dst(%dma_wait3A_383 : memref<80xi32, #tpu.memory_space<vmem>>)
      %dma_wait3A_385 = arith.constant 2 : i32
      %dma_wait3A_386 = arith.constant 0 : i32
      %dma_wait3A_387 = tpu.memref_slice %arg8[%dma_wait3A_385, %dma_wait3A_386] : memref<3x80xi32, #tpu.memory_space<vmem>> -> memref<1x80xi32, #tpu.memory_space<vmem>>
      %dma_wait3A_388 = tpu.memref_squeeze %dma_wait3A_387 : memref<1x80xi32, #tpu.memory_space<vmem>> -> memref<80xi32, #tpu.memory_space<vmem>>
      %dma_wait3A_389 = tpu.memref_slice %arg4[%multiple_of3A_375] : memref<320000xi32, #tpu.memory_space<hbm>> -> memref<80xi32, #tpu.memory_space<hbm>>
      %dma_wait3A_390 = arith.constant 0 : i32
      %dma_wait3A_391 = tpu.memref_slice %arg8[%dma_wait3A_385, %dma_wait3A_390] : memref<3x80xi32, #tpu.memory_space<vmem>> -> memref<1x80xi32, #tpu.memory_space<vmem>>
      %dma_wait3A_392 = tpu.memref_squeeze %dma_wait3A_391 : memref<1x80xi32, #tpu.memory_space<vmem>> -> memref<80xi32, #tpu.memory_space<vmem>>
      %dma_wait3A_393 = tpu.memref_slice %arg4[%multiple_of3A_375] : memref<320000xi32, #tpu.memory_space<hbm>> -> memref<80xi32, #tpu.memory_space<hbm>>
      tpu.wait_dma2 semaphore(%arg18 : memref<!tpu.dma_semaphore, #tpu.memory_space<semaphore_mem>>) src(%dma_wait3A_393 : memref<80xi32, #tpu.memory_space<hbm>>) dst(%dma_wait3A_392 : memref<80xi32, #tpu.memory_space<vmem>>)
      %dma_wait3A_394 = arith.constant 160 : i32
      %dma_wait3A_395 = tpu.memref_slice %arg9[%dma_wait3A_394] : memref<240xf32, #tpu.memory_space<vmem>> -> memref<80xf32, #tpu.memory_space<vmem>>
      %dma_wait3A_396 = tpu.memref_slice %arg5[%multiple_of3A_375] : memref<320000xf32, #tpu.memory_space<hbm>> -> memref<80xf32, #tpu.memory_space<hbm>>
      %dma_wait3A_397 = arith.constant 160 : i32
      %dma_wait3A_398 = tpu.memref_slice %arg9[%dma_wait3A_397] : memref<240xf32, #tpu.memory_space<vmem>> -> memref<80xf32, #tpu.memory_space<vmem>>
      %dma_wait3A_399 = tpu.memref_slice %arg5[%multiple_of3A_375] : memref<320000xf32, #tpu.memory_space<hbm>> -> memref<80xf32, #tpu.memory_space<hbm>>
      tpu.wait_dma2 semaphore(%arg18 : memref<!tpu.dma_semaphore, #tpu.memory_space<semaphore_mem>>) src(%dma_wait3A_399 : memref<80xf32, #tpu.memory_space<hbm>>) dst(%dma_wait3A_398 : memref<80xf32, #tpu.memory_space<vmem>>)
      %dma_start3A_400 = arith.constant 2 : i32
      %dma_start3A_401 = arith.constant 2 : i32
      %dma_start3A_402 = arith.constant 0 : i32
      %dma_start3A_403 = arith.constant 0 : i32
      %dma_start3A_404 = tpu.memref_slice %arg10[%dma_start3A_401, %dma_start3A_402, %dma_start3A_403] : memref<3x80x80xf32, #tpu.memory_space<vmem>> -> memref<1x80x80xf32, #tpu.memory_space<vmem>>
      %dma_start3A_405 = tpu.memref_squeeze %dma_start3A_404 : memref<1x80x80xf32, #tpu.memory_space<vmem>> -> memref<80x80xf32, #tpu.memory_space<vmem>>
      %dma_start3A_406 = arith.constant 0 : i32
      %dma_start3A_407 = tpu.memref_slice %arg7[%dma_start3A_400, %dma_start3A_406] : memref<3x80xi32, #tpu.memory_space<vmem>> -> memref<1x80xi32, #tpu.memory_space<vmem>>
      %dma_start3A_408 = tpu.memref_squeeze %dma_start3A_407 : memref<1x80xi32, #tpu.memory_space<vmem>> -> memref<80xi32, #tpu.memory_space<vmem>>
      %dma_start3A_409 = arith.constant 0 : i32
      %dma_start3A_410 = arith.constant 0 : i32
      %dma_start3A_411 = tpu.memref_slice %arg2[%dma_start3A_409, %dma_start3A_410] : memref<80000x80xf32, #tpu.memory_space<hbm>> -> memref<80000x80xf32, #tpu.memory_space<hbm>>
      tpu.enqueue_indirect_dma source(%dma_start3A_411 : memref<80000x80xf32, #tpu.memory_space<hbm>>) target(%dma_start3A_405 : memref<80x80xf32, #tpu.memory_space<vmem>>) offsets(%dma_start3A_408 : memref<80xi32, #tpu.memory_space<vmem>>) semaphore(%arg15 : memref<!tpu.dma_semaphore, #tpu.memory_space<semaphore_mem>>)
      %ge3A_412 = arith.constant 1 : i32
      %ge3A_413 = arith.cmpi sge, %add3A_369, %ge3A_412 : i32
      %convert_element_type3A_414 = arith.extui %ge3A_413 : i1 to i32
      %cond3A_415 = arith.constant 0 : i32
      %cond3A_416 = arith.cmpi ne, %convert_element_type3A_414, %cond3A_415 : i32
      scf.if %cond3A_416 {
        %dma_wait3A_586 = arith.constant 0 : i32
        %dma_wait3A_587 = arith.constant 0 : i32
        %dma_wait3A_588 = arith.constant 0 : i32
        %dma_wait3A_589 = arith.constant 0 : i32
        %dma_wait3A_590 = tpu.memref_slice %arg10[%dma_wait3A_586, %dma_wait3A_588, %dma_wait3A_589] : memref<3x80x80xf32, #tpu.memory_space<vmem>> -> memref<1x80x80xf32, #tpu.memory_space<vmem>>
        %dma_wait3A_591 = tpu.memref_squeeze %dma_wait3A_590 : memref<1x80x80xf32, #tpu.memory_space<vmem>> -> memref<80x80xf32, #tpu.memory_space<vmem>>
        %dma_wait3A_592 = arith.constant 0 : i32
        %dma_wait3A_593 = tpu.memref_slice %arg8[%dma_wait3A_587, %dma_wait3A_592] : memref<3x80xi32, #tpu.memory_space<vmem>> -> memref<1x80xi32, #tpu.memory_space<vmem>>
        %dma_wait3A_594 = tpu.memref_squeeze %dma_wait3A_593 : memref<1x80xi32, #tpu.memory_space<vmem>> -> memref<80xi32, #tpu.memory_space<vmem>>
        %dma_wait3A_595 = arith.constant 0 : i32
        %dma_wait3A_596 = arith.constant 0 : i32
        %dma_wait3A_597 = tpu.memref_slice %arg12[%dma_wait3A_595, %dma_wait3A_596] : memref<10240x80xf32, #tpu.memory_space<vmem_shared>> -> memref<10240x80xf32, #tpu.memory_space<vmem_shared>>
        tpu.wait_indirect_dma semaphore(%arg19 : memref<!tpu.dma_semaphore, #tpu.memory_space<semaphore_mem>>) src(%dma_wait3A_591 : memref<80x80xf32, #tpu.memory_space<vmem>>) dst(%dma_wait3A_597 : memref<10240x80xf32, #tpu.memory_space<vmem_shared>>)
      } else {
      }
      %add3A_417 = arith.constant 2 : i32
      %add3A_418 = arith.addi %add3A_369, %add3A_417 : i32
      %mul3A_419 = arith.constant 80 : i32
      %mul3A_420 = arith.muli %add3A_418, %mul3A_419 : i32
      %add3A_421 = arith.addi %mul3A_2, %mul3A_420 : i32
      %multiple_of3A_422 = tpu.assume_multiple %add3A_421, 8 : i32
      %dma_start3A_423 = arith.constant 0 : i32
      %dma_start3A_424 = arith.constant 0 : i32
      %dma_start3A_425 = tpu.memref_slice %arg7[%dma_start3A_423, %dma_start3A_424] : memref<3x80xi32, #tpu.memory_space<vmem>> -> memref<1x80xi32, #tpu.memory_space<vmem>>
      %dma_start3A_426 = tpu.memref_squeeze %dma_start3A_425 : memref<1x80xi32, #tpu.memory_space<vmem>> -> memref<80xi32, #tpu.memory_space<vmem>>
      %dma_start3A_427 = tpu.memref_slice %arg3[%multiple_of3A_422] : memref<320000xi32, #tpu.memory_space<hbm>> -> memref<80xi32, #tpu.memory_space<hbm>>
      %dma_start3A_428 = arith.constant 0 : i32
      %dma_start3A_429 = tpu.memref_slice %arg7[%dma_start3A_423, %dma_start3A_428] : memref<3x80xi32, #tpu.memory_space<vmem>> -> memref<1x80xi32, #tpu.memory_space<vmem>>
      %dma_start3A_430 = tpu.memref_squeeze %dma_start3A_429 : memref<1x80xi32, #tpu.memory_space<vmem>> -> memref<80xi32, #tpu.memory_space<vmem>>
      %dma_start3A_431 = tpu.memref_slice %arg3[%multiple_of3A_422] : memref<320000xi32, #tpu.memory_space<hbm>> -> memref<80xi32, #tpu.memory_space<hbm>>
      tpu.enqueue_dma source(%dma_start3A_431 : memref<80xi32, #tpu.memory_space<hbm>>) target(%dma_start3A_430 : memref<80xi32, #tpu.memory_space<vmem>>) target_semaphore(%arg16 : memref<!tpu.dma_semaphore, #tpu.memory_space<semaphore_mem>>)
      %dma_start3A_432 = arith.constant 0 : i32
      %dma_start3A_433 = arith.constant 0 : i32
      %dma_start3A_434 = tpu.memref_slice %arg8[%dma_start3A_432, %dma_start3A_433] : memref<3x80xi32, #tpu.memory_space<vmem>> -> memref<1x80xi32, #tpu.memory_space<vmem>>
      %dma_start3A_435 = tpu.memref_squeeze %dma_start3A_434 : memref<1x80xi32, #tpu.memory_space<vmem>> -> memref<80xi32, #tpu.memory_space<vmem>>
      %dma_start3A_436 = tpu.memref_slice %arg4[%multiple_of3A_422] : memref<320000xi32, #tpu.memory_space<hbm>> -> memref<80xi32, #tpu.memory_space<hbm>>
      %dma_start3A_437 = arith.constant 0 : i32
      %dma_start3A_438 = tpu.memref_slice %arg8[%dma_start3A_432, %dma_start3A_437] : memref<3x80xi32, #tpu.memory_space<vmem>> -> memref<1x80xi32, #tpu.memory_space<vmem>>
      %dma_start3A_439 = tpu.memref_squeeze %dma_start3A_438 : memref<1x80xi32, #tpu.memory_space<vmem>> -> memref<80xi32, #tpu.memory_space<vmem>>
      %dma_start3A_440 = tpu.memref_slice %arg4[%multiple_of3A_422] : memref<320000xi32, #tpu.memory_space<hbm>> -> memref<80xi32, #tpu.memory_space<hbm>>
      tpu.enqueue_dma source(%dma_start3A_440 : memref<80xi32, #tpu.memory_space<hbm>>) target(%dma_start3A_439 : memref<80xi32, #tpu.memory_space<vmem>>) target_semaphore(%arg16 : memref<!tpu.dma_semaphore, #tpu.memory_space<semaphore_mem>>)
      %dma_start3A_441 = arith.constant 0 : i32
      %dma_start3A_442 = tpu.memref_slice %arg9[%dma_start3A_441] : memref<240xf32, #tpu.memory_space<vmem>> -> memref<80xf32, #tpu.memory_space<vmem>>
      %dma_start3A_443 = tpu.memref_slice %arg5[%multiple_of3A_422] : memref<320000xf32, #tpu.memory_space<hbm>> -> memref<80xf32, #tpu.memory_space<hbm>>
      %dma_start3A_444 = arith.constant 0 : i32
      %dma_start3A_445 = tpu.memref_slice %arg9[%dma_start3A_444] : memref<240xf32, #tpu.memory_space<vmem>> -> memref<80xf32, #tpu.memory_space<vmem>>
      %dma_start3A_446 = tpu.memref_slice %arg5[%multiple_of3A_422] : memref<320000xf32, #tpu.memory_space<hbm>> -> memref<80xf32, #tpu.memory_space<hbm>>
      tpu.enqueue_dma source(%dma_start3A_446 : memref<80xf32, #tpu.memory_space<hbm>>) target(%dma_start3A_445 : memref<80xf32, #tpu.memory_space<vmem>>) target_semaphore(%arg16 : memref<!tpu.dma_semaphore, #tpu.memory_space<semaphore_mem>>)
      %dma_wait3A_447 = arith.constant 1 : i32
      %dma_wait3A_448 = arith.constant 1 : i32
      %dma_wait3A_449 = arith.constant 0 : i32
      %dma_wait3A_450 = arith.constant 0 : i32
      %dma_wait3A_451 = tpu.memref_slice %arg10[%dma_wait3A_448, %dma_wait3A_449, %dma_wait3A_450] : memref<3x80x80xf32, #tpu.memory_space<vmem>> -> memref<1x80x80xf32, #tpu.memory_space<vmem>>
      %dma_wait3A_452 = tpu.memref_squeeze %dma_wait3A_451 : memref<1x80x80xf32, #tpu.memory_space<vmem>> -> memref<80x80xf32, #tpu.memory_space<vmem>>
      %dma_wait3A_453 = arith.constant 0 : i32
      %dma_wait3A_454 = tpu.memref_slice %arg7[%dma_wait3A_447, %dma_wait3A_453] : memref<3x80xi32, #tpu.memory_space<vmem>> -> memref<1x80xi32, #tpu.memory_space<vmem>>
      %dma_wait3A_455 = tpu.memref_squeeze %dma_wait3A_454 : memref<1x80xi32, #tpu.memory_space<vmem>> -> memref<80xi32, #tpu.memory_space<vmem>>
      %dma_wait3A_456 = arith.constant 0 : i32
      %dma_wait3A_457 = arith.constant 0 : i32
      %dma_wait3A_458 = tpu.memref_slice %arg2[%dma_wait3A_456, %dma_wait3A_457] : memref<80000x80xf32, #tpu.memory_space<hbm>> -> memref<80000x80xf32, #tpu.memory_space<hbm>>
      tpu.wait_indirect_dma semaphore(%arg14 : memref<!tpu.dma_semaphore, #tpu.memory_space<semaphore_mem>>) src(%dma_wait3A_458 : memref<80000x80xf32, #tpu.memory_space<hbm>>) dst(%dma_wait3A_452 : memref<80x80xf32, #tpu.memory_space<vmem>>)
      %scan3A_459 = arith.constant 0 : i32
      %scan3A_460 = arith.constant 0 : i32
      %scan3A_461 = arith.constant 20 : i32
      %scan3A_462 = arith.addi %scan3A_460, %scan3A_461 : i32
      %scan3A_463 = arith.constant 1 : i32
      scf.for %scan3A_586 = %scan3A_460 to %scan3A_462 step %scan3A_463  : i32 {
        %mul3A_587 = arith.constant 4 : i32
        %mul3A_588 = arith.muli %scan3A_586, %mul3A_587 : i32
        %add3A_589 = arith.constant 0 : i32
        %add3A_590 = arith.addi %mul3A_588, %add3A_589 : i32
        %broadcast_in_dim3A_591 = arith.constant 80 : i32
        %broadcast_in_dim3A_592 = vector.broadcast %broadcast_in_dim3A_591 : i32 to vector<16xi32>
        %broadcast_in_dim3A_593 = vector.broadcast %add3A_590 : i32 to vector<16xi32>
        %add3A_594 = arith.addi %broadcast_in_dim3A_592, %broadcast_in_dim3A_593 : vector<16xi32>
        %gather3A = tpu.vector_load_idx %arg9[%add3A_594] : memref<240xf32, #tpu.memory_space<vmem>>[vector<16xi32>], vector<16xf32>,
        %get3A = arith.constant 1 : i32
        %get3A_595 = arith.index_cast %get3A : i32 to index
        %get3A_596 = arith.index_cast %add3A_590 : i32 to index
        %get3A_597 = arith.constant 0 : index
        %get3A_598 = tpu.vector_load %arg10[%get3A_595, %get3A_596, %get3A_597] {strides = array<i32>} : memref<3x80x80xf32, #tpu.memory_space<vmem>>, vector<16xf32>,
        %mul3A_599 = arith.mulf %get3A_598, %gather3A : vector<16xf32>
        %swap3A = arith.constant 1 : i32
        %swap3A_600 = arith.index_cast %swap3A : i32 to index
        %swap3A_601 = arith.index_cast %add3A_590 : i32 to index
        %swap3A_602 = arith.constant 0 : index
        %swap3A_603 = tpu.vector_load %arg10[%swap3A_600, %swap3A_601, %swap3A_602] {strides = array<i32>} : memref<3x80x80xf32, #tpu.memory_space<vmem>>, vector<16xf32>,
        tpu.vector_store %arg10[%swap3A_600, %swap3A_601, %swap3A_602], %mul3A_599 {strides = array<i32>} : memref<3x80x80xf32, #tpu.memory_space<vmem>>, vector<16xf32>,
        %get3A_604 = arith.constant 1 : i32
        %get3A_605 = arith.index_cast %get3A_604 : i32 to index
        %get3A_606 = arith.index_cast %add3A_590 : i32 to index
        %get3A_607 = arith.constant 16 : index
        %get3A_608 = tpu.vector_load %arg10[%get3A_605, %get3A_606, %get3A_607] {strides = array<i32>} : memref<3x80x80xf32, #tpu.memory_space<vmem>>, vector<16xf32>,
        %mul3A_609 = arith.mulf %get3A_608, %gather3A : vector<16xf32>
        %swap3A_610 = arith.constant 1 : i32
        %swap3A_611 = arith.index_cast %swap3A_610 : i32 to index
        %swap3A_612 = arith.index_cast %add3A_590 : i32 to index
        %swap3A_613 = arith.constant 16 : index
        %swap3A_614 = tpu.vector_load %arg10[%swap3A_611, %swap3A_612, %swap3A_613] {strides = array<i32>} : memref<3x80x80xf32, #tpu.memory_space<vmem>>, vector<16xf32>,
        tpu.vector_store %arg10[%swap3A_611, %swap3A_612, %swap3A_613], %mul3A_609 {strides = array<i32>} : memref<3x80x80xf32, #tpu.memory_space<vmem>>, vector<16xf32>,
        %get3A_615 = arith.constant 1 : i32
        %get3A_616 = arith.index_cast %get3A_615 : i32 to index
        %get3A_617 = arith.index_cast %add3A_590 : i32 to index
        %get3A_618 = arith.constant 32 : index
        %get3A_619 = tpu.vector_load %arg10[%get3A_616, %get3A_617, %get3A_618] {strides = array<i32>} : memref<3x80x80xf32, #tpu.memory_space<vmem>>, vector<16xf32>,
        %mul3A_620 = arith.mulf %get3A_619, %gather3A : vector<16xf32>
        %swap3A_621 = arith.constant 1 : i32
        %swap3A_622 = arith.index_cast %swap3A_621 : i32 to index
        %swap3A_623 = arith.index_cast %add3A_590 : i32 to index
        %swap3A_624 = arith.constant 32 : index
        %swap3A_625 = tpu.vector_load %arg10[%swap3A_622, %swap3A_623, %swap3A_624] {strides = array<i32>} : memref<3x80x80xf32, #tpu.memory_space<vmem>>, vector<16xf32>,
        tpu.vector_store %arg10[%swap3A_622, %swap3A_623, %swap3A_624], %mul3A_620 {strides = array<i32>} : memref<3x80x80xf32, #tpu.memory_space<vmem>>, vector<16xf32>,
        %get3A_626 = arith.constant 1 : i32
        %get3A_627 = arith.index_cast %get3A_626 : i32 to index
        %get3A_628 = arith.index_cast %add3A_590 : i32 to index
        %get3A_629 = arith.constant 48 : index
        %get3A_630 = tpu.vector_load %arg10[%get3A_627, %get3A_628, %get3A_629] {strides = array<i32>} : memref<3x80x80xf32, #tpu.memory_space<vmem>>, vector<16xf32>,
        %mul3A_631 = arith.mulf %get3A_630, %gather3A : vector<16xf32>
        %swap3A_632 = arith.constant 1 : i32
        %swap3A_633 = arith.index_cast %swap3A_632 : i32 to index
        %swap3A_634 = arith.index_cast %add3A_590 : i32 to index
        %swap3A_635 = arith.constant 48 : index
        %swap3A_636 = tpu.vector_load %arg10[%swap3A_633, %swap3A_634, %swap3A_635] {strides = array<i32>} : memref<3x80x80xf32, #tpu.memory_space<vmem>>, vector<16xf32>,
        tpu.vector_store %arg10[%swap3A_633, %swap3A_634, %swap3A_635], %mul3A_631 {strides = array<i32>} : memref<3x80x80xf32, #tpu.memory_space<vmem>>, vector<16xf32>,
        %get3A_637 = arith.constant 1 : i32
        %get3A_638 = arith.index_cast %get3A_637 : i32 to index
        %get3A_639 = arith.index_cast %add3A_590 : i32 to index
        %get3A_640 = arith.constant 64 : index
        %get3A_641 = tpu.vector_load %arg10[%get3A_638, %get3A_639, %get3A_640] {strides = array<i32>} : memref<3x80x80xf32, #tpu.memory_space<vmem>>, vector<16xf32>,
        %mul3A_642 = arith.mulf %get3A_641, %gather3A : vector<16xf32>
        %swap3A_643 = arith.constant 1 : i32
        %swap3A_644 = arith.index_cast %swap3A_643 : i32 to index
        %swap3A_645 = arith.index_cast %add3A_590 : i32 to index
        %swap3A_646 = arith.constant 64 : index
        %swap3A_647 = tpu.vector_load %arg10[%swap3A_644, %swap3A_645, %swap3A_646] {strides = array<i32>} : memref<3x80x80xf32, #tpu.memory_space<vmem>>, vector<16xf32>,
        tpu.vector_store %arg10[%swap3A_644, %swap3A_645, %swap3A_646], %mul3A_642 {strides = array<i32>} : memref<3x80x80xf32, #tpu.memory_space<vmem>>, vector<16xf32>,
        %mul3A_648 = arith.constant 4 : i32
        %mul3A_649 = arith.muli %scan3A_586, %mul3A_648 : i32
        %add3A_650 = arith.constant 1 : i32
        %add3A_651 = arith.addi %mul3A_649, %add3A_650 : i32
        %broadcast_in_dim3A_652 = arith.constant 80 : i32
        %broadcast_in_dim3A_653 = vector.broadcast %broadcast_in_dim3A_652 : i32 to vector<16xi32>
        %broadcast_in_dim3A_654 = vector.broadcast %add3A_651 : i32 to vector<16xi32>
        %add3A_655 = arith.addi %broadcast_in_dim3A_653, %broadcast_in_dim3A_654 : vector<16xi32>
        %gather3A_656 = tpu.vector_load_idx %arg9[%add3A_655] : memref<240xf32, #tpu.memory_space<vmem>>[vector<16xi32>], vector<16xf32>,
        %get3A_657 = arith.constant 1 : i32
        %get3A_658 = arith.index_cast %get3A_657 : i32 to index
        %get3A_659 = arith.index_cast %add3A_651 : i32 to index
        %get3A_660 = arith.constant 0 : index
        %get3A_661 = tpu.vector_load %arg10[%get3A_658, %get3A_659, %get3A_660] {strides = array<i32>} : memref<3x80x80xf32, #tpu.memory_space<vmem>>, vector<16xf32>,
        %mul3A_662 = arith.mulf %get3A_661, %gather3A_656 : vector<16xf32>
        %swap3A_663 = arith.constant 1 : i32
        %swap3A_664 = arith.index_cast %swap3A_663 : i32 to index
        %swap3A_665 = arith.index_cast %add3A_651 : i32 to index
        %swap3A_666 = arith.constant 0 : index
        %swap3A_667 = tpu.vector_load %arg10[%swap3A_664, %swap3A_665, %swap3A_666] {strides = array<i32>} : memref<3x80x80xf32, #tpu.memory_space<vmem>>, vector<16xf32>,
        tpu.vector_store %arg10[%swap3A_664, %swap3A_665, %swap3A_666], %mul3A_662 {strides = array<i32>} : memref<3x80x80xf32, #tpu.memory_space<vmem>>, vector<16xf32>,
        %get3A_668 = arith.constant 1 : i32
        %get3A_669 = arith.index_cast %get3A_668 : i32 to index
        %get3A_670 = arith.index_cast %add3A_651 : i32 to index
        %get3A_671 = arith.constant 16 : index
        %get3A_672 = tpu.vector_load %arg10[%get3A_669, %get3A_670, %get3A_671] {strides = array<i32>} : memref<3x80x80xf32, #tpu.memory_space<vmem>>, vector<16xf32>,
        %mul3A_673 = arith.mulf %get3A_672, %gather3A_656 : vector<16xf32>
        %swap3A_674 = arith.constant 1 : i32
        %swap3A_675 = arith.index_cast %swap3A_674 : i32 to index
        %swap3A_676 = arith.index_cast %add3A_651 : i32 to index
        %swap3A_677 = arith.constant 16 : index
        %swap3A_678 = tpu.vector_load %arg10[%swap3A_675, %swap3A_676, %swap3A_677] {strides = array<i32>} : memref<3x80x80xf32, #tpu.memory_space<vmem>>, vector<16xf32>,
        tpu.vector_store %arg10[%swap3A_675, %swap3A_676, %swap3A_677], %mul3A_673 {strides = array<i32>} : memref<3x80x80xf32, #tpu.memory_space<vmem>>, vector<16xf32>,
        %get3A_679 = arith.constant 1 : i32
        %get3A_680 = arith.index_cast %get3A_679 : i32 to index
        %get3A_681 = arith.index_cast %add3A_651 : i32 to index
        %get3A_682 = arith.constant 32 : index
        %get3A_683 = tpu.vector_load %arg10[%get3A_680, %get3A_681, %get3A_682] {strides = array<i32>} : memref<3x80x80xf32, #tpu.memory_space<vmem>>, vector<16xf32>,
        %mul3A_684 = arith.mulf %get3A_683, %gather3A_656 : vector<16xf32>
        %swap3A_685 = arith.constant 1 : i32
        %swap3A_686 = arith.index_cast %swap3A_685 : i32 to index
        %swap3A_687 = arith.index_cast %add3A_651 : i32 to index
        %swap3A_688 = arith.constant 32 : index
        %swap3A_689 = tpu.vector_load %arg10[%swap3A_686, %swap3A_687, %swap3A_688] {strides = array<i32>} : memref<3x80x80xf32, #tpu.memory_space<vmem>>, vector<16xf32>,
        tpu.vector_store %arg10[%swap3A_686, %swap3A_687, %swap3A_688], %mul3A_684 {strides = array<i32>} : memref<3x80x80xf32, #tpu.memory_space<vmem>>, vector<16xf32>,
        %get3A_690 = arith.constant 1 : i32
        %get3A_691 = arith.index_cast %get3A_690 : i32 to index
        %get3A_692 = arith.index_cast %add3A_651 : i32 to index
        %get3A_693 = arith.constant 48 : index
        %get3A_694 = tpu.vector_load %arg10[%get3A_691, %get3A_692, %get3A_693] {strides = array<i32>} : memref<3x80x80xf32, #tpu.memory_space<vmem>>, vector<16xf32>,
        %mul3A_695 = arith.mulf %get3A_694, %gather3A_656 : vector<16xf32>
        %swap3A_696 = arith.constant 1 : i32
        %swap3A_697 = arith.index_cast %swap3A_696 : i32 to index
        %swap3A_698 = arith.index_cast %add3A_651 : i32 to index
        %swap3A_699 = arith.constant 48 : index
        %swap3A_700 = tpu.vector_load %arg10[%swap3A_697, %swap3A_698, %swap3A_699] {strides = array<i32>} : memref<3x80x80xf32, #tpu.memory_space<vmem>>, vector<16xf32>,
        tpu.vector_store %arg10[%swap3A_697, %swap3A_698, %swap3A_699], %mul3A_695 {strides = array<i32>} : memref<3x80x80xf32, #tpu.memory_space<vmem>>, vector<16xf32>,
        %get3A_701 = arith.constant 1 : i32
        %get3A_702 = arith.index_cast %get3A_701 : i32 to index
        %get3A_703 = arith.index_cast %add3A_651 : i32 to index
        %get3A_704 = arith.constant 64 : index
        %get3A_705 = tpu.vector_load %arg10[%get3A_702, %get3A_703, %get3A_704] {strides = array<i32>} : memref<3x80x80xf32, #tpu.memory_space<vmem>>, vector<16xf32>,
        %mul3A_706 = arith.mulf %get3A_705, %gather3A_656 : vector<16xf32>
        %swap3A_707 = arith.constant 1 : i32
        %swap3A_708 = arith.index_cast %swap3A_707 : i32 to index
        %swap3A_709 = arith.index_cast %add3A_651 : i32 to index
        %swap3A_710 = arith.constant 64 : index
        %swap3A_711 = tpu.vector_load %arg10[%swap3A_708, %swap3A_709, %swap3A_710] {strides = array<i32>} : memref<3x80x80xf32, #tpu.memory_space<vmem>>, vector<16xf32>,
        tpu.vector_store %arg10[%swap3A_708, %swap3A_709, %swap3A_710], %mul3A_706 {strides = array<i32>} : memref<3x80x80xf32, #tpu.memory_space<vmem>>, vector<16xf32>,
        %mul3A_712 = arith.constant 4 : i32
        %mul3A_713 = arith.muli %scan3A_586, %mul3A_712 : i32
        %add3A_714 = arith.constant 2 : i32
        %add3A_715 = arith.addi %mul3A_713, %add3A_714 : i32
        %broadcast_in_dim3A_716 = arith.constant 80 : i32
        %broadcast_in_dim3A_717 = vector.broadcast %broadcast_in_dim3A_716 : i32 to vector<16xi32>
        %broadcast_in_dim3A_718 = vector.broadcast %add3A_715 : i32 to vector<16xi32>
        %add3A_719 = arith.addi %broadcast_in_dim3A_717, %broadcast_in_dim3A_718 : vector<16xi32>
        %gather3A_720 = tpu.vector_load_idx %arg9[%add3A_719] : memref<240xf32, #tpu.memory_space<vmem>>[vector<16xi32>], vector<16xf32>,
        %get3A_721 = arith.constant 1 : i32
        %get3A_722 = arith.index_cast %get3A_721 : i32 to index
        %get3A_723 = arith.index_cast %add3A_715 : i32 to index
        %get3A_724 = arith.constant 0 : index
        %get3A_725 = tpu.vector_load %arg10[%get3A_722, %get3A_723, %get3A_724] {strides = array<i32>} : memref<3x80x80xf32, #tpu.memory_space<vmem>>, vector<16xf32>,
        %mul3A_726 = arith.mulf %get3A_725, %gather3A_720 : vector<16xf32>
        %swap3A_727 = arith.constant 1 : i32
        %swap3A_728 = arith.index_cast %swap3A_727 : i32 to index
        %swap3A_729 = arith.index_cast %add3A_715 : i32 to index
        %swap3A_730 = arith.constant 0 : index
        %swap3A_731 = tpu.vector_load %arg10[%swap3A_728, %swap3A_729, %swap3A_730] {strides = array<i32>} : memref<3x80x80xf32, #tpu.memory_space<vmem>>, vector<16xf32>,
        tpu.vector_store %arg10[%swap3A_728, %swap3A_729, %swap3A_730], %mul3A_726 {strides = array<i32>} : memref<3x80x80xf32, #tpu.memory_space<vmem>>, vector<16xf32>,
        %get3A_732 = arith.constant 1 : i32
        %get3A_733 = arith.index_cast %get3A_732 : i32 to index
        %get3A_734 = arith.index_cast %add3A_715 : i32 to index
        %get3A_735 = arith.constant 16 : index
        %get3A_736 = tpu.vector_load %arg10[%get3A_733, %get3A_734, %get3A_735] {strides = array<i32>} : memref<3x80x80xf32, #tpu.memory_space<vmem>>, vector<16xf32>,
        %mul3A_737 = arith.mulf %get3A_736, %gather3A_720 : vector<16xf32>
        %swap3A_738 = arith.constant 1 : i32
        %swap3A_739 = arith.index_cast %swap3A_738 : i32 to index
        %swap3A_740 = arith.index_cast %add3A_715 : i32 to index
        %swap3A_741 = arith.constant 16 : index
        %swap3A_742 = tpu.vector_load %arg10[%swap3A_739, %swap3A_740, %swap3A_741] {strides = array<i32>} : memref<3x80x80xf32, #tpu.memory_space<vmem>>, vector<16xf32>,
        tpu.vector_store %arg10[%swap3A_739, %swap3A_740, %swap3A_741], %mul3A_737 {strides = array<i32>} : memref<3x80x80xf32, #tpu.memory_space<vmem>>, vector<16xf32>,
        %get3A_743 = arith.constant 1 : i32
        %get3A_744 = arith.index_cast %get3A_743 : i32 to index
        %get3A_745 = arith.index_cast %add3A_715 : i32 to index
        %get3A_746 = arith.constant 32 : index
        %get3A_747 = tpu.vector_load %arg10[%get3A_744, %get3A_745, %get3A_746] {strides = array<i32>} : memref<3x80x80xf32, #tpu.memory_space<vmem>>, vector<16xf32>,
        %mul3A_748 = arith.mulf %get3A_747, %gather3A_720 : vector<16xf32>
        %swap3A_749 = arith.constant 1 : i32
        %swap3A_750 = arith.index_cast %swap3A_749 : i32 to index
        %swap3A_751 = arith.index_cast %add3A_715 : i32 to index
        %swap3A_752 = arith.constant 32 : index
        %swap3A_753 = tpu.vector_load %arg10[%swap3A_750, %swap3A_751, %swap3A_752] {strides = array<i32>} : memref<3x80x80xf32, #tpu.memory_space<vmem>>, vector<16xf32>,
        tpu.vector_store %arg10[%swap3A_750, %swap3A_751, %swap3A_752], %mul3A_748 {strides = array<i32>} : memref<3x80x80xf32, #tpu.memory_space<vmem>>, vector<16xf32>,
        %get3A_754 = arith.constant 1 : i32
        %get3A_755 = arith.index_cast %get3A_754 : i32 to index
        %get3A_756 = arith.index_cast %add3A_715 : i32 to index
        %get3A_757 = arith.constant 48 : index
        %get3A_758 = tpu.vector_load %arg10[%get3A_755, %get3A_756, %get3A_757] {strides = array<i32>} : memref<3x80x80xf32, #tpu.memory_space<vmem>>, vector<16xf32>,
        %mul3A_759 = arith.mulf %get3A_758, %gather3A_720 : vector<16xf32>
        %swap3A_760 = arith.constant 1 : i32
        %swap3A_761 = arith.index_cast %swap3A_760 : i32 to index
        %swap3A_762 = arith.index_cast %add3A_715 : i32 to index
        %swap3A_763 = arith.constant 48 : index
        %swap3A_764 = tpu.vector_load %arg10[%swap3A_761, %swap3A_762, %swap3A_763] {strides = array<i32>} : memref<3x80x80xf32, #tpu.memory_space<vmem>>, vector<16xf32>,
        tpu.vector_store %arg10[%swap3A_761, %swap3A_762, %swap3A_763], %mul3A_759 {strides = array<i32>} : memref<3x80x80xf32, #tpu.memory_space<vmem>>, vector<16xf32>,
        %get3A_765 = arith.constant 1 : i32
        %get3A_766 = arith.index_cast %get3A_765 : i32 to index
        %get3A_767 = arith.index_cast %add3A_715 : i32 to index
        %get3A_768 = arith.constant 64 : index
        %get3A_769 = tpu.vector_load %arg10[%get3A_766, %get3A_767, %get3A_768] {strides = array<i32>} : memref<3x80x80xf32, #tpu.memory_space<vmem>>, vector<16xf32>,
        %mul3A_770 = arith.mulf %get3A_769, %gather3A_720 : vector<16xf32>
        %swap3A_771 = arith.constant 1 : i32
        %swap3A_772 = arith.index_cast %swap3A_771 : i32 to index
        %swap3A_773 = arith.index_cast %add3A_715 : i32 to index
        %swap3A_774 = arith.constant 64 : index
        %swap3A_775 = tpu.vector_load %arg10[%swap3A_772, %swap3A_773, %swap3A_774] {strides = array<i32>} : memref<3x80x80xf32, #tpu.memory_space<vmem>>, vector<16xf32>,
        tpu.vector_store %arg10[%swap3A_772, %swap3A_773, %swap3A_774], %mul3A_770 {strides = array<i32>} : memref<3x80x80xf32, #tpu.memory_space<vmem>>, vector<16xf32>,
        %mul3A_776 = arith.constant 4 : i32
        %mul3A_777 = arith.muli %scan3A_586, %mul3A_776 : i32
        %add3A_778 = arith.constant 3 : i32
        %add3A_779 = arith.addi %mul3A_777, %add3A_778 : i32
        %broadcast_in_dim3A_780 = arith.constant 80 : i32
        %broadcast_in_dim3A_781 = vector.broadcast %broadcast_in_dim3A_780 : i32 to vector<16xi32>
        %broadcast_in_dim3A_782 = vector.broadcast %add3A_779 : i32 to vector<16xi32>
        %add3A_783 = arith.addi %broadcast_in_dim3A_781, %broadcast_in_dim3A_782 : vector<16xi32>
        %gather3A_784 = tpu.vector_load_idx %arg9[%add3A_783] : memref<240xf32, #tpu.memory_space<vmem>>[vector<16xi32>], vector<16xf32>,
        %get3A_785 = arith.constant 1 : i32
        %get3A_786 = arith.index_cast %get3A_785 : i32 to index
        %get3A_787 = arith.index_cast %add3A_779 : i32 to index
        %get3A_788 = arith.constant 0 : index
        %get3A_789 = tpu.vector_load %arg10[%get3A_786, %get3A_787, %get3A_788] {strides = array<i32>} : memref<3x80x80xf32, #tpu.memory_space<vmem>>, vector<16xf32>,
        %mul3A_790 = arith.mulf %get3A_789, %gather3A_784 : vector<16xf32>
        %swap3A_791 = arith.constant 1 : i32
        %swap3A_792 = arith.index_cast %swap3A_791 : i32 to index
        %swap3A_793 = arith.index_cast %add3A_779 : i32 to index
        %swap3A_794 = arith.constant 0 : index
        %swap3A_795 = tpu.vector_load %arg10[%swap3A_792, %swap3A_793, %swap3A_794] {strides = array<i32>} : memref<3x80x80xf32, #tpu.memory_space<vmem>>, vector<16xf32>,
        tpu.vector_store %arg10[%swap3A_792, %swap3A_793, %swap3A_794], %mul3A_790 {strides = array<i32>} : memref<3x80x80xf32, #tpu.memory_space<vmem>>, vector<16xf32>,
        %get3A_796 = arith.constant 1 : i32
        %get3A_797 = arith.index_cast %get3A_796 : i32 to index
        %get3A_798 = arith.index_cast %add3A_779 : i32 to index
        %get3A_799 = arith.constant 16 : index
        %get3A_800 = tpu.vector_load %arg10[%get3A_797, %get3A_798, %get3A_799] {strides = array<i32>} : memref<3x80x80xf32, #tpu.memory_space<vmem>>, vector<16xf32>,
        %mul3A_801 = arith.mulf %get3A_800, %gather3A_784 : vector<16xf32>
        %swap3A_802 = arith.constant 1 : i32
        %swap3A_803 = arith.index_cast %swap3A_802 : i32 to index
        %swap3A_804 = arith.index_cast %add3A_779 : i32 to index
        %swap3A_805 = arith.constant 16 : index
        %swap3A_806 = tpu.vector_load %arg10[%swap3A_803, %swap3A_804, %swap3A_805] {strides = array<i32>} : memref<3x80x80xf32, #tpu.memory_space<vmem>>, vector<16xf32>,
        tpu.vector_store %arg10[%swap3A_803, %swap3A_804, %swap3A_805], %mul3A_801 {strides = array<i32>} : memref<3x80x80xf32, #tpu.memory_space<vmem>>, vector<16xf32>,
        %get3A_807 = arith.constant 1 : i32
        %get3A_808 = arith.index_cast %get3A_807 : i32 to index
        %get3A_809 = arith.index_cast %add3A_779 : i32 to index
        %get3A_810 = arith.constant 32 : index
        %get3A_811 = tpu.vector_load %arg10[%get3A_808, %get3A_809, %get3A_810] {strides = array<i32>} : memref<3x80x80xf32, #tpu.memory_space<vmem>>, vector<16xf32>,
        %mul3A_812 = arith.mulf %get3A_811, %gather3A_784 : vector<16xf32>
        %swap3A_813 = arith.constant 1 : i32
        %swap3A_814 = arith.index_cast %swap3A_813 : i32 to index
        %swap3A_815 = arith.index_cast %add3A_779 : i32 to index
        %swap3A_816 = arith.constant 32 : index
        %swap3A_817 = tpu.vector_load %arg10[%swap3A_814, %swap3A_815, %swap3A_816] {strides = array<i32>} : memref<3x80x80xf32, #tpu.memory_space<vmem>>, vector<16xf32>,
        tpu.vector_store %arg10[%swap3A_814, %swap3A_815, %swap3A_816], %mul3A_812 {strides = array<i32>} : memref<3x80x80xf32, #tpu.memory_space<vmem>>, vector<16xf32>,
        %get3A_818 = arith.constant 1 : i32
        %get3A_819 = arith.index_cast %get3A_818 : i32 to index
        %get3A_820 = arith.index_cast %add3A_779 : i32 to index
        %get3A_821 = arith.constant 48 : index
        %get3A_822 = tpu.vector_load %arg10[%get3A_819, %get3A_820, %get3A_821] {strides = array<i32>} : memref<3x80x80xf32, #tpu.memory_space<vmem>>, vector<16xf32>,
        %mul3A_823 = arith.mulf %get3A_822, %gather3A_784 : vector<16xf32>
        %swap3A_824 = arith.constant 1 : i32
        %swap3A_825 = arith.index_cast %swap3A_824 : i32 to index
        %swap3A_826 = arith.index_cast %add3A_779 : i32 to index
        %swap3A_827 = arith.constant 48 : index
        %swap3A_828 = tpu.vector_load %arg10[%swap3A_825, %swap3A_826, %swap3A_827] {strides = array<i32>} : memref<3x80x80xf32, #tpu.memory_space<vmem>>, vector<16xf32>,
        tpu.vector_store %arg10[%swap3A_825, %swap3A_826, %swap3A_827], %mul3A_823 {strides = array<i32>} : memref<3x80x80xf32, #tpu.memory_space<vmem>>, vector<16xf32>,
        %get3A_829 = arith.constant 1 : i32
        %get3A_830 = arith.index_cast %get3A_829 : i32 to index
        %get3A_831 = arith.index_cast %add3A_779 : i32 to index
        %get3A_832 = arith.constant 64 : index
        %get3A_833 = tpu.vector_load %arg10[%get3A_830, %get3A_831, %get3A_832] {strides = array<i32>} : memref<3x80x80xf32, #tpu.memory_space<vmem>>, vector<16xf32>,
        %mul3A_834 = arith.mulf %get3A_833, %gather3A_784 : vector<16xf32>
        %swap3A_835 = arith.constant 1 : i32
        %swap3A_836 = arith.index_cast %swap3A_835 : i32 to index
        %swap3A_837 = arith.index_cast %add3A_779 : i32 to index
        %swap3A_838 = arith.constant 64 : index
        %swap3A_839 = tpu.vector_load %arg10[%swap3A_836, %swap3A_837, %swap3A_838] {strides = array<i32>} : memref<3x80x80xf32, #tpu.memory_space<vmem>>, vector<16xf32>,
        tpu.vector_store %arg10[%swap3A_836, %swap3A_837, %swap3A_838], %mul3A_834 {strides = array<i32>} : memref<3x80x80xf32, #tpu.memory_space<vmem>>, vector<16xf32>,
      }
      %scan3A_464 = arith.constant 20 : i32
      %dma_start3A_465 = arith.constant 1 : i32
      %dma_start3A_466 = arith.constant 1 : i32
      %dma_start3A_467 = arith.constant 0 : i32
      %dma_start3A_468 = arith.constant 0 : i32
      %dma_start3A_469 = tpu.memref_slice %arg10[%dma_start3A_465, %dma_start3A_467, %dma_start3A_468] : memref<3x80x80xf32, #tpu.memory_space<vmem>> -> memref<1x80x80xf32, #tpu.memory_space<vmem>>
      %dma_start3A_470 = tpu.memref_squeeze %dma_start3A_469 : memref<1x80x80xf32, #tpu.memory_space<vmem>> -> memref<80x80xf32, #tpu.memory_space<vmem>>
      %dma_start3A_471 = arith.constant 0 : i32
      %dma_start3A_472 = tpu.memref_slice %arg8[%dma_start3A_466, %dma_start3A_471] : memref<3x80xi32, #tpu.memory_space<vmem>> -> memref<1x80xi32, #tpu.memory_space<vmem>>
      %dma_start3A_473 = tpu.memref_squeeze %dma_start3A_472 : memref<1x80xi32, #tpu.memory_space<vmem>> -> memref<80xi32, #tpu.memory_space<vmem>>
      %dma_start3A_474 = arith.constant 0 : i32
      %dma_start3A_475 = arith.constant 0 : i32
      %dma_start3A_476 = tpu.memref_slice %arg12[%dma_start3A_474, %dma_start3A_475] : memref<10240x80xf32, #tpu.memory_space<vmem_shared>> -> memref<10240x80xf32, #tpu.memory_space<vmem_shared>>
      tpu.enqueue_indirect_dma source(%dma_start3A_470 : memref<80x80xf32, #tpu.memory_space<vmem>>) target(%dma_start3A_476 : memref<10240x80xf32, #tpu.memory_space<vmem_shared>>) offsets(%dma_start3A_473 : memref<80xi32, #tpu.memory_space<vmem>>) semaphore(%arg20 : memref<!tpu.dma_semaphore, #tpu.memory_space<semaphore_mem>>) {add = true}
      %add3A_477 = arith.constant 2 : i32
      %add3A_478 = arith.addi %mul3A_261, %add3A_477 : i32
      %add3A_479 = arith.constant 1 : i32
      %add3A_480 = arith.addi %add3A_478, %add3A_479 : i32
      %mul3A_481 = arith.constant 80 : i32
      %mul3A_482 = arith.muli %add3A_480, %mul3A_481 : i32
      %add3A_483 = arith.addi %mul3A_2, %mul3A_482 : i32
      %multiple_of3A_484 = tpu.assume_multiple %add3A_483, 8 : i32
      %dma_wait3A_485 = arith.constant 0 : i32
      %dma_wait3A_486 = arith.constant 0 : i32
      %dma_wait3A_487 = tpu.memref_slice %arg7[%dma_wait3A_485, %dma_wait3A_486] : memref<3x80xi32, #tpu.memory_space<vmem>> -> memref<1x80xi32, #tpu.memory_space<vmem>>
      %dma_wait3A_488 = tpu.memref_squeeze %dma_wait3A_487 : memref<1x80xi32, #tpu.memory_space<vmem>> -> memref<80xi32, #tpu.memory_space<vmem>>
      %dma_wait3A_489 = tpu.memref_slice %arg3[%multiple_of3A_484] : memref<320000xi32, #tpu.memory_space<hbm>> -> memref<80xi32, #tpu.memory_space<hbm>>
      %dma_wait3A_490 = arith.constant 0 : i32
      %dma_wait3A_491 = tpu.memref_slice %arg7[%dma_wait3A_485, %dma_wait3A_490] : memref<3x80xi32, #tpu.memory_space<vmem>> -> memref<1x80xi32, #tpu.memory_space<vmem>>
      %dma_wait3A_492 = tpu.memref_squeeze %dma_wait3A_491 : memref<1x80xi32, #tpu.memory_space<vmem>> -> memref<80xi32, #tpu.memory_space<vmem>>
      %dma_wait3A_493 = tpu.memref_slice %arg3[%multiple_of3A_484] : memref<320000xi32, #tpu.memory_space<hbm>> -> memref<80xi32, #tpu.memory_space<hbm>>
      tpu.wait_dma2 semaphore(%arg16 : memref<!tpu.dma_semaphore, #tpu.memory_space<semaphore_mem>>) src(%dma_wait3A_493 : memref<80xi32, #tpu.memory_space<hbm>>) dst(%dma_wait3A_492 : memref<80xi32, #tpu.memory_space<vmem>>)
      %dma_wait3A_494 = arith.constant 0 : i32
      %dma_wait3A_495 = arith.constant 0 : i32
      %dma_wait3A_496 = tpu.memref_slice %arg8[%dma_wait3A_494, %dma_wait3A_495] : memref<3x80xi32, #tpu.memory_space<vmem>> -> memref<1x80xi32, #tpu.memory_space<vmem>>
      %dma_wait3A_497 = tpu.memref_squeeze %dma_wait3A_496 : memref<1x80xi32, #tpu.memory_space<vmem>> -> memref<80xi32, #tpu.memory_space<vmem>>
      %dma_wait3A_498 = tpu.memref_slice %arg4[%multiple_of3A_484] : memref<320000xi32, #tpu.memory_space<hbm>> -> memref<80xi32, #tpu.memory_space<hbm>>
      %dma_wait3A_499 = arith.constant 0 : i32
      %dma_wait3A_500 = tpu.memref_slice %arg8[%dma_wait3A_494, %dma_wait3A_499] : memref<3x80xi32, #tpu.memory_space<vmem>> -> memref<1x80xi32, #tpu.memory_space<vmem>>
      %dma_wait3A_501 = tpu.memref_squeeze %dma_wait3A_500 : memref<1x80xi32, #tpu.memory_space<vmem>> -> memref<80xi32, #tpu.memory_space<vmem>>
      %dma_wait3A_502 = tpu.memref_slice %arg4[%multiple_of3A_484] : memref<320000xi32, #tpu.memory_space<hbm>> -> memref<80xi32, #tpu.memory_space<hbm>>
      tpu.wait_dma2 semaphore(%arg16 : memref<!tpu.dma_semaphore, #tpu.memory_space<semaphore_mem>>) src(%dma_wait3A_502 : memref<80xi32, #tpu.memory_space<hbm>>) dst(%dma_wait3A_501 : memref<80xi32, #tpu.memory_space<vmem>>)
      %dma_wait3A_503 = arith.constant 0 : i32
      %dma_wait3A_504 = tpu.memref_slice %arg9[%dma_wait3A_503] : memref<240xf32, #tpu.memory_space<vmem>> -> memref<80xf32, #tpu.memory_space<vmem>>
      %dma_wait3A_505 = tpu.memref_slice %arg5[%multiple_of3A_484] : memref<320000xf32, #tpu.memory_space<hbm>> -> memref<80xf32, #tpu.memory_space<hbm>>
      %dma_wait3A_506 = arith.constant 0 : i32
      %dma_wait3A_507 = tpu.memref_slice %arg9[%dma_wait3A_506] : memref<240xf32, #tpu.memory_space<vmem>> -> memref<80xf32, #tpu.memory_space<vmem>>
      %dma_wait3A_508 = tpu.memref_slice %arg5[%multiple_of3A_484] : memref<320000xf32, #tpu.memory_space<hbm>> -> memref<80xf32, #tpu.memory_space<hbm>>
      tpu.wait_dma2 semaphore(%arg16 : memref<!tpu.dma_semaphore, #tpu.memory_space<semaphore_mem>>) src(%dma_wait3A_508 : memref<80xf32, #tpu.memory_space<hbm>>) dst(%dma_wait3A_507 : memref<80xf32, #tpu.memory_space<vmem>>)
      %dma_start3A_509 = arith.constant 0 : i32
      %dma_start3A_510 = arith.constant 0 : i32
      %dma_start3A_511 = arith.constant 0 : i32
      %dma_start3A_512 = arith.constant 0 : i32
      %dma_start3A_513 = tpu.memref_slice %arg10[%dma_start3A_510, %dma_start3A_511, %dma_start3A_512] : memref<3x80x80xf32, #tpu.memory_space<vmem>> -> memref<1x80x80xf32, #tpu.memory_space<vmem>>
      %dma_start3A_514 = tpu.memref_squeeze %dma_start3A_513 : memref<1x80x80xf32, #tpu.memory_space<vmem>> -> memref<80x80xf32, #tpu.memory_space<vmem>>
      %dma_start3A_515 = arith.constant 0 : i32
      %dma_start3A_516 = tpu.memref_slice %arg7[%dma_start3A_509, %dma_start3A_515] : memref<3x80xi32, #tpu.memory_space<vmem>> -> memref<1x80xi32, #tpu.memory_space<vmem>>
      %dma_start3A_517 = tpu.memref_squeeze %dma_start3A_516 : memref<1x80xi32, #tpu.memory_space<vmem>> -> memref<80xi32, #tpu.memory_space<vmem>>
      %dma_start3A_518 = arith.constant 0 : i32
      %dma_start3A_519 = arith.constant 0 : i32
      %dma_start3A_520 = tpu.memref_slice %arg2[%dma_start3A_518, %dma_start3A_519] : memref<80000x80xf32, #tpu.memory_space<hbm>> -> memref<80000x80xf32, #tpu.memory_space<hbm>>
      tpu.enqueue_indirect_dma source(%dma_start3A_520 : memref<80000x80xf32, #tpu.memory_space<hbm>>) target(%dma_start3A_514 : memref<80x80xf32, #tpu.memory_space<vmem>>) offsets(%dma_start3A_517 : memref<80xi32, #tpu.memory_space<vmem>>) semaphore(%arg13 : memref<!tpu.dma_semaphore, #tpu.memory_space<semaphore_mem>>)
      %ge3A_521 = arith.constant 1 : i32
      %ge3A_522 = arith.cmpi sge, %add3A_478, %ge3A_521 : i32
      %convert_element_type3A_523 = arith.extui %ge3A_522 : i1 to i32
      %cond3A_524 = arith.constant 0 : i32
      %cond3A_525 = arith.cmpi ne, %convert_element_type3A_523, %cond3A_524 : i32
      scf.if %cond3A_525 {
        %dma_wait3A_586 = arith.constant 1 : i32
        %dma_wait3A_587 = arith.constant 1 : i32
        %dma_wait3A_588 = arith.constant 0 : i32
        %dma_wait3A_589 = arith.constant 0 : i32
        %dma_wait3A_590 = tpu.memref_slice %arg10[%dma_wait3A_586, %dma_wait3A_588, %dma_wait3A_589] : memref<3x80x80xf32, #tpu.memory_space<vmem>> -> memref<1x80x80xf32, #tpu.memory_space<vmem>>
        %dma_wait3A_591 = tpu.memref_squeeze %dma_wait3A_590 : memref<1x80x80xf32, #tpu.memory_space<vmem>> -> memref<80x80xf32, #tpu.memory_space<vmem>>
        %dma_wait3A_592 = arith.constant 0 : i32
        %dma_wait3A_593 = tpu.memref_slice %arg8[%dma_wait3A_587, %dma_wait3A_592] : memref<3x80xi32, #tpu.memory_space<vmem>> -> memref<1x80xi32, #tpu.memory_space<vmem>>
        %dma_wait3A_594 = tpu.memref_squeeze %dma_wait3A_593 : memref<1x80xi32, #tpu.memory_space<vmem>> -> memref<80xi32, #tpu.memory_space<vmem>>
        %dma_wait3A_595 = arith.constant 0 : i32
        %dma_wait3A_596 = arith.constant 0 : i32
        %dma_wait3A_597 = tpu.memref_slice %arg12[%dma_wait3A_595, %dma_wait3A_596] : memref<10240x80xf32, #tpu.memory_space<vmem_shared>> -> memref<10240x80xf32, #tpu.memory_space<vmem_shared>>
        tpu.wait_indirect_dma semaphore(%arg20 : memref<!tpu.dma_semaphore, #tpu.memory_space<semaphore_mem>>) src(%dma_wait3A_591 : memref<80x80xf32, #tpu.memory_space<vmem>>) dst(%dma_wait3A_597 : memref<10240x80xf32, #tpu.memory_space<vmem_shared>>)
      } else {
      }
      %add3A_526 = arith.constant 2 : i32
      %add3A_527 = arith.addi %add3A_478, %add3A_526 : i32
      %mul3A_528 = arith.constant 80 : i32
      %mul3A_529 = arith.muli %add3A_527, %mul3A_528 : i32
      %add3A_530 = arith.addi %mul3A_2, %mul3A_529 : i32
      %multiple_of3A_531 = tpu.assume_multiple %add3A_530, 8 : i32
      %dma_start3A_532 = arith.constant 1 : i32
      %dma_start3A_533 = arith.constant 0 : i32
      %dma_start3A_534 = tpu.memref_slice %arg7[%dma_start3A_532, %dma_start3A_533] : memref<3x80xi32, #tpu.memory_space<vmem>> -> memref<1x80xi32, #tpu.memory_space<vmem>>
      %dma_start3A_535 = tpu.memref_squeeze %dma_start3A_534 : memref<1x80xi32, #tpu.memory_space<vmem>> -> memref<80xi32, #tpu.memory_space<vmem>>
      %dma_start3A_536 = tpu.memref_slice %arg3[%multiple_of3A_531] : memref<320000xi32, #tpu.memory_space<hbm>> -> memref<80xi32, #tpu.memory_space<hbm>>
      %dma_start3A_537 = arith.constant 0 : i32
      %dma_start3A_538 = tpu.memref_slice %arg7[%dma_start3A_532, %dma_start3A_537] : memref<3x80xi32, #tpu.memory_space<vmem>> -> memref<1x80xi32, #tpu.memory_space<vmem>>
      %dma_start3A_539 = tpu.memref_squeeze %dma_start3A_538 : memref<1x80xi32, #tpu.memory_space<vmem>> -> memref<80xi32, #tpu.memory_space<vmem>>
      %dma_start3A_540 = tpu.memref_slice %arg3[%multiple_of3A_531] : memref<320000xi32, #tpu.memory_space<hbm>> -> memref<80xi32, #tpu.memory_space<hbm>>
      tpu.enqueue_dma source(%dma_start3A_540 : memref<80xi32, #tpu.memory_space<hbm>>) target(%dma_start3A_539 : memref<80xi32, #tpu.memory_space<vmem>>) target_semaphore(%arg17 : memref<!tpu.dma_semaphore, #tpu.memory_space<semaphore_mem>>)
      %dma_start3A_541 = arith.constant 1 : i32
      %dma_start3A_542 = arith.constant 0 : i32
      %dma_start3A_543 = tpu.memref_slice %arg8[%dma_start3A_541, %dma_start3A_542] : memref<3x80xi32, #tpu.memory_space<vmem>> -> memref<1x80xi32, #tpu.memory_space<vmem>>
      %dma_start3A_544 = tpu.memref_squeeze %dma_start3A_543 : memref<1x80xi32, #tpu.memory_space<vmem>> -> memref<80xi32, #tpu.memory_space<vmem>>
      %dma_start3A_545 = tpu.memref_slice %arg4[%multiple_of3A_531] : memref<320000xi32, #tpu.memory_space<hbm>> -> memref<80xi32, #tpu.memory_space<hbm>>
      %dma_start3A_546 = arith.constant 0 : i32
      %dma_start3A_547 = tpu.memref_slice %arg8[%dma_start3A_541, %dma_start3A_546] : memref<3x80xi32, #tpu.memory_space<vmem>> -> memref<1x80xi32, #tpu.memory_space<vmem>>
      %dma_start3A_548 = tpu.memref_squeeze %dma_start3A_547 : memref<1x80xi32, #tpu.memory_space<vmem>> -> memref<80xi32, #tpu.memory_space<vmem>>
      %dma_start3A_549 = tpu.memref_slice %arg4[%multiple_of3A_531] : memref<320000xi32, #tpu.memory_space<hbm>> -> memref<80xi32, #tpu.memory_space<hbm>>
      tpu.enqueue_dma source(%dma_start3A_549 : memref<80xi32, #tpu.memory_space<hbm>>) target(%dma_start3A_548 : memref<80xi32, #tpu.memory_space<vmem>>) target_semaphore(%arg17 : memref<!tpu.dma_semaphore, #tpu.memory_space<semaphore_mem>>)
      %dma_start3A_550 = arith.constant 80 : i32
      %dma_start3A_551 = tpu.memref_slice %arg9[%dma_start3A_550] : memref<240xf32, #tpu.memory_space<vmem>> -> memref<80xf32, #tpu.memory_space<vmem>>
      %dma_start3A_552 = tpu.memref_slice %arg5[%multiple_of3A_531] : memref<320000xf32, #tpu.memory_space<hbm>> -> memref<80xf32, #tpu.memory_space<hbm>>
      %dma_start3A_553 = arith.constant 80 : i32
      %dma_start3A_554 = tpu.memref_slice %arg9[%dma_start3A_553] : memref<240xf32, #tpu.memory_space<vmem>> -> memref<80xf32, #tpu.memory_space<vmem>>
      %dma_start3A_555 = tpu.memref_slice %arg5[%multiple_of3A_531] : memref<320000xf32, #tpu.memory_space<hbm>> -> memref<80xf32, #tpu.memory_space<hbm>>
      tpu.enqueue_dma source(%dma_start3A_555 : memref<80xf32, #tpu.memory_space<hbm>>) target(%dma_start3A_554 : memref<80xf32, #tpu.memory_space<vmem>>) target_semaphore(%arg17 : memref<!tpu.dma_semaphore, #tpu.memory_space<semaphore_mem>>)
      %dma_wait3A_556 = arith.constant 2 : i32
      %dma_wait3A_557 = arith.constant 2 : i32
      %dma_wait3A_558 = arith.constant 0 : i32
      %dma_wait3A_559 = arith.constant 0 : i32
      %dma_wait3A_560 = tpu.memref_slice %arg10[%dma_wait3A_557, %dma_wait3A_558, %dma_wait3A_559] : memref<3x80x80xf32, #tpu.memory_space<vmem>> -> memref<1x80x80xf32, #tpu.memory_space<vmem>>
      %dma_wait3A_561 = tpu.memref_squeeze %dma_wait3A_560 : memref<1x80x80xf32, #tpu.memory_space<vmem>> -> memref<80x80xf32, #tpu.memory_space<vmem>>
      %dma_wait3A_562 = arith.constant 0 : i32
      %dma_wait3A_563 = tpu.memref_slice %arg7[%dma_wait3A_556, %dma_wait3A_562] : memref<3x80xi32, #tpu.memory_space<vmem>> -> memref<1x80xi32, #tpu.memory_space<vmem>>
      %dma_wait3A_564 = tpu.memref_squeeze %dma_wait3A_563 : memref<1x80xi32, #tpu.memory_space<vmem>> -> memref<80xi32, #tpu.memory_space<vmem>>
      %dma_wait3A_565 = arith.constant 0 : i32
      %dma_wait3A_566 = arith.constant 0 : i32
      %dma_wait3A_567 = tpu.memref_slice %arg2[%dma_wait3A_565, %dma_wait3A_566] : memref<80000x80xf32, #tpu.memory_space<hbm>> -> memref<80000x80xf32, #tpu.memory_space<hbm>>
      tpu.wait_indirect_dma semaphore(%arg15 : memref<!tpu.dma_semaphore, #tpu.memory_space<semaphore_mem>>) src(%dma_wait3A_567 : memref<80000x80xf32, #tpu.memory_space<hbm>>) dst(%dma_wait3A_561 : memref<80x80xf32, #tpu.memory_space<vmem>>)
      %scan3A_568 = arith.constant 0 : i32
      %scan3A_569 = arith.constant 0 : i32
      %scan3A_570 = arith.constant 20 : i32
      %scan3A_571 = arith.addi %scan3A_569, %scan3A_570 : i32
      %scan3A_572 = arith.constant 1 : i32
      scf.for %scan3A_586 = %scan3A_569 to %scan3A_571 step %scan3A_572  : i32 {
        %mul3A_587 = arith.constant 4 : i32
        %mul3A_588 = arith.muli %scan3A_586, %mul3A_587 : i32
        %add3A_589 = arith.constant 0 : i32
        %add3A_590 = arith.addi %mul3A_588, %add3A_589 : i32
        %broadcast_in_dim3A_591 = arith.constant 160 : i32
        %broadcast_in_dim3A_592 = vector.broadcast %broadcast_in_dim3A_591 : i32 to vector<16xi32>
        %broadcast_in_dim3A_593 = vector.broadcast %add3A_590 : i32 to vector<16xi32>
        %add3A_594 = arith.addi %broadcast_in_dim3A_592, %broadcast_in_dim3A_593 : vector<16xi32>
        %gather3A = tpu.vector_load_idx %arg9[%add3A_594] : memref<240xf32, #tpu.memory_space<vmem>>[vector<16xi32>], vector<16xf32>,
        %get3A = arith.constant 2 : i32
        %get3A_595 = arith.index_cast %get3A : i32 to index
        %get3A_596 = arith.index_cast %add3A_590 : i32 to index
        %get3A_597 = arith.constant 0 : index
        %get3A_598 = tpu.vector_load %arg10[%get3A_595, %get3A_596, %get3A_597] {strides = array<i32>} : memref<3x80x80xf32, #tpu.memory_space<vmem>>, vector<16xf32>,
        %mul3A_599 = arith.mulf %get3A_598, %gather3A : vector<16xf32>
        %swap3A = arith.constant 2 : i32
        %swap3A_600 = arith.index_cast %swap3A : i32 to index
        %swap3A_601 = arith.index_cast %add3A_590 : i32 to index
        %swap3A_602 = arith.constant 0 : index
        %swap3A_603 = tpu.vector_load %arg10[%swap3A_600, %swap3A_601, %swap3A_602] {strides = array<i32>} : memref<3x80x80xf32, #tpu.memory_space<vmem>>, vector<16xf32>,
        tpu.vector_store %arg10[%swap3A_600, %swap3A_601, %swap3A_602], %mul3A_599 {strides = array<i32>} : memref<3x80x80xf32, #tpu.memory_space<vmem>>, vector<16xf32>,
        %get3A_604 = arith.constant 2 : i32
        %get3A_605 = arith.index_cast %get3A_604 : i32 to index
        %get3A_606 = arith.index_cast %add3A_590 : i32 to index
        %get3A_607 = arith.constant 16 : index
        %get3A_608 = tpu.vector_load %arg10[%get3A_605, %get3A_606, %get3A_607] {strides = array<i32>} : memref<3x80x80xf32, #tpu.memory_space<vmem>>, vector<16xf32>,
        %mul3A_609 = arith.mulf %get3A_608, %gather3A : vector<16xf32>
        %swap3A_610 = arith.constant 2 : i32
        %swap3A_611 = arith.index_cast %swap3A_610 : i32 to index
        %swap3A_612 = arith.index_cast %add3A_590 : i32 to index
        %swap3A_613 = arith.constant 16 : index
        %swap3A_614 = tpu.vector_load %arg10[%swap3A_611, %swap3A_612, %swap3A_613] {strides = array<i32>} : memref<3x80x80xf32, #tpu.memory_space<vmem>>, vector<16xf32>,
        tpu.vector_store %arg10[%swap3A_611, %swap3A_612, %swap3A_613], %mul3A_609 {strides = array<i32>} : memref<3x80x80xf32, #tpu.memory_space<vmem>>, vector<16xf32>,
        %get3A_615 = arith.constant 2 : i32
        %get3A_616 = arith.index_cast %get3A_615 : i32 to index
        %get3A_617 = arith.index_cast %add3A_590 : i32 to index
        %get3A_618 = arith.constant 32 : index
        %get3A_619 = tpu.vector_load %arg10[%get3A_616, %get3A_617, %get3A_618] {strides = array<i32>} : memref<3x80x80xf32, #tpu.memory_space<vmem>>, vector<16xf32>,
        %mul3A_620 = arith.mulf %get3A_619, %gather3A : vector<16xf32>
        %swap3A_621 = arith.constant 2 : i32
        %swap3A_622 = arith.index_cast %swap3A_621 : i32 to index
        %swap3A_623 = arith.index_cast %add3A_590 : i32 to index
        %swap3A_624 = arith.constant 32 : index
        %swap3A_625 = tpu.vector_load %arg10[%swap3A_622, %swap3A_623, %swap3A_624] {strides = array<i32>} : memref<3x80x80xf32, #tpu.memory_space<vmem>>, vector<16xf32>,
        tpu.vector_store %arg10[%swap3A_622, %swap3A_623, %swap3A_624], %mul3A_620 {strides = array<i32>} : memref<3x80x80xf32, #tpu.memory_space<vmem>>, vector<16xf32>,
        %get3A_626 = arith.constant 2 : i32
        %get3A_627 = arith.index_cast %get3A_626 : i32 to index
        %get3A_628 = arith.index_cast %add3A_590 : i32 to index
        %get3A_629 = arith.constant 48 : index
        %get3A_630 = tpu.vector_load %arg10[%get3A_627, %get3A_628, %get3A_629] {strides = array<i32>} : memref<3x80x80xf32, #tpu.memory_space<vmem>>, vector<16xf32>,
        %mul3A_631 = arith.mulf %get3A_630, %gather3A : vector<16xf32>
        %swap3A_632 = arith.constant 2 : i32
        %swap3A_633 = arith.index_cast %swap3A_632 : i32 to index
        %swap3A_634 = arith.index_cast %add3A_590 : i32 to index
        %swap3A_635 = arith.constant 48 : index
        %swap3A_636 = tpu.vector_load %arg10[%swap3A_633, %swap3A_634, %swap3A_635] {strides = array<i32>} : memref<3x80x80xf32, #tpu.memory_space<vmem>>, vector<16xf32>,
        tpu.vector_store %arg10[%swap3A_633, %swap3A_634, %swap3A_635], %mul3A_631 {strides = array<i32>} : memref<3x80x80xf32, #tpu.memory_space<vmem>>, vector<16xf32>,
        %get3A_637 = arith.constant 2 : i32
        %get3A_638 = arith.index_cast %get3A_637 : i32 to index
        %get3A_639 = arith.index_cast %add3A_590 : i32 to index
        %get3A_640 = arith.constant 64 : index
        %get3A_641 = tpu.vector_load %arg10[%get3A_638, %get3A_639, %get3A_640] {strides = array<i32>} : memref<3x80x80xf32, #tpu.memory_space<vmem>>, vector<16xf32>,
        %mul3A_642 = arith.mulf %get3A_641, %gather3A : vector<16xf32>
        %swap3A_643 = arith.constant 2 : i32
        %swap3A_644 = arith.index_cast %swap3A_643 : i32 to index
        %swap3A_645 = arith.index_cast %add3A_590 : i32 to index
        %swap3A_646 = arith.constant 64 : index
        %swap3A_647 = tpu.vector_load %arg10[%swap3A_644, %swap3A_645, %swap3A_646] {strides = array<i32>} : memref<3x80x80xf32, #tpu.memory_space<vmem>>, vector<16xf32>,
        tpu.vector_store %arg10[%swap3A_644, %swap3A_645, %swap3A_646], %mul3A_642 {strides = array<i32>} : memref<3x80x80xf32, #tpu.memory_space<vmem>>, vector<16xf32>,
        %mul3A_648 = arith.constant 4 : i32
        %mul3A_649 = arith.muli %scan3A_586, %mul3A_648 : i32
        %add3A_650 = arith.constant 1 : i32
        %add3A_651 = arith.addi %mul3A_649, %add3A_650 : i32
        %broadcast_in_dim3A_652 = arith.constant 160 : i32
        %broadcast_in_dim3A_653 = vector.broadcast %broadcast_in_dim3A_652 : i32 to vector<16xi32>
        %broadcast_in_dim3A_654 = vector.broadcast %add3A_651 : i32 to vector<16xi32>
        %add3A_655 = arith.addi %broadcast_in_dim3A_653, %broadcast_in_dim3A_654 : vector<16xi32>
        %gather3A_656 = tpu.vector_load_idx %arg9[%add3A_655] : memref<240xf32, #tpu.memory_space<vmem>>[vector<16xi32>], vector<16xf32>,
        %get3A_657 = arith.constant 2 : i32
        %get3A_658 = arith.index_cast %get3A_657 : i32 to index
        %get3A_659 = arith.index_cast %add3A_651 : i32 to index
        %get3A_660 = arith.constant 0 : index
        %get3A_661 = tpu.vector_load %arg10[%get3A_658, %get3A_659, %get3A_660] {strides = array<i32>} : memref<3x80x80xf32, #tpu.memory_space<vmem>>, vector<16xf32>,
        %mul3A_662 = arith.mulf %get3A_661, %gather3A_656 : vector<16xf32>
        %swap3A_663 = arith.constant 2 : i32
        %swap3A_664 = arith.index_cast %swap3A_663 : i32 to index
        %swap3A_665 = arith.index_cast %add3A_651 : i32 to index
        %swap3A_666 = arith.constant 0 : index
        %swap3A_667 = tpu.vector_load %arg10[%swap3A_664, %swap3A_665, %swap3A_666] {strides = array<i32>} : memref<3x80x80xf32, #tpu.memory_space<vmem>>, vector<16xf32>,
        tpu.vector_store %arg10[%swap3A_664, %swap3A_665, %swap3A_666], %mul3A_662 {strides = array<i32>} : memref<3x80x80xf32, #tpu.memory_space<vmem>>, vector<16xf32>,
        %get3A_668 = arith.constant 2 : i32
        %get3A_669 = arith.index_cast %get3A_668 : i32 to index
        %get3A_670 = arith.index_cast %add3A_651 : i32 to index
        %get3A_671 = arith.constant 16 : index
        %get3A_672 = tpu.vector_load %arg10[%get3A_669, %get3A_670, %get3A_671] {strides = array<i32>} : memref<3x80x80xf32, #tpu.memory_space<vmem>>, vector<16xf32>,
        %mul3A_673 = arith.mulf %get3A_672, %gather3A_656 : vector<16xf32>
        %swap3A_674 = arith.constant 2 : i32
        %swap3A_675 = arith.index_cast %swap3A_674 : i32 to index
        %swap3A_676 = arith.index_cast %add3A_651 : i32 to index
        %swap3A_677 = arith.constant 16 : index
        %swap3A_678 = tpu.vector_load %arg10[%swap3A_675, %swap3A_676, %swap3A_677] {strides = array<i32>} : memref<3x80x80xf32, #tpu.memory_space<vmem>>, vector<16xf32>,
        tpu.vector_store %arg10[%swap3A_675, %swap3A_676, %swap3A_677], %mul3A_673 {strides = array<i32>} : memref<3x80x80xf32, #tpu.memory_space<vmem>>, vector<16xf32>,
        %get3A_679 = arith.constant 2 : i32
        %get3A_680 = arith.index_cast %get3A_679 : i32 to index
        %get3A_681 = arith.index_cast %add3A_651 : i32 to index
        %get3A_682 = arith.constant 32 : index
        %get3A_683 = tpu.vector_load %arg10[%get3A_680, %get3A_681, %get3A_682] {strides = array<i32>} : memref<3x80x80xf32, #tpu.memory_space<vmem>>, vector<16xf32>,
        %mul3A_684 = arith.mulf %get3A_683, %gather3A_656 : vector<16xf32>
        %swap3A_685 = arith.constant 2 : i32
        %swap3A_686 = arith.index_cast %swap3A_685 : i32 to index
        %swap3A_687 = arith.index_cast %add3A_651 : i32 to index
        %swap3A_688 = arith.constant 32 : index
        %swap3A_689 = tpu.vector_load %arg10[%swap3A_686, %swap3A_687, %swap3A_688] {strides = array<i32>} : memref<3x80x80xf32, #tpu.memory_space<vmem>>, vector<16xf32>,
        tpu.vector_store %arg10[%swap3A_686, %swap3A_687, %swap3A_688], %mul3A_684 {strides = array<i32>} : memref<3x80x80xf32, #tpu.memory_space<vmem>>, vector<16xf32>,
        %get3A_690 = arith.constant 2 : i32
        %get3A_691 = arith.index_cast %get3A_690 : i32 to index
        %get3A_692 = arith.index_cast %add3A_651 : i32 to index
        %get3A_693 = arith.constant 48 : index
        %get3A_694 = tpu.vector_load %arg10[%get3A_691, %get3A_692, %get3A_693] {strides = array<i32>} : memref<3x80x80xf32, #tpu.memory_space<vmem>>, vector<16xf32>,
        %mul3A_695 = arith.mulf %get3A_694, %gather3A_656 : vector<16xf32>
        %swap3A_696 = arith.constant 2 : i32
        %swap3A_697 = arith.index_cast %swap3A_696 : i32 to index
        %swap3A_698 = arith.index_cast %add3A_651 : i32 to index
        %swap3A_699 = arith.constant 48 : index
        %swap3A_700 = tpu.vector_load %arg10[%swap3A_697, %swap3A_698, %swap3A_699] {strides = array<i32>} : memref<3x80x80xf32, #tpu.memory_space<vmem>>, vector<16xf32>,
        tpu.vector_store %arg10[%swap3A_697, %swap3A_698, %swap3A_699], %mul3A_695 {strides = array<i32>} : memref<3x80x80xf32, #tpu.memory_space<vmem>>, vector<16xf32>,
        %get3A_701 = arith.constant 2 : i32
        %get3A_702 = arith.index_cast %get3A_701 : i32 to index
        %get3A_703 = arith.index_cast %add3A_651 : i32 to index
        %get3A_704 = arith.constant 64 : index
        %get3A_705 = tpu.vector_load %arg10[%get3A_702, %get3A_703, %get3A_704] {strides = array<i32>} : memref<3x80x80xf32, #tpu.memory_space<vmem>>, vector<16xf32>,
        %mul3A_706 = arith.mulf %get3A_705, %gather3A_656 : vector<16xf32>
        %swap3A_707 = arith.constant 2 : i32
        %swap3A_708 = arith.index_cast %swap3A_707 : i32 to index
        %swap3A_709 = arith.index_cast %add3A_651 : i32 to index
        %swap3A_710 = arith.constant 64 : index
        %swap3A_711 = tpu.vector_load %arg10[%swap3A_708, %swap3A_709, %swap3A_710] {strides = array<i32>} : memref<3x80x80xf32, #tpu.memory_space<vmem>>, vector<16xf32>,
        tpu.vector_store %arg10[%swap3A_708, %swap3A_709, %swap3A_710], %mul3A_706 {strides = array<i32>} : memref<3x80x80xf32, #tpu.memory_space<vmem>>, vector<16xf32>,
        %mul3A_712 = arith.constant 4 : i32
        %mul3A_713 = arith.muli %scan3A_586, %mul3A_712 : i32
        %add3A_714 = arith.constant 2 : i32
        %add3A_715 = arith.addi %mul3A_713, %add3A_714 : i32
        %broadcast_in_dim3A_716 = arith.constant 160 : i32
        %broadcast_in_dim3A_717 = vector.broadcast %broadcast_in_dim3A_716 : i32 to vector<16xi32>
        %broadcast_in_dim3A_718 = vector.broadcast %add3A_715 : i32 to vector<16xi32>
        %add3A_719 = arith.addi %broadcast_in_dim3A_717, %broadcast_in_dim3A_718 : vector<16xi32>
        %gather3A_720 = tpu.vector_load_idx %arg9[%add3A_719] : memref<240xf32, #tpu.memory_space<vmem>>[vector<16xi32>], vector<16xf32>,
        %get3A_721 = arith.constant 2 : i32
        %get3A_722 = arith.index_cast %get3A_721 : i32 to index
        %get3A_723 = arith.index_cast %add3A_715 : i32 to index
        %get3A_724 = arith.constant 0 : index
        %get3A_725 = tpu.vector_load %arg10[%get3A_722, %get3A_723, %get3A_724] {strides = array<i32>} : memref<3x80x80xf32, #tpu.memory_space<vmem>>, vector<16xf32>,
        %mul3A_726 = arith.mulf %get3A_725, %gather3A_720 : vector<16xf32>
        %swap3A_727 = arith.constant 2 : i32
        %swap3A_728 = arith.index_cast %swap3A_727 : i32 to index
        %swap3A_729 = arith.index_cast %add3A_715 : i32 to index
        %swap3A_730 = arith.constant 0 : index
        %swap3A_731 = tpu.vector_load %arg10[%swap3A_728, %swap3A_729, %swap3A_730] {strides = array<i32>} : memref<3x80x80xf32, #tpu.memory_space<vmem>>, vector<16xf32>,
        tpu.vector_store %arg10[%swap3A_728, %swap3A_729, %swap3A_730], %mul3A_726 {strides = array<i32>} : memref<3x80x80xf32, #tpu.memory_space<vmem>>, vector<16xf32>,
        %get3A_732 = arith.constant 2 : i32
        %get3A_733 = arith.index_cast %get3A_732 : i32 to index
        %get3A_734 = arith.index_cast %add3A_715 : i32 to index
        %get3A_735 = arith.constant 16 : index
        %get3A_736 = tpu.vector_load %arg10[%get3A_733, %get3A_734, %get3A_735] {strides = array<i32>} : memref<3x80x80xf32, #tpu.memory_space<vmem>>, vector<16xf32>,
        %mul3A_737 = arith.mulf %get3A_736, %gather3A_720 : vector<16xf32>
        %swap3A_738 = arith.constant 2 : i32
        %swap3A_739 = arith.index_cast %swap3A_738 : i32 to index
        %swap3A_740 = arith.index_cast %add3A_715 : i32 to index
        %swap3A_741 = arith.constant 16 : index
        %swap3A_742 = tpu.vector_load %arg10[%swap3A_739, %swap3A_740, %swap3A_741] {strides = array<i32>} : memref<3x80x80xf32, #tpu.memory_space<vmem>>, vector<16xf32>,
        tpu.vector_store %arg10[%swap3A_739, %swap3A_740, %swap3A_741], %mul3A_737 {strides = array<i32>} : memref<3x80x80xf32, #tpu.memory_space<vmem>>, vector<16xf32>,
        %get3A_743 = arith.constant 2 : i32
        %get3A_744 = arith.index_cast %get3A_743 : i32 to index
        %get3A_745 = arith.index_cast %add3A_715 : i32 to index
        %get3A_746 = arith.constant 32 : index
        %get3A_747 = tpu.vector_load %arg10[%get3A_744, %get3A_745, %get3A_746] {strides = array<i32>} : memref<3x80x80xf32, #tpu.memory_space<vmem>>, vector<16xf32>,
        %mul3A_748 = arith.mulf %get3A_747, %gather3A_720 : vector<16xf32>
        %swap3A_749 = arith.constant 2 : i32
        %swap3A_750 = arith.index_cast %swap3A_749 : i32 to index
        %swap3A_751 = arith.index_cast %add3A_715 : i32 to index
        %swap3A_752 = arith.constant 32 : index
        %swap3A_753 = tpu.vector_load %arg10[%swap3A_750, %swap3A_751, %swap3A_752] {strides = array<i32>} : memref<3x80x80xf32, #tpu.memory_space<vmem>>, vector<16xf32>,
        tpu.vector_store %arg10[%swap3A_750, %swap3A_751, %swap3A_752], %mul3A_748 {strides = array<i32>} : memref<3x80x80xf32, #tpu.memory_space<vmem>>, vector<16xf32>,
        %get3A_754 = arith.constant 2 : i32
        %get3A_755 = arith.index_cast %get3A_754 : i32 to index
        %get3A_756 = arith.index_cast %add3A_715 : i32 to index
        %get3A_757 = arith.constant 48 : index
        %get3A_758 = tpu.vector_load %arg10[%get3A_755, %get3A_756, %get3A_757] {strides = array<i32>} : memref<3x80x80xf32, #tpu.memory_space<vmem>>, vector<16xf32>,
        %mul3A_759 = arith.mulf %get3A_758, %gather3A_720 : vector<16xf32>
        %swap3A_760 = arith.constant 2 : i32
        %swap3A_761 = arith.index_cast %swap3A_760 : i32 to index
        %swap3A_762 = arith.index_cast %add3A_715 : i32 to index
        %swap3A_763 = arith.constant 48 : index
        %swap3A_764 = tpu.vector_load %arg10[%swap3A_761, %swap3A_762, %swap3A_763] {strides = array<i32>} : memref<3x80x80xf32, #tpu.memory_space<vmem>>, vector<16xf32>,
        tpu.vector_store %arg10[%swap3A_761, %swap3A_762, %swap3A_763], %mul3A_759 {strides = array<i32>} : memref<3x80x80xf32, #tpu.memory_space<vmem>>, vector<16xf32>,
        %get3A_765 = arith.constant 2 : i32
        %get3A_766 = arith.index_cast %get3A_765 : i32 to index
        %get3A_767 = arith.index_cast %add3A_715 : i32 to index
        %get3A_768 = arith.constant 64 : index
        %get3A_769 = tpu.vector_load %arg10[%get3A_766, %get3A_767, %get3A_768] {strides = array<i32>} : memref<3x80x80xf32, #tpu.memory_space<vmem>>, vector<16xf32>,
        %mul3A_770 = arith.mulf %get3A_769, %gather3A_720 : vector<16xf32>
        %swap3A_771 = arith.constant 2 : i32
        %swap3A_772 = arith.index_cast %swap3A_771 : i32 to index
        %swap3A_773 = arith.index_cast %add3A_715 : i32 to index
        %swap3A_774 = arith.constant 64 : index
        %swap3A_775 = tpu.vector_load %arg10[%swap3A_772, %swap3A_773, %swap3A_774] {strides = array<i32>} : memref<3x80x80xf32, #tpu.memory_space<vmem>>, vector<16xf32>,
        tpu.vector_store %arg10[%swap3A_772, %swap3A_773, %swap3A_774], %mul3A_770 {strides = array<i32>} : memref<3x80x80xf32, #tpu.memory_space<vmem>>, vector<16xf32>,
        %mul3A_776 = arith.constant 4 : i32
        %mul3A_777 = arith.muli %scan3A_586, %mul3A_776 : i32
        %add3A_778 = arith.constant 3 : i32
        %add3A_779 = arith.addi %mul3A_777, %add3A_778 : i32
        %broadcast_in_dim3A_780 = arith.constant 160 : i32
        %broadcast_in_dim3A_781 = vector.broadcast %broadcast_in_dim3A_780 : i32 to vector<16xi32>
        %broadcast_in_dim3A_782 = vector.broadcast %add3A_779 : i32 to vector<16xi32>
        %add3A_783 = arith.addi %broadcast_in_dim3A_781, %broadcast_in_dim3A_782 : vector<16xi32>
        %gather3A_784 = tpu.vector_load_idx %arg9[%add3A_783] : memref<240xf32, #tpu.memory_space<vmem>>[vector<16xi32>], vector<16xf32>,
        %get3A_785 = arith.constant 2 : i32
        %get3A_786 = arith.index_cast %get3A_785 : i32 to index
        %get3A_787 = arith.index_cast %add3A_779 : i32 to index
        %get3A_788 = arith.constant 0 : index
        %get3A_789 = tpu.vector_load %arg10[%get3A_786, %get3A_787, %get3A_788] {strides = array<i32>} : memref<3x80x80xf32, #tpu.memory_space<vmem>>, vector<16xf32>,
        %mul3A_790 = arith.mulf %get3A_789, %gather3A_784 : vector<16xf32>
        %swap3A_791 = arith.constant 2 : i32
        %swap3A_792 = arith.index_cast %swap3A_791 : i32 to index
        %swap3A_793 = arith.index_cast %add3A_779 : i32 to index
        %swap3A_794 = arith.constant 0 : index
        %swap3A_795 = tpu.vector_load %arg10[%swap3A_792, %swap3A_793, %swap3A_794] {strides = array<i32>} : memref<3x80x80xf32, #tpu.memory_space<vmem>>, vector<16xf32>,
        tpu.vector_store %arg10[%swap3A_792, %swap3A_793, %swap3A_794], %mul3A_790 {strides = array<i32>} : memref<3x80x80xf32, #tpu.memory_space<vmem>>, vector<16xf32>,
        %get3A_796 = arith.constant 2 : i32
        %get3A_797 = arith.index_cast %get3A_796 : i32 to index
        %get3A_798 = arith.index_cast %add3A_779 : i32 to index
        %get3A_799 = arith.constant 16 : index
        %get3A_800 = tpu.vector_load %arg10[%get3A_797, %get3A_798, %get3A_799] {strides = array<i32>} : memref<3x80x80xf32, #tpu.memory_space<vmem>>, vector<16xf32>,
        %mul3A_801 = arith.mulf %get3A_800, %gather3A_784 : vector<16xf32>
        %swap3A_802 = arith.constant 2 : i32
        %swap3A_803 = arith.index_cast %swap3A_802 : i32 to index
        %swap3A_804 = arith.index_cast %add3A_779 : i32 to index
        %swap3A_805 = arith.constant 16 : index
        %swap3A_806 = tpu.vector_load %arg10[%swap3A_803, %swap3A_804, %swap3A_805] {strides = array<i32>} : memref<3x80x80xf32, #tpu.memory_space<vmem>>, vector<16xf32>,
        tpu.vector_store %arg10[%swap3A_803, %swap3A_804, %swap3A_805], %mul3A_801 {strides = array<i32>} : memref<3x80x80xf32, #tpu.memory_space<vmem>>, vector<16xf32>,
        %get3A_807 = arith.constant 2 : i32
        %get3A_808 = arith.index_cast %get3A_807 : i32 to index
        %get3A_809 = arith.index_cast %add3A_779 : i32 to index
        %get3A_810 = arith.constant 32 : index
        %get3A_811 = tpu.vector_load %arg10[%get3A_808, %get3A_809, %get3A_810] {strides = array<i32>} : memref<3x80x80xf32, #tpu.memory_space<vmem>>, vector<16xf32>,
        %mul3A_812 = arith.mulf %get3A_811, %gather3A_784 : vector<16xf32>
        %swap3A_813 = arith.constant 2 : i32
        %swap3A_814 = arith.index_cast %swap3A_813 : i32 to index
        %swap3A_815 = arith.index_cast %add3A_779 : i32 to index
        %swap3A_816 = arith.constant 32 : index
        %swap3A_817 = tpu.vector_load %arg10[%swap3A_814, %swap3A_815, %swap3A_816] {strides = array<i32>} : memref<3x80x80xf32, #tpu.memory_space<vmem>>, vector<16xf32>,
        tpu.vector_store %arg10[%swap3A_814, %swap3A_815, %swap3A_816], %mul3A_812 {strides = array<i32>} : memref<3x80x80xf32, #tpu.memory_space<vmem>>, vector<16xf32>,
        %get3A_818 = arith.constant 2 : i32
        %get3A_819 = arith.index_cast %get3A_818 : i32 to index
        %get3A_820 = arith.index_cast %add3A_779 : i32 to index
        %get3A_821 = arith.constant 48 : index
        %get3A_822 = tpu.vector_load %arg10[%get3A_819, %get3A_820, %get3A_821] {strides = array<i32>} : memref<3x80x80xf32, #tpu.memory_space<vmem>>, vector<16xf32>,
        %mul3A_823 = arith.mulf %get3A_822, %gather3A_784 : vector<16xf32>
        %swap3A_824 = arith.constant 2 : i32
        %swap3A_825 = arith.index_cast %swap3A_824 : i32 to index
        %swap3A_826 = arith.index_cast %add3A_779 : i32 to index
        %swap3A_827 = arith.constant 48 : index
        %swap3A_828 = tpu.vector_load %arg10[%swap3A_825, %swap3A_826, %swap3A_827] {strides = array<i32>} : memref<3x80x80xf32, #tpu.memory_space<vmem>>, vector<16xf32>,
        tpu.vector_store %arg10[%swap3A_825, %swap3A_826, %swap3A_827], %mul3A_823 {strides = array<i32>} : memref<3x80x80xf32, #tpu.memory_space<vmem>>, vector<16xf32>,
        %get3A_829 = arith.constant 2 : i32
        %get3A_830 = arith.index_cast %get3A_829 : i32 to index
        %get3A_831 = arith.index_cast %add3A_779 : i32 to index
        %get3A_832 = arith.constant 64 : index
        %get3A_833 = tpu.vector_load %arg10[%get3A_830, %get3A_831, %get3A_832] {strides = array<i32>} : memref<3x80x80xf32, #tpu.memory_space<vmem>>, vector<16xf32>,
        %mul3A_834 = arith.mulf %get3A_833, %gather3A_784 : vector<16xf32>
        %swap3A_835 = arith.constant 2 : i32
        %swap3A_836 = arith.index_cast %swap3A_835 : i32 to index
        %swap3A_837 = arith.index_cast %add3A_779 : i32 to index
        %swap3A_838 = arith.constant 64 : index
        %swap3A_839 = tpu.vector_load %arg10[%swap3A_836, %swap3A_837, %swap3A_838] {strides = array<i32>} : memref<3x80x80xf32, #tpu.memory_space<vmem>>, vector<16xf32>,
        tpu.vector_store %arg10[%swap3A_836, %swap3A_837, %swap3A_838], %mul3A_834 {strides = array<i32>} : memref<3x80x80xf32, #tpu.memory_space<vmem>>, vector<16xf32>,
      }
      %scan3A_573 = arith.constant 20 : i32
      %dma_start3A_574 = arith.constant 2 : i32
      %dma_start3A_575 = arith.constant 2 : i32
      %dma_start3A_576 = arith.constant 0 : i32
      %dma_start3A_577 = arith.constant 0 : i32
      %dma_start3A_578 = tpu.memref_slice %arg10[%dma_start3A_574, %dma_start3A_576, %dma_start3A_577] : memref<3x80x80xf32, #tpu.memory_space<vmem>> -> memref<1x80x80xf32, #tpu.memory_space<vmem>>
      %dma_start3A_579 = tpu.memref_squeeze %dma_start3A_578 : memref<1x80x80xf32, #tpu.memory_space<vmem>> -> memref<80x80xf32, #tpu.memory_space<vmem>>
      %dma_start3A_580 = arith.constant 0 : i32
      %dma_start3A_581 = tpu.memref_slice %arg8[%dma_start3A_575, %dma_start3A_580] : memref<3x80xi32, #tpu.memory_space<vmem>> -> memref<1x80xi32, #tpu.memory_space<vmem>>
      %dma_start3A_582 = tpu.memref_squeeze %dma_start3A_581 : memref<1x80xi32, #tpu.memory_space<vmem>> -> memref<80xi32, #tpu.memory_space<vmem>>
      %dma_start3A_583 = arith.constant 0 : i32
      %dma_start3A_584 = arith.constant 0 : i32
      %dma_start3A_585 = tpu.memref_slice %arg12[%dma_start3A_583, %dma_start3A_584] : memref<10240x80xf32, #tpu.memory_space<vmem_shared>> -> memref<10240x80xf32, #tpu.memory_space<vmem_shared>>
      tpu.enqueue_indirect_dma source(%dma_start3A_579 : memref<80x80xf32, #tpu.memory_space<vmem>>) target(%dma_start3A_585 : memref<10240x80xf32, #tpu.memory_space<vmem_shared>>) offsets(%dma_start3A_582 : memref<80xi32, #tpu.memory_space<vmem>>) semaphore(%arg21 : memref<!tpu.dma_semaphore, #tpu.memory_space<semaphore_mem>>) {add = true}
    }
    %scan3A_122 = arith.constant 41 : i32
    %add3A_123 = arith.constant 9920 : i32
    %add3A_124 = arith.addi %mul3A_2, %add3A_123 : i32
    %multiple_of3A_125 = tpu.assume_multiple %add3A_124, 8 : i32
    %dma_wait3A_126 = arith.constant 1 : i32
    %dma_wait3A_127 = arith.constant 0 : i32
    %dma_wait3A_128 = tpu.memref_slice %arg7[%dma_wait3A_126, %dma_wait3A_127] : memref<3x80xi32, #tpu.memory_space<vmem>> -> memref<1x80xi32, #tpu.memory_space<vmem>>
    %dma_wait3A_129 = tpu.memref_squeeze %dma_wait3A_128 : memref<1x80xi32, #tpu.memory_space<vmem>> -> memref<80xi32, #tpu.memory_space<vmem>>
    %dma_wait3A_130 = tpu.memref_slice %arg3[%multiple_of3A_125] : memref<320000xi32, #tpu.memory_space<hbm>> -> memref<80xi32, #tpu.memory_space<hbm>>
    %dma_wait3A_131 = arith.constant 0 : i32
    %dma_wait3A_132 = tpu.memref_slice %arg7[%dma_wait3A_126, %dma_wait3A_131] : memref<3x80xi32, #tpu.memory_space<vmem>> -> memref<1x80xi32, #tpu.memory_space<vmem>>
    %dma_wait3A_133 = tpu.memref_squeeze %dma_wait3A_132 : memref<1x80xi32, #tpu.memory_space<vmem>> -> memref<80xi32, #tpu.memory_space<vmem>>
    %dma_wait3A_134 = tpu.memref_slice %arg3[%multiple_of3A_125] : memref<320000xi32, #tpu.memory_space<hbm>> -> memref<80xi32, #tpu.memory_space<hbm>>
    tpu.wait_dma2 semaphore(%arg17 : memref<!tpu.dma_semaphore, #tpu.memory_space<semaphore_mem>>) src(%dma_wait3A_134 : memref<80xi32, #tpu.memory_space<hbm>>) dst(%dma_wait3A_133 : memref<80xi32, #tpu.memory_space<vmem>>)
    %dma_wait3A_135 = arith.constant 1 : i32
    %dma_wait3A_136 = arith.constant 0 : i32
    %dma_wait3A_137 = tpu.memref_slice %arg8[%dma_wait3A_135, %dma_wait3A_136] : memref<3x80xi32, #tpu.memory_space<vmem>> -> memref<1x80xi32, #tpu.memory_space<vmem>>
    %dma_wait3A_138 = tpu.memref_squeeze %dma_wait3A_137 : memref<1x80xi32, #tpu.memory_space<vmem>> -> memref<80xi32, #tpu.memory_space<vmem>>
    %dma_wait3A_139 = tpu.memref_slice %arg4[%multiple_of3A_125] : memref<320000xi32, #tpu.memory_space<hbm>> -> memref<80xi32, #tpu.memory_space<hbm>>
    %dma_wait3A_140 = arith.constant 0 : i32
    %dma_wait3A_141 = tpu.memref_slice %arg8[%dma_wait3A_135, %dma_wait3A_140] : memref<3x80xi32, #tpu.memory_space<vmem>> -> memref<1x80xi32, #tpu.memory_space<vmem>>
    %dma_wait3A_142 = tpu.memref_squeeze %dma_wait3A_141 : memref<1x80xi32, #tpu.memory_space<vmem>> -> memref<80xi32, #tpu.memory_space<vmem>>
    %dma_wait3A_143 = tpu.memref_slice %arg4[%multiple_of3A_125] : memref<320000xi32, #tpu.memory_space<hbm>> -> memref<80xi32, #tpu.memory_space<hbm>>
    tpu.wait_dma2 semaphore(%arg17 : memref<!tpu.dma_semaphore, #tpu.memory_space<semaphore_mem>>) src(%dma_wait3A_143 : memref<80xi32, #tpu.memory_space<hbm>>) dst(%dma_wait3A_142 : memref<80xi32, #tpu.memory_space<vmem>>)
    %dma_wait3A_144 = arith.constant 80 : i32
    %dma_wait3A_145 = tpu.memref_slice %arg9[%dma_wait3A_144] : memref<240xf32, #tpu.memory_space<vmem>> -> memref<80xf32, #tpu.memory_space<vmem>>
    %dma_wait3A_146 = tpu.memref_slice %arg5[%multiple_of3A_125] : memref<320000xf32, #tpu.memory_space<hbm>> -> memref<80xf32, #tpu.memory_space<hbm>>
    %dma_wait3A_147 = arith.constant 80 : i32
    %dma_wait3A_148 = tpu.memref_slice %arg9[%dma_wait3A_147] : memref<240xf32, #tpu.memory_space<vmem>> -> memref<80xf32, #tpu.memory_space<vmem>>
    %dma_wait3A_149 = tpu.memref_slice %arg5[%multiple_of3A_125] : memref<320000xf32, #tpu.memory_space<hbm>> -> memref<80xf32, #tpu.memory_space<hbm>>
    tpu.wait_dma2 semaphore(%arg17 : memref<!tpu.dma_semaphore, #tpu.memory_space<semaphore_mem>>) src(%dma_wait3A_149 : memref<80xf32, #tpu.memory_space<hbm>>) dst(%dma_wait3A_148 : memref<80xf32, #tpu.memory_space<vmem>>)
    %dma_start3A_150 = arith.constant 1 : i32
    %dma_start3A_151 = arith.constant 1 : i32
    %dma_start3A_152 = arith.constant 0 : i32
    %dma_start3A_153 = arith.constant 0 : i32
    %dma_start3A_154 = tpu.memref_slice %arg10[%dma_start3A_151, %dma_start3A_152, %dma_start3A_153] : memref<3x80x80xf32, #tpu.memory_space<vmem>> -> memref<1x80x80xf32, #tpu.memory_space<vmem>>
    %dma_start3A_155 = tpu.memref_squeeze %dma_start3A_154 : memref<1x80x80xf32, #tpu.memory_space<vmem>> -> memref<80x80xf32, #tpu.memory_space<vmem>>
    %dma_start3A_156 = arith.constant 0 : i32
    %dma_start3A_157 = tpu.memref_slice %arg7[%dma_start3A_150, %dma_start3A_156] : memref<3x80xi32, #tpu.memory_space<vmem>> -> memref<1x80xi32, #tpu.memory_space<vmem>>
    %dma_start3A_158 = tpu.memref_squeeze %dma_start3A_157 : memref<1x80xi32, #tpu.memory_space<vmem>> -> memref<80xi32, #tpu.memory_space<vmem>>
    %dma_start3A_159 = arith.constant 0 : i32
    %dma_start3A_160 = arith.constant 0 : i32
    %dma_start3A_161 = tpu.memref_slice %arg2[%dma_start3A_159, %dma_start3A_160] : memref<80000x80xf32, #tpu.memory_space<hbm>> -> memref<80000x80xf32, #tpu.memory_space<hbm>>
    tpu.enqueue_indirect_dma source(%dma_start3A_161 : memref<80000x80xf32, #tpu.memory_space<hbm>>) target(%dma_start3A_155 : memref<80x80xf32, #tpu.memory_space<vmem>>) offsets(%dma_start3A_158 : memref<80xi32, #tpu.memory_space<vmem>>) semaphore(%arg14 : memref<!tpu.dma_semaphore, #tpu.memory_space<semaphore_mem>>)
    %dma_wait3A_162 = arith.constant 0 : i32
    %dma_wait3A_163 = arith.constant 0 : i32
    %dma_wait3A_164 = arith.constant 0 : i32
    %dma_wait3A_165 = arith.constant 0 : i32
    %dma_wait3A_166 = tpu.memref_slice %arg10[%dma_wait3A_163, %dma_wait3A_164, %dma_wait3A_165] : memref<3x80x80xf32, #tpu.memory_space<vmem>> -> memref<1x80x80xf32, #tpu.memory_space<vmem>>
    %dma_wait3A_167 = tpu.memref_squeeze %dma_wait3A_166 : memref<1x80x80xf32, #tpu.memory_space<vmem>> -> memref<80x80xf32, #tpu.memory_space<vmem>>
    %dma_wait3A_168 = arith.constant 0 : i32
    %dma_wait3A_169 = tpu.memref_slice %arg7[%dma_wait3A_162, %dma_wait3A_168] : memref<3x80xi32, #tpu.memory_space<vmem>> -> memref<1x80xi32, #tpu.memory_space<vmem>>
    %dma_wait3A_170 = tpu.memref_squeeze %dma_wait3A_169 : memref<1x80xi32, #tpu.memory_space<vmem>> -> memref<80xi32, #tpu.memory_space<vmem>>
    %dma_wait3A_171 = arith.constant 0 : i32
    %dma_wait3A_172 = arith.constant 0 : i32
    %dma_wait3A_173 = tpu.memref_slice %arg2[%dma_wait3A_171, %dma_wait3A_172] : memref<80000x80xf32, #tpu.memory_space<hbm>> -> memref<80000x80xf32, #tpu.memory_space<hbm>>
    tpu.wait_indirect_dma semaphore(%arg13 : memref<!tpu.dma_semaphore, #tpu.memory_space<semaphore_mem>>) src(%dma_wait3A_173 : memref<80000x80xf32, #tpu.memory_space<hbm>>) dst(%dma_wait3A_167 : memref<80x80xf32, #tpu.memory_space<vmem>>)
    %scan3A_174 = arith.constant 0 : i32
    %scan3A_175 = arith.constant 0 : i32
    %scan3A_176 = arith.constant 20 : i32
    %scan3A_177 = arith.addi %scan3A_175, %scan3A_176 : i32
    %scan3A_178 = arith.constant 1 : i32
    scf.for %scan3A_259 = %scan3A_175 to %scan3A_177 step %scan3A_178  : i32 {
      %mul3A_260 = arith.constant 4 : i32
      %mul3A_261 = arith.muli %scan3A_259, %mul3A_260 : i32
      %add3A_262 = arith.constant 0 : i32
      %add3A_263 = arith.addi %mul3A_261, %add3A_262 : i32
      %broadcast_in_dim3A_264 = arith.constant 0 : i32
      %broadcast_in_dim3A_265 = vector.broadcast %broadcast_in_dim3A_264 : i32 to vector<16xi32>
      %broadcast_in_dim3A_266 = vector.broadcast %add3A_263 : i32 to vector<16xi32>
      %add3A_267 = arith.addi %broadcast_in_dim3A_265, %broadcast_in_dim3A_266 : vector<16xi32>
      %gather3A = tpu.vector_load_idx %arg9[%add3A_267] : memref<240xf32, #tpu.memory_space<vmem>>[vector<16xi32>], vector<16xf32>,
      %get3A = arith.constant 0 : i32
      %get3A_268 = arith.index_cast %get3A : i32 to index
      %get3A_269 = arith.index_cast %add3A_263 : i32 to index
      %get3A_270 = arith.constant 0 : index
      %get3A_271 = tpu.vector_load %arg10[%get3A_268, %get3A_269, %get3A_270] {strides = array<i32>} : memref<3x80x80xf32, #tpu.memory_space<vmem>>, vector<16xf32>,
      %mul3A_272 = arith.mulf %get3A_271, %gather3A : vector<16xf32>
      %swap3A = arith.constant 0 : i32
      %swap3A_273 = arith.index_cast %swap3A : i32 to index
      %swap3A_274 = arith.index_cast %add3A_263 : i32 to index
      %swap3A_275 = arith.constant 0 : index
      %swap3A_276 = tpu.vector_load %arg10[%swap3A_273, %swap3A_274, %swap3A_275] {strides = array<i32>} : memref<3x80x80xf32, #tpu.memory_space<vmem>>, vector<16xf32>,
      tpu.vector_store %arg10[%swap3A_273, %swap3A_274, %swap3A_275], %mul3A_272 {strides = array<i32>} : memref<3x80x80xf32, #tpu.memory_space<vmem>>, vector<16xf32>,
      %get3A_277 = arith.constant 0 : i32
      %get3A_278 = arith.index_cast %get3A_277 : i32 to index
      %get3A_279 = arith.index_cast %add3A_263 : i32 to index
      %get3A_280 = arith.constant 16 : index
      %get3A_281 = tpu.vector_load %arg10[%get3A_278, %get3A_279, %get3A_280] {strides = array<i32>} : memref<3x80x80xf32, #tpu.memory_space<vmem>>, vector<16xf32>,
      %mul3A_282 = arith.mulf %get3A_281, %gather3A : vector<16xf32>
      %swap3A_283 = arith.constant 0 : i32
      %swap3A_284 = arith.index_cast %swap3A_283 : i32 to index
      %swap3A_285 = arith.index_cast %add3A_263 : i32 to index
      %swap3A_286 = arith.constant 16 : index
      %swap3A_287 = tpu.vector_load %arg10[%swap3A_284, %swap3A_285, %swap3A_286] {strides = array<i32>} : memref<3x80x80xf32, #tpu.memory_space<vmem>>, vector<16xf32>,
      tpu.vector_store %arg10[%swap3A_284, %swap3A_285, %swap3A_286], %mul3A_282 {strides = array<i32>} : memref<3x80x80xf32, #tpu.memory_space<vmem>>, vector<16xf32>,
      %get3A_288 = arith.constant 0 : i32
      %get3A_289 = arith.index_cast %get3A_288 : i32 to index
      %get3A_290 = arith.index_cast %add3A_263 : i32 to index
      %get3A_291 = arith.constant 32 : index
      %get3A_292 = tpu.vector_load %arg10[%get3A_289, %get3A_290, %get3A_291] {strides = array<i32>} : memref<3x80x80xf32, #tpu.memory_space<vmem>>, vector<16xf32>,
      %mul3A_293 = arith.mulf %get3A_292, %gather3A : vector<16xf32>
      %swap3A_294 = arith.constant 0 : i32
      %swap3A_295 = arith.index_cast %swap3A_294 : i32 to index
      %swap3A_296 = arith.index_cast %add3A_263 : i32 to index
      %swap3A_297 = arith.constant 32 : index
      %swap3A_298 = tpu.vector_load %arg10[%swap3A_295, %swap3A_296, %swap3A_297] {strides = array<i32>} : memref<3x80x80xf32, #tpu.memory_space<vmem>>, vector<16xf32>,
      tpu.vector_store %arg10[%swap3A_295, %swap3A_296, %swap3A_297], %mul3A_293 {strides = array<i32>} : memref<3x80x80xf32, #tpu.memory_space<vmem>>, vector<16xf32>,
      %get3A_299 = arith.constant 0 : i32
      %get3A_300 = arith.index_cast %get3A_299 : i32 to index
      %get3A_301 = arith.index_cast %add3A_263 : i32 to index
      %get3A_302 = arith.constant 48 : index
      %get3A_303 = tpu.vector_load %arg10[%get3A_300, %get3A_301, %get3A_302] {strides = array<i32>} : memref<3x80x80xf32, #tpu.memory_space<vmem>>, vector<16xf32>,
      %mul3A_304 = arith.mulf %get3A_303, %gather3A : vector<16xf32>
      %swap3A_305 = arith.constant 0 : i32
      %swap3A_306 = arith.index_cast %swap3A_305 : i32 to index
      %swap3A_307 = arith.index_cast %add3A_263 : i32 to index
      %swap3A_308 = arith.constant 48 : index
      %swap3A_309 = tpu.vector_load %arg10[%swap3A_306, %swap3A_307, %swap3A_308] {strides = array<i32>} : memref<3x80x80xf32, #tpu.memory_space<vmem>>, vector<16xf32>,
      tpu.vector_store %arg10[%swap3A_306, %swap3A_307, %swap3A_308], %mul3A_304 {strides = array<i32>} : memref<3x80x80xf32, #tpu.memory_space<vmem>>, vector<16xf32>,
      %get3A_310 = arith.constant 0 : i32
      %get3A_311 = arith.index_cast %get3A_310 : i32 to index
      %get3A_312 = arith.index_cast %add3A_263 : i32 to index
      %get3A_313 = arith.constant 64 : index
      %get3A_314 = tpu.vector_load %arg10[%get3A_311, %get3A_312, %get3A_313] {strides = array<i32>} : memref<3x80x80xf32, #tpu.memory_space<vmem>>, vector<16xf32>,
      %mul3A_315 = arith.mulf %get3A_314, %gather3A : vector<16xf32>
      %swap3A_316 = arith.constant 0 : i32
      %swap3A_317 = arith.index_cast %swap3A_316 : i32 to index
      %swap3A_318 = arith.index_cast %add3A_263 : i32 to index
      %swap3A_319 = arith.constant 64 : index
      %swap3A_320 = tpu.vector_load %arg10[%swap3A_317, %swap3A_318, %swap3A_319] {strides = array<i32>} : memref<3x80x80xf32, #tpu.memory_space<vmem>>, vector<16xf32>,
      tpu.vector_store %arg10[%swap3A_317, %swap3A_318, %swap3A_319], %mul3A_315 {strides = array<i32>} : memref<3x80x80xf32, #tpu.memory_space<vmem>>, vector<16xf32>,
      %mul3A_321 = arith.constant 4 : i32
      %mul3A_322 = arith.muli %scan3A_259, %mul3A_321 : i32
      %add3A_323 = arith.constant 1 : i32
      %add3A_324 = arith.addi %mul3A_322, %add3A_323 : i32
      %broadcast_in_dim3A_325 = arith.constant 0 : i32
      %broadcast_in_dim3A_326 = vector.broadcast %broadcast_in_dim3A_325 : i32 to vector<16xi32>
      %broadcast_in_dim3A_327 = vector.broadcast %add3A_324 : i32 to vector<16xi32>
      %add3A_328 = arith.addi %broadcast_in_dim3A_326, %broadcast_in_dim3A_327 : vector<16xi32>
      %gather3A_329 = tpu.vector_load_idx %arg9[%add3A_328] : memref<240xf32, #tpu.memory_space<vmem>>[vector<16xi32>], vector<16xf32>,
      %get3A_330 = arith.constant 0 : i32
      %get3A_331 = arith.index_cast %get3A_330 : i32 to index
      %get3A_332 = arith.index_cast %add3A_324 : i32 to index
      %get3A_333 = arith.constant 0 : index
      %get3A_334 = tpu.vector_load %arg10[%get3A_331, %get3A_332, %get3A_333] {strides = array<i32>} : memref<3x80x80xf32, #tpu.memory_space<vmem>>, vector<16xf32>,
      %mul3A_335 = arith.mulf %get3A_334, %gather3A_329 : vector<16xf32>
      %swap3A_336 = arith.constant 0 : i32
      %swap3A_337 = arith.index_cast %swap3A_336 : i32 to index
      %swap3A_338 = arith.index_cast %add3A_324 : i32 to index
      %swap3A_339 = arith.constant 0 : index
      %swap3A_340 = tpu.vector_load %arg10[%swap3A_337, %swap3A_338, %swap3A_339] {strides = array<i32>} : memref<3x80x80xf32, #tpu.memory_space<vmem>>, vector<16xf32>,
      tpu.vector_store %arg10[%swap3A_337, %swap3A_338, %swap3A_339], %mul3A_335 {strides = array<i32>} : memref<3x80x80xf32, #tpu.memory_space<vmem>>, vector<16xf32>,
      %get3A_341 = arith.constant 0 : i32
      %get3A_342 = arith.index_cast %get3A_341 : i32 to index
      %get3A_343 = arith.index_cast %add3A_324 : i32 to index
      %get3A_344 = arith.constant 16 : index
      %get3A_345 = tpu.vector_load %arg10[%get3A_342, %get3A_343, %get3A_344] {strides = array<i32>} : memref<3x80x80xf32, #tpu.memory_space<vmem>>, vector<16xf32>,
      %mul3A_346 = arith.mulf %get3A_345, %gather3A_329 : vector<16xf32>
      %swap3A_347 = arith.constant 0 : i32
      %swap3A_348 = arith.index_cast %swap3A_347 : i32 to index
      %swap3A_349 = arith.index_cast %add3A_324 : i32 to index
      %swap3A_350 = arith.constant 16 : index
      %swap3A_351 = tpu.vector_load %arg10[%swap3A_348, %swap3A_349, %swap3A_350] {strides = array<i32>} : memref<3x80x80xf32, #tpu.memory_space<vmem>>, vector<16xf32>,
      tpu.vector_store %arg10[%swap3A_348, %swap3A_349, %swap3A_350], %mul3A_346 {strides = array<i32>} : memref<3x80x80xf32, #tpu.memory_space<vmem>>, vector<16xf32>,
      %get3A_352 = arith.constant 0 : i32
      %get3A_353 = arith.index_cast %get3A_352 : i32 to index
      %get3A_354 = arith.index_cast %add3A_324 : i32 to index
      %get3A_355 = arith.constant 32 : index
      %get3A_356 = tpu.vector_load %arg10[%get3A_353, %get3A_354, %get3A_355] {strides = array<i32>} : memref<3x80x80xf32, #tpu.memory_space<vmem>>, vector<16xf32>,
      %mul3A_357 = arith.mulf %get3A_356, %gather3A_329 : vector<16xf32>
      %swap3A_358 = arith.constant 0 : i32
      %swap3A_359 = arith.index_cast %swap3A_358 : i32 to index
      %swap3A_360 = arith.index_cast %add3A_324 : i32 to index
      %swap3A_361 = arith.constant 32 : index
      %swap3A_362 = tpu.vector_load %arg10[%swap3A_359, %swap3A_360, %swap3A_361] {strides = array<i32>} : memref<3x80x80xf32, #tpu.memory_space<vmem>>, vector<16xf32>,
      tpu.vector_store %arg10[%swap3A_359, %swap3A_360, %swap3A_361], %mul3A_357 {strides = array<i32>} : memref<3x80x80xf32, #tpu.memory_space<vmem>>, vector<16xf32>,
      %get3A_363 = arith.constant 0 : i32
      %get3A_364 = arith.index_cast %get3A_363 : i32 to index
      %get3A_365 = arith.index_cast %add3A_324 : i32 to index
      %get3A_366 = arith.constant 48 : index
      %get3A_367 = tpu.vector_load %arg10[%get3A_364, %get3A_365, %get3A_366] {strides = array<i32>} : memref<3x80x80xf32, #tpu.memory_space<vmem>>, vector<16xf32>,
      %mul3A_368 = arith.mulf %get3A_367, %gather3A_329 : vector<16xf32>
      %swap3A_369 = arith.constant 0 : i32
      %swap3A_370 = arith.index_cast %swap3A_369 : i32 to index
      %swap3A_371 = arith.index_cast %add3A_324 : i32 to index
      %swap3A_372 = arith.constant 48 : index
      %swap3A_373 = tpu.vector_load %arg10[%swap3A_370, %swap3A_371, %swap3A_372] {strides = array<i32>} : memref<3x80x80xf32, #tpu.memory_space<vmem>>, vector<16xf32>,
      tpu.vector_store %arg10[%swap3A_370, %swap3A_371, %swap3A_372], %mul3A_368 {strides = array<i32>} : memref<3x80x80xf32, #tpu.memory_space<vmem>>, vector<16xf32>,
      %get3A_374 = arith.constant 0 : i32
      %get3A_375 = arith.index_cast %get3A_374 : i32 to index
      %get3A_376 = arith.index_cast %add3A_324 : i32 to index
      %get3A_377 = arith.constant 64 : index
      %get3A_378 = tpu.vector_load %arg10[%get3A_375, %get3A_376, %get3A_377] {strides = array<i32>} : memref<3x80x80xf32, #tpu.memory_space<vmem>>, vector<16xf32>,
      %mul3A_379 = arith.mulf %get3A_378, %gather3A_329 : vector<16xf32>
      %swap3A_380 = arith.constant 0 : i32
      %swap3A_381 = arith.index_cast %swap3A_380 : i32 to index
      %swap3A_382 = arith.index_cast %add3A_324 : i32 to index
      %swap3A_383 = arith.constant 64 : index
      %swap3A_384 = tpu.vector_load %arg10[%swap3A_381, %swap3A_382, %swap3A_383] {strides = array<i32>} : memref<3x80x80xf32, #tpu.memory_space<vmem>>, vector<16xf32>,
      tpu.vector_store %arg10[%swap3A_381, %swap3A_382, %swap3A_383], %mul3A_379 {strides = array<i32>} : memref<3x80x80xf32, #tpu.memory_space<vmem>>, vector<16xf32>,
      %mul3A_385 = arith.constant 4 : i32
      %mul3A_386 = arith.muli %scan3A_259, %mul3A_385 : i32
      %add3A_387 = arith.constant 2 : i32
      %add3A_388 = arith.addi %mul3A_386, %add3A_387 : i32
      %broadcast_in_dim3A_389 = arith.constant 0 : i32
      %broadcast_in_dim3A_390 = vector.broadcast %broadcast_in_dim3A_389 : i32 to vector<16xi32>
      %broadcast_in_dim3A_391 = vector.broadcast %add3A_388 : i32 to vector<16xi32>
      %add3A_392 = arith.addi %broadcast_in_dim3A_390, %broadcast_in_dim3A_391 : vector<16xi32>
      %gather3A_393 = tpu.vector_load_idx %arg9[%add3A_392] : memref<240xf32, #tpu.memory_space<vmem>>[vector<16xi32>], vector<16xf32>,
      %get3A_394 = arith.constant 0 : i32
      %get3A_395 = arith.index_cast %get3A_394 : i32 to index
      %get3A_396 = arith.index_cast %add3A_388 : i32 to index
      %get3A_397 = arith.constant 0 : index
      %get3A_398 = tpu.vector_load %arg10[%get3A_395, %get3A_396, %get3A_397] {strides = array<i32>} : memref<3x80x80xf32, #tpu.memory_space<vmem>>, vector<16xf32>,
      %mul3A_399 = arith.mulf %get3A_398, %gather3A_393 : vector<16xf32>
      %swap3A_400 = arith.constant 0 : i32
      %swap3A_401 = arith.index_cast %swap3A_400 : i32 to index
      %swap3A_402 = arith.index_cast %add3A_388 : i32 to index
      %swap3A_403 = arith.constant 0 : index
      %swap3A_404 = tpu.vector_load %arg10[%swap3A_401, %swap3A_402, %swap3A_403] {strides = array<i32>} : memref<3x80x80xf32, #tpu.memory_space<vmem>>, vector<16xf32>,
      tpu.vector_store %arg10[%swap3A_401, %swap3A_402, %swap3A_403], %mul3A_399 {strides = array<i32>} : memref<3x80x80xf32, #tpu.memory_space<vmem>>, vector<16xf32>,
      %get3A_405 = arith.constant 0 : i32
      %get3A_406 = arith.index_cast %get3A_405 : i32 to index
      %get3A_407 = arith.index_cast %add3A_388 : i32 to index
      %get3A_408 = arith.constant 16 : index
      %get3A_409 = tpu.vector_load %arg10[%get3A_406, %get3A_407, %get3A_408] {strides = array<i32>} : memref<3x80x80xf32, #tpu.memory_space<vmem>>, vector<16xf32>,
      %mul3A_410 = arith.mulf %get3A_409, %gather3A_393 : vector<16xf32>
      %swap3A_411 = arith.constant 0 : i32
      %swap3A_412 = arith.index_cast %swap3A_411 : i32 to index
      %swap3A_413 = arith.index_cast %add3A_388 : i32 to index
      %swap3A_414 = arith.constant 16 : index
      %swap3A_415 = tpu.vector_load %arg10[%swap3A_412, %swap3A_413, %swap3A_414] {strides = array<i32>} : memref<3x80x80xf32, #tpu.memory_space<vmem>>, vector<16xf32>,
      tpu.vector_store %arg10[%swap3A_412, %swap3A_413, %swap3A_414], %mul3A_410 {strides = array<i32>} : memref<3x80x80xf32, #tpu.memory_space<vmem>>, vector<16xf32>,
      %get3A_416 = arith.constant 0 : i32
      %get3A_417 = arith.index_cast %get3A_416 : i32 to index
      %get3A_418 = arith.index_cast %add3A_388 : i32 to index
      %get3A_419 = arith.constant 32 : index
      %get3A_420 = tpu.vector_load %arg10[%get3A_417, %get3A_418, %get3A_419] {strides = array<i32>} : memref<3x80x80xf32, #tpu.memory_space<vmem>>, vector<16xf32>,
      %mul3A_421 = arith.mulf %get3A_420, %gather3A_393 : vector<16xf32>
      %swap3A_422 = arith.constant 0 : i32
      %swap3A_423 = arith.index_cast %swap3A_422 : i32 to index
      %swap3A_424 = arith.index_cast %add3A_388 : i32 to index
      %swap3A_425 = arith.constant 32 : index
      %swap3A_426 = tpu.vector_load %arg10[%swap3A_423, %swap3A_424, %swap3A_425] {strides = array<i32>} : memref<3x80x80xf32, #tpu.memory_space<vmem>>, vector<16xf32>,
      tpu.vector_store %arg10[%swap3A_423, %swap3A_424, %swap3A_425], %mul3A_421 {strides = array<i32>} : memref<3x80x80xf32, #tpu.memory_space<vmem>>, vector<16xf32>,
      %get3A_427 = arith.constant 0 : i32
      %get3A_428 = arith.index_cast %get3A_427 : i32 to index
      %get3A_429 = arith.index_cast %add3A_388 : i32 to index
      %get3A_430 = arith.constant 48 : index
      %get3A_431 = tpu.vector_load %arg10[%get3A_428, %get3A_429, %get3A_430] {strides = array<i32>} : memref<3x80x80xf32, #tpu.memory_space<vmem>>, vector<16xf32>,
      %mul3A_432 = arith.mulf %get3A_431, %gather3A_393 : vector<16xf32>
      %swap3A_433 = arith.constant 0 : i32
      %swap3A_434 = arith.index_cast %swap3A_433 : i32 to index
      %swap3A_435 = arith.index_cast %add3A_388 : i32 to index
      %swap3A_436 = arith.constant 48 : index
      %swap3A_437 = tpu.vector_load %arg10[%swap3A_434, %swap3A_435, %swap3A_436] {strides = array<i32>} : memref<3x80x80xf32, #tpu.memory_space<vmem>>, vector<16xf32>,
      tpu.vector_store %arg10[%swap3A_434, %swap3A_435, %swap3A_436], %mul3A_432 {strides = array<i32>} : memref<3x80x80xf32, #tpu.memory_space<vmem>>, vector<16xf32>,
      %get3A_438 = arith.constant 0 : i32
      %get3A_439 = arith.index_cast %get3A_438 : i32 to index
      %get3A_440 = arith.index_cast %add3A_388 : i32 to index
      %get3A_441 = arith.constant 64 : index
      %get3A_442 = tpu.vector_load %arg10[%get3A_439, %get3A_440, %get3A_441] {strides = array<i32>} : memref<3x80x80xf32, #tpu.memory_space<vmem>>, vector<16xf32>,
      %mul3A_443 = arith.mulf %get3A_442, %gather3A_393 : vector<16xf32>
      %swap3A_444 = arith.constant 0 : i32
      %swap3A_445 = arith.index_cast %swap3A_444 : i32 to index
      %swap3A_446 = arith.index_cast %add3A_388 : i32 to index
      %swap3A_447 = arith.constant 64 : index
      %swap3A_448 = tpu.vector_load %arg10[%swap3A_445, %swap3A_446, %swap3A_447] {strides = array<i32>} : memref<3x80x80xf32, #tpu.memory_space<vmem>>, vector<16xf32>,
      tpu.vector_store %arg10[%swap3A_445, %swap3A_446, %swap3A_447], %mul3A_443 {strides = array<i32>} : memref<3x80x80xf32, #tpu.memory_space<vmem>>, vector<16xf32>,
      %mul3A_449 = arith.constant 4 : i32
      %mul3A_450 = arith.muli %scan3A_259, %mul3A_449 : i32
      %add3A_451 = arith.constant 3 : i32
      %add3A_452 = arith.addi %mul3A_450, %add3A_451 : i32
      %broadcast_in_dim3A_453 = arith.constant 0 : i32
      %broadcast_in_dim3A_454 = vector.broadcast %broadcast_in_dim3A_453 : i32 to vector<16xi32>
      %broadcast_in_dim3A_455 = vector.broadcast %add3A_452 : i32 to vector<16xi32>
      %add3A_456 = arith.addi %broadcast_in_dim3A_454, %broadcast_in_dim3A_455 : vector<16xi32>
      %gather3A_457 = tpu.vector_load_idx %arg9[%add3A_456] : memref<240xf32, #tpu.memory_space<vmem>>[vector<16xi32>], vector<16xf32>,
      %get3A_458 = arith.constant 0 : i32
      %get3A_459 = arith.index_cast %get3A_458 : i32 to index
      %get3A_460 = arith.index_cast %add3A_452 : i32 to index
      %get3A_461 = arith.constant 0 : index
      %get3A_462 = tpu.vector_load %arg10[%get3A_459, %get3A_460, %get3A_461] {strides = array<i32>} : memref<3x80x80xf32, #tpu.memory_space<vmem>>, vector<16xf32>,
      %mul3A_463 = arith.mulf %get3A_462, %gather3A_457 : vector<16xf32>
      %swap3A_464 = arith.constant 0 : i32
      %swap3A_465 = arith.index_cast %swap3A_464 : i32 to index
      %swap3A_466 = arith.index_cast %add3A_452 : i32 to index
      %swap3A_467 = arith.constant 0 : index
      %swap3A_468 = tpu.vector_load %arg10[%swap3A_465, %swap3A_466, %swap3A_467] {strides = array<i32>} : memref<3x80x80xf32, #tpu.memory_space<vmem>>, vector<16xf32>,
      tpu.vector_store %arg10[%swap3A_465, %swap3A_466, %swap3A_467], %mul3A_463 {strides = array<i32>} : memref<3x80x80xf32, #tpu.memory_space<vmem>>, vector<16xf32>,
      %get3A_469 = arith.constant 0 : i32
      %get3A_470 = arith.index_cast %get3A_469 : i32 to index
      %get3A_471 = arith.index_cast %add3A_452 : i32 to index
      %get3A_472 = arith.constant 16 : index
      %get3A_473 = tpu.vector_load %arg10[%get3A_470, %get3A_471, %get3A_472] {strides = array<i32>} : memref<3x80x80xf32, #tpu.memory_space<vmem>>, vector<16xf32>,
      %mul3A_474 = arith.mulf %get3A_473, %gather3A_457 : vector<16xf32>
      %swap3A_475 = arith.constant 0 : i32
      %swap3A_476 = arith.index_cast %swap3A_475 : i32 to index
      %swap3A_477 = arith.index_cast %add3A_452 : i32 to index
      %swap3A_478 = arith.constant 16 : index
      %swap3A_479 = tpu.vector_load %arg10[%swap3A_476, %swap3A_477, %swap3A_478] {strides = array<i32>} : memref<3x80x80xf32, #tpu.memory_space<vmem>>, vector<16xf32>,
      tpu.vector_store %arg10[%swap3A_476, %swap3A_477, %swap3A_478], %mul3A_474 {strides = array<i32>} : memref<3x80x80xf32, #tpu.memory_space<vmem>>, vector<16xf32>,
      %get3A_480 = arith.constant 0 : i32
      %get3A_481 = arith.index_cast %get3A_480 : i32 to index
      %get3A_482 = arith.index_cast %add3A_452 : i32 to index
      %get3A_483 = arith.constant 32 : index
      %get3A_484 = tpu.vector_load %arg10[%get3A_481, %get3A_482, %get3A_483] {strides = array<i32>} : memref<3x80x80xf32, #tpu.memory_space<vmem>>, vector<16xf32>,
      %mul3A_485 = arith.mulf %get3A_484, %gather3A_457 : vector<16xf32>
      %swap3A_486 = arith.constant 0 : i32
      %swap3A_487 = arith.index_cast %swap3A_486 : i32 to index
      %swap3A_488 = arith.index_cast %add3A_452 : i32 to index
      %swap3A_489 = arith.constant 32 : index
      %swap3A_490 = tpu.vector_load %arg10[%swap3A_487, %swap3A_488, %swap3A_489] {strides = array<i32>} : memref<3x80x80xf32, #tpu.memory_space<vmem>>, vector<16xf32>,
      tpu.vector_store %arg10[%swap3A_487, %swap3A_488, %swap3A_489], %mul3A_485 {strides = array<i32>} : memref<3x80x80xf32, #tpu.memory_space<vmem>>, vector<16xf32>,
      %get3A_491 = arith.constant 0 : i32
      %get3A_492 = arith.index_cast %get3A_491 : i32 to index
      %get3A_493 = arith.index_cast %add3A_452 : i32 to index
      %get3A_494 = arith.constant 48 : index
      %get3A_495 = tpu.vector_load %arg10[%get3A_492, %get3A_493, %get3A_494] {strides = array<i32>} : memref<3x80x80xf32, #tpu.memory_space<vmem>>, vector<16xf32>,
      %mul3A_496 = arith.mulf %get3A_495, %gather3A_457 : vector<16xf32>
      %swap3A_497 = arith.constant 0 : i32
      %swap3A_498 = arith.index_cast %swap3A_497 : i32 to index
      %swap3A_499 = arith.index_cast %add3A_452 : i32 to index
      %swap3A_500 = arith.constant 48 : index
      %swap3A_501 = tpu.vector_load %arg10[%swap3A_498, %swap3A_499, %swap3A_500] {strides = array<i32>} : memref<3x80x80xf32, #tpu.memory_space<vmem>>, vector<16xf32>,
      tpu.vector_store %arg10[%swap3A_498, %swap3A_499, %swap3A_500], %mul3A_496 {strides = array<i32>} : memref<3x80x80xf32, #tpu.memory_space<vmem>>, vector<16xf32>,
      %get3A_502 = arith.constant 0 : i32
      %get3A_503 = arith.index_cast %get3A_502 : i32 to index
      %get3A_504 = arith.index_cast %add3A_452 : i32 to index
      %get3A_505 = arith.constant 64 : index
      %get3A_506 = tpu.vector_load %arg10[%get3A_503, %get3A_504, %get3A_505] {strides = array<i32>} : memref<3x80x80xf32, #tpu.memory_space<vmem>>, vector<16xf32>,
      %mul3A_507 = arith.mulf %get3A_506, %gather3A_457 : vector<16xf32>
      %swap3A_508 = arith.constant 0 : i32
      %swap3A_509 = arith.index_cast %swap3A_508 : i32 to index
      %swap3A_510 = arith.index_cast %add3A_452 : i32 to index
      %swap3A_511 = arith.constant 64 : index
      %swap3A_512 = tpu.vector_load %arg10[%swap3A_509, %swap3A_510, %swap3A_511] {strides = array<i32>} : memref<3x80x80xf32, #tpu.memory_space<vmem>>, vector<16xf32>,
      tpu.vector_store %arg10[%swap3A_509, %swap3A_510, %swap3A_511], %mul3A_507 {strides = array<i32>} : memref<3x80x80xf32, #tpu.memory_space<vmem>>, vector<16xf32>,
    }
    %scan3A_179 = arith.constant 20 : i32
    %dma_wait3A_180 = arith.constant 2 : i32
    %dma_wait3A_181 = arith.constant 2 : i32
    %dma_wait3A_182 = arith.constant 0 : i32
    %dma_wait3A_183 = arith.constant 0 : i32
    %dma_wait3A_184 = tpu.memref_slice %arg10[%dma_wait3A_180, %dma_wait3A_182, %dma_wait3A_183] : memref<3x80x80xf32, #tpu.memory_space<vmem>> -> memref<1x80x80xf32, #tpu.memory_space<vmem>>
    %dma_wait3A_185 = tpu.memref_squeeze %dma_wait3A_184 : memref<1x80x80xf32, #tpu.memory_space<vmem>> -> memref<80x80xf32, #tpu.memory_space<vmem>>
    %dma_wait3A_186 = arith.constant 0 : i32
    %dma_wait3A_187 = tpu.memref_slice %arg8[%dma_wait3A_181, %dma_wait3A_186] : memref<3x80xi32, #tpu.memory_space<vmem>> -> memref<1x80xi32, #tpu.memory_space<vmem>>
    %dma_wait3A_188 = tpu.memref_squeeze %dma_wait3A_187 : memref<1x80xi32, #tpu.memory_space<vmem>> -> memref<80xi32, #tpu.memory_space<vmem>>
    %dma_wait3A_189 = arith.constant 0 : i32
    %dma_wait3A_190 = arith.constant 0 : i32
    %dma_wait3A_191 = tpu.memref_slice %arg12[%dma_wait3A_189, %dma_wait3A_190] : memref<10240x80xf32, #tpu.memory_space<vmem_shared>> -> memref<10240x80xf32, #tpu.memory_space<vmem_shared>>
    tpu.wait_indirect_dma semaphore(%arg21 : memref<!tpu.dma_semaphore, #tpu.memory_space<semaphore_mem>>) src(%dma_wait3A_185 : memref<80x80xf32, #tpu.memory_space<vmem>>) dst(%dma_wait3A_191 : memref<10240x80xf32, #tpu.memory_space<vmem_shared>>)
    %dma_start3A_192 = arith.constant 0 : i32
    %dma_start3A_193 = arith.constant 0 : i32
    %dma_start3A_194 = arith.constant 0 : i32
    %dma_start3A_195 = arith.constant 0 : i32
    %dma_start3A_196 = tpu.memref_slice %arg10[%dma_start3A_192, %dma_start3A_194, %dma_start3A_195] : memref<3x80x80xf32, #tpu.memory_space<vmem>> -> memref<1x80x80xf32, #tpu.memory_space<vmem>>
    %dma_start3A_197 = tpu.memref_squeeze %dma_start3A_196 : memref<1x80x80xf32, #tpu.memory_space<vmem>> -> memref<80x80xf32, #tpu.memory_space<vmem>>
    %dma_start3A_198 = arith.constant 0 : i32
    %dma_start3A_199 = tpu.memref_slice %arg8[%dma_start3A_193, %dma_start3A_198] : memref<3x80xi32, #tpu.memory_space<vmem>> -> memref<1x80xi32, #tpu.memory_space<vmem>>
    %dma_start3A_200 = tpu.memref_squeeze %dma_start3A_199 : memref<1x80xi32, #tpu.memory_space<vmem>> -> memref<80xi32, #tpu.memory_space<vmem>>
    %dma_start3A_201 = arith.constant 0 : i32
    %dma_start3A_202 = arith.constant 0 : i32
    %dma_start3A_203 = tpu.memref_slice %arg12[%dma_start3A_201, %dma_start3A_202] : memref<10240x80xf32, #tpu.memory_space<vmem_shared>> -> memref<10240x80xf32, #tpu.memory_space<vmem_shared>>
    tpu.enqueue_indirect_dma source(%dma_start3A_197 : memref<80x80xf32, #tpu.memory_space<vmem>>) target(%dma_start3A_203 : memref<10240x80xf32, #tpu.memory_space<vmem_shared>>) offsets(%dma_start3A_200 : memref<80xi32, #tpu.memory_space<vmem>>) semaphore(%arg19 : memref<!tpu.dma_semaphore, #tpu.memory_space<semaphore_mem>>) {add = true}
    %dma_wait3A_204 = arith.constant 1 : i32
    %dma_wait3A_205 = arith.constant 1 : i32
    %dma_wait3A_206 = arith.constant 0 : i32
    %dma_wait3A_207 = arith.constant 0 : i32
    %dma_wait3A_208 = tpu.memref_slice %arg10[%dma_wait3A_205, %dma_wait3A_206, %dma_wait3A_207] : memref<3x80x80xf32, #tpu.memory_space<vmem>> -> memref<1x80x80xf32, #tpu.memory_space<vmem>>
    %dma_wait3A_209 = tpu.memref_squeeze %dma_wait3A_208 : memref<1x80x80xf32, #tpu.memory_space<vmem>> -> memref<80x80xf32, #tpu.memory_space<vmem>>
    %dma_wait3A_210 = arith.constant 0 : i32
    %dma_wait3A_211 = tpu.memref_slice %arg7[%dma_wait3A_204, %dma_wait3A_210] : memref<3x80xi32, #tpu.memory_space<vmem>> -> memref<1x80xi32, #tpu.memory_space<vmem>>
    %dma_wait3A_212 = tpu.memref_squeeze %dma_wait3A_211 : memref<1x80xi32, #tpu.memory_space<vmem>> -> memref<80xi32, #tpu.memory_space<vmem>>
    %dma_wait3A_213 = arith.constant 0 : i32
    %dma_wait3A_214 = arith.constant 0 : i32
    %dma_wait3A_215 = tpu.memref_slice %arg2[%dma_wait3A_213, %dma_wait3A_214] : memref<80000x80xf32, #tpu.memory_space<hbm>> -> memref<80000x80xf32, #tpu.memory_space<hbm>>
    tpu.wait_indirect_dma semaphore(%arg14 : memref<!tpu.dma_semaphore, #tpu.memory_space<semaphore_mem>>) src(%dma_wait3A_215 : memref<80000x80xf32, #tpu.memory_space<hbm>>) dst(%dma_wait3A_209 : memref<80x80xf32, #tpu.memory_space<vmem>>)
    %scan3A_216 = arith.constant 0 : i32
    %scan3A_217 = arith.constant 0 : i32
    %scan3A_218 = arith.constant 20 : i32
    %scan3A_219 = arith.addi %scan3A_217, %scan3A_218 : i32
    %scan3A_220 = arith.constant 1 : i32
    scf.for %scan3A_259 = %scan3A_217 to %scan3A_219 step %scan3A_220  : i32 {
      %mul3A_260 = arith.constant 4 : i32
      %mul3A_261 = arith.muli %scan3A_259, %mul3A_260 : i32
      %add3A_262 = arith.constant 0 : i32
      %add3A_263 = arith.addi %mul3A_261, %add3A_262 : i32
      %broadcast_in_dim3A_264 = arith.constant 80 : i32
      %broadcast_in_dim3A_265 = vector.broadcast %broadcast_in_dim3A_264 : i32 to vector<16xi32>
      %broadcast_in_dim3A_266 = vector.broadcast %add3A_263 : i32 to vector<16xi32>
      %add3A_267 = arith.addi %broadcast_in_dim3A_265, %broadcast_in_dim3A_266 : vector<16xi32>
      %gather3A = tpu.vector_load_idx %arg9[%add3A_267] : memref<240xf32, #tpu.memory_space<vmem>>[vector<16xi32>], vector<16xf32>,
      %get3A = arith.constant 1 : i32
      %get3A_268 = arith.index_cast %get3A : i32 to index
      %get3A_269 = arith.index_cast %add3A_263 : i32 to index
      %get3A_270 = arith.constant 0 : index
      %get3A_271 = tpu.vector_load %arg10[%get3A_268, %get3A_269, %get3A_270] {strides = array<i32>} : memref<3x80x80xf32, #tpu.memory_space<vmem>>, vector<16xf32>,
      %mul3A_272 = arith.mulf %get3A_271, %gather3A : vector<16xf32>
      %swap3A = arith.constant 1 : i32
      %swap3A_273 = arith.index_cast %swap3A : i32 to index
      %swap3A_274 = arith.index_cast %add3A_263 : i32 to index
      %swap3A_275 = arith.constant 0 : index
      %swap3A_276 = tpu.vector_load %arg10[%swap3A_273, %swap3A_274, %swap3A_275] {strides = array<i32>} : memref<3x80x80xf32, #tpu.memory_space<vmem>>, vector<16xf32>,
      tpu.vector_store %arg10[%swap3A_273, %swap3A_274, %swap3A_275], %mul3A_272 {strides = array<i32>} : memref<3x80x80xf32, #tpu.memory_space<vmem>>, vector<16xf32>,
      %get3A_277 = arith.constant 1 : i32
      %get3A_278 = arith.index_cast %get3A_277 : i32 to index
      %get3A_279 = arith.index_cast %add3A_263 : i32 to index
      %get3A_280 = arith.constant 16 : index
      %get3A_281 = tpu.vector_load %arg10[%get3A_278, %get3A_279, %get3A_280] {strides = array<i32>} : memref<3x80x80xf32, #tpu.memory_space<vmem>>, vector<16xf32>,
      %mul3A_282 = arith.mulf %get3A_281, %gather3A : vector<16xf32>
      %swap3A_283 = arith.constant 1 : i32
      %swap3A_284 = arith.index_cast %swap3A_283 : i32 to index
      %swap3A_285 = arith.index_cast %add3A_263 : i32 to index
      %swap3A_286 = arith.constant 16 : index
      %swap3A_287 = tpu.vector_load %arg10[%swap3A_284, %swap3A_285, %swap3A_286] {strides = array<i32>} : memref<3x80x80xf32, #tpu.memory_space<vmem>>, vector<16xf32>,
      tpu.vector_store %arg10[%swap3A_284, %swap3A_285, %swap3A_286], %mul3A_282 {strides = array<i32>} : memref<3x80x80xf32, #tpu.memory_space<vmem>>, vector<16xf32>,
      %get3A_288 = arith.constant 1 : i32
      %get3A_289 = arith.index_cast %get3A_288 : i32 to index
      %get3A_290 = arith.index_cast %add3A_263 : i32 to index
      %get3A_291 = arith.constant 32 : index
      %get3A_292 = tpu.vector_load %arg10[%get3A_289, %get3A_290, %get3A_291] {strides = array<i32>} : memref<3x80x80xf32, #tpu.memory_space<vmem>>, vector<16xf32>,
      %mul3A_293 = arith.mulf %get3A_292, %gather3A : vector<16xf32>
      %swap3A_294 = arith.constant 1 : i32
      %swap3A_295 = arith.index_cast %swap3A_294 : i32 to index
      %swap3A_296 = arith.index_cast %add3A_263 : i32 to index
      %swap3A_297 = arith.constant 32 : index
      %swap3A_298 = tpu.vector_load %arg10[%swap3A_295, %swap3A_296, %swap3A_297] {strides = array<i32>} : memref<3x80x80xf32, #tpu.memory_space<vmem>>, vector<16xf32>,
      tpu.vector_store %arg10[%swap3A_295, %swap3A_296, %swap3A_297], %mul3A_293 {strides = array<i32>} : memref<3x80x80xf32, #tpu.memory_space<vmem>>, vector<16xf32>,
      %get3A_299 = arith.constant 1 : i32
      %get3A_300 = arith.index_cast %get3A_299 : i32 to index
      %get3A_301 = arith.index_cast %add3A_263 : i32 to index
      %get3A_302 = arith.constant 48 : index
      %get3A_303 = tpu.vector_load %arg10[%get3A_300, %get3A_301, %get3A_302] {strides = array<i32>} : memref<3x80x80xf32, #tpu.memory_space<vmem>>, vector<16xf32>,
      %mul3A_304 = arith.mulf %get3A_303, %gather3A : vector<16xf32>
      %swap3A_305 = arith.constant 1 : i32
      %swap3A_306 = arith.index_cast %swap3A_305 : i32 to index
      %swap3A_307 = arith.index_cast %add3A_263 : i32 to index
      %swap3A_308 = arith.constant 48 : index
      %swap3A_309 = tpu.vector_load %arg10[%swap3A_306, %swap3A_307, %swap3A_308] {strides = array<i32>} : memref<3x80x80xf32, #tpu.memory_space<vmem>>, vector<16xf32>,
      tpu.vector_store %arg10[%swap3A_306, %swap3A_307, %swap3A_308], %mul3A_304 {strides = array<i32>} : memref<3x80x80xf32, #tpu.memory_space<vmem>>, vector<16xf32>,
      %get3A_310 = arith.constant 1 : i32
      %get3A_311 = arith.index_cast %get3A_310 : i32 to index
      %get3A_312 = arith.index_cast %add3A_263 : i32 to index
      %get3A_313 = arith.constant 64 : index
      %get3A_314 = tpu.vector_load %arg10[%get3A_311, %get3A_312, %get3A_313] {strides = array<i32>} : memref<3x80x80xf32, #tpu.memory_space<vmem>>, vector<16xf32>,
      %mul3A_315 = arith.mulf %get3A_314, %gather3A : vector<16xf32>
      %swap3A_316 = arith.constant 1 : i32
      %swap3A_317 = arith.index_cast %swap3A_316 : i32 to index
      %swap3A_318 = arith.index_cast %add3A_263 : i32 to index
      %swap3A_319 = arith.constant 64 : index
      %swap3A_320 = tpu.vector_load %arg10[%swap3A_317, %swap3A_318, %swap3A_319] {strides = array<i32>} : memref<3x80x80xf32, #tpu.memory_space<vmem>>, vector<16xf32>,
      tpu.vector_store %arg10[%swap3A_317, %swap3A_318, %swap3A_319], %mul3A_315 {strides = array<i32>} : memref<3x80x80xf32, #tpu.memory_space<vmem>>, vector<16xf32>,
      %mul3A_321 = arith.constant 4 : i32
      %mul3A_322 = arith.muli %scan3A_259, %mul3A_321 : i32
      %add3A_323 = arith.constant 1 : i32
      %add3A_324 = arith.addi %mul3A_322, %add3A_323 : i32
      %broadcast_in_dim3A_325 = arith.constant 80 : i32
      %broadcast_in_dim3A_326 = vector.broadcast %broadcast_in_dim3A_325 : i32 to vector<16xi32>
      %broadcast_in_dim3A_327 = vector.broadcast %add3A_324 : i32 to vector<16xi32>
      %add3A_328 = arith.addi %broadcast_in_dim3A_326, %broadcast_in_dim3A_327 : vector<16xi32>
      %gather3A_329 = tpu.vector_load_idx %arg9[%add3A_328] : memref<240xf32, #tpu.memory_space<vmem>>[vector<16xi32>], vector<16xf32>,
      %get3A_330 = arith.constant 1 : i32
      %get3A_331 = arith.index_cast %get3A_330 : i32 to index
      %get3A_332 = arith.index_cast %add3A_324 : i32 to index
      %get3A_333 = arith.constant 0 : index
      %get3A_334 = tpu.vector_load %arg10[%get3A_331, %get3A_332, %get3A_333] {strides = array<i32>} : memref<3x80x80xf32, #tpu.memory_space<vmem>>, vector<16xf32>,
      %mul3A_335 = arith.mulf %get3A_334, %gather3A_329 : vector<16xf32>
      %swap3A_336 = arith.constant 1 : i32
      %swap3A_337 = arith.index_cast %swap3A_336 : i32 to index
      %swap3A_338 = arith.index_cast %add3A_324 : i32 to index
      %swap3A_339 = arith.constant 0 : index
      %swap3A_340 = tpu.vector_load %arg10[%swap3A_337, %swap3A_338, %swap3A_339] {strides = array<i32>} : memref<3x80x80xf32, #tpu.memory_space<vmem>>, vector<16xf32>,
      tpu.vector_store %arg10[%swap3A_337, %swap3A_338, %swap3A_339], %mul3A_335 {strides = array<i32>} : memref<3x80x80xf32, #tpu.memory_space<vmem>>, vector<16xf32>,
      %get3A_341 = arith.constant 1 : i32
      %get3A_342 = arith.index_cast %get3A_341 : i32 to index
      %get3A_343 = arith.index_cast %add3A_324 : i32 to index
      %get3A_344 = arith.constant 16 : index
      %get3A_345 = tpu.vector_load %arg10[%get3A_342, %get3A_343, %get3A_344] {strides = array<i32>} : memref<3x80x80xf32, #tpu.memory_space<vmem>>, vector<16xf32>,
      %mul3A_346 = arith.mulf %get3A_345, %gather3A_329 : vector<16xf32>
      %swap3A_347 = arith.constant 1 : i32
      %swap3A_348 = arith.index_cast %swap3A_347 : i32 to index
      %swap3A_349 = arith.index_cast %add3A_324 : i32 to index
      %swap3A_350 = arith.constant 16 : index
      %swap3A_351 = tpu.vector_load %arg10[%swap3A_348, %swap3A_349, %swap3A_350] {strides = array<i32>} : memref<3x80x80xf32, #tpu.memory_space<vmem>>, vector<16xf32>,
      tpu.vector_store %arg10[%swap3A_348, %swap3A_349, %swap3A_350], %mul3A_346 {strides = array<i32>} : memref<3x80x80xf32, #tpu.memory_space<vmem>>, vector<16xf32>,
      %get3A_352 = arith.constant 1 : i32
      %get3A_353 = arith.index_cast %get3A_352 : i32 to index
      %get3A_354 = arith.index_cast %add3A_324 : i32 to index
      %get3A_355 = arith.constant 32 : index
      %get3A_356 = tpu.vector_load %arg10[%get3A_353, %get3A_354, %get3A_355] {strides = array<i32>} : memref<3x80x80xf32, #tpu.memory_space<vmem>>, vector<16xf32>,
      %mul3A_357 = arith.mulf %get3A_356, %gather3A_329 : vector<16xf32>
      %swap3A_358 = arith.constant 1 : i32
      %swap3A_359 = arith.index_cast %swap3A_358 : i32 to index
      %swap3A_360 = arith.index_cast %add3A_324 : i32 to index
      %swap3A_361 = arith.constant 32 : index
      %swap3A_362 = tpu.vector_load %arg10[%swap3A_359, %swap3A_360, %swap3A_361] {strides = array<i32>} : memref<3x80x80xf32, #tpu.memory_space<vmem>>, vector<16xf32>,
      tpu.vector_store %arg10[%swap3A_359, %swap3A_360, %swap3A_361], %mul3A_357 {strides = array<i32>} : memref<3x80x80xf32, #tpu.memory_space<vmem>>, vector<16xf32>,
      %get3A_363 = arith.constant 1 : i32
      %get3A_364 = arith.index_cast %get3A_363 : i32 to index
      %get3A_365 = arith.index_cast %add3A_324 : i32 to index
      %get3A_366 = arith.constant 48 : index
      %get3A_367 = tpu.vector_load %arg10[%get3A_364, %get3A_365, %get3A_366] {strides = array<i32>} : memref<3x80x80xf32, #tpu.memory_space<vmem>>, vector<16xf32>,
      %mul3A_368 = arith.mulf %get3A_367, %gather3A_329 : vector<16xf32>
      %swap3A_369 = arith.constant 1 : i32
      %swap3A_370 = arith.index_cast %swap3A_369 : i32 to index
      %swap3A_371 = arith.index_cast %add3A_324 : i32 to index
      %swap3A_372 = arith.constant 48 : index
      %swap3A_373 = tpu.vector_load %arg10[%swap3A_370, %swap3A_371, %swap3A_372] {strides = array<i32>} : memref<3x80x80xf32, #tpu.memory_space<vmem>>, vector<16xf32>,
      tpu.vector_store %arg10[%swap3A_370, %swap3A_371, %swap3A_372], %mul3A_368 {strides = array<i32>} : memref<3x80x80xf32, #tpu.memory_space<vmem>>, vector<16xf32>,
      %get3A_374 = arith.constant 1 : i32
      %get3A_375 = arith.index_cast %get3A_374 : i32 to index
      %get3A_376 = arith.index_cast %add3A_324 : i32 to index
      %get3A_377 = arith.constant 64 : index
      %get3A_378 = tpu.vector_load %arg10[%get3A_375, %get3A_376, %get3A_377] {strides = array<i32>} : memref<3x80x80xf32, #tpu.memory_space<vmem>>, vector<16xf32>,
      %mul3A_379 = arith.mulf %get3A_378, %gather3A_329 : vector<16xf32>
      %swap3A_380 = arith.constant 1 : i32
      %swap3A_381 = arith.index_cast %swap3A_380 : i32 to index
      %swap3A_382 = arith.index_cast %add3A_324 : i32 to index
      %swap3A_383 = arith.constant 64 : index
      %swap3A_384 = tpu.vector_load %arg10[%swap3A_381, %swap3A_382, %swap3A_383] {strides = array<i32>} : memref<3x80x80xf32, #tpu.memory_space<vmem>>, vector<16xf32>,
      tpu.vector_store %arg10[%swap3A_381, %swap3A_382, %swap3A_383], %mul3A_379 {strides = array<i32>} : memref<3x80x80xf32, #tpu.memory_space<vmem>>, vector<16xf32>,
      %mul3A_385 = arith.constant 4 : i32
      %mul3A_386 = arith.muli %scan3A_259, %mul3A_385 : i32
      %add3A_387 = arith.constant 2 : i32
      %add3A_388 = arith.addi %mul3A_386, %add3A_387 : i32
      %broadcast_in_dim3A_389 = arith.constant 80 : i32
      %broadcast_in_dim3A_390 = vector.broadcast %broadcast_in_dim3A_389 : i32 to vector<16xi32>
      %broadcast_in_dim3A_391 = vector.broadcast %add3A_388 : i32 to vector<16xi32>
      %add3A_392 = arith.addi %broadcast_in_dim3A_390, %broadcast_in_dim3A_391 : vector<16xi32>
      %gather3A_393 = tpu.vector_load_idx %arg9[%add3A_392] : memref<240xf32, #tpu.memory_space<vmem>>[vector<16xi32>], vector<16xf32>,
      %get3A_394 = arith.constant 1 : i32
      %get3A_395 = arith.index_cast %get3A_394 : i32 to index
      %get3A_396 = arith.index_cast %add3A_388 : i32 to index
      %get3A_397 = arith.constant 0 : index
      %get3A_398 = tpu.vector_load %arg10[%get3A_395, %get3A_396, %get3A_397] {strides = array<i32>} : memref<3x80x80xf32, #tpu.memory_space<vmem>>, vector<16xf32>,
      %mul3A_399 = arith.mulf %get3A_398, %gather3A_393 : vector<16xf32>
      %swap3A_400 = arith.constant 1 : i32
      %swap3A_401 = arith.index_cast %swap3A_400 : i32 to index
      %swap3A_402 = arith.index_cast %add3A_388 : i32 to index
      %swap3A_403 = arith.constant 0 : index
      %swap3A_404 = tpu.vector_load %arg10[%swap3A_401, %swap3A_402, %swap3A_403] {strides = array<i32>} : memref<3x80x80xf32, #tpu.memory_space<vmem>>, vector<16xf32>,
      tpu.vector_store %arg10[%swap3A_401, %swap3A_402, %swap3A_403], %mul3A_399 {strides = array<i32>} : memref<3x80x80xf32, #tpu.memory_space<vmem>>, vector<16xf32>,
      %get3A_405 = arith.constant 1 : i32
      %get3A_406 = arith.index_cast %get3A_405 : i32 to index
      %get3A_407 = arith.index_cast %add3A_388 : i32 to index
      %get3A_408 = arith.constant 16 : index
      %get3A_409 = tpu.vector_load %arg10[%get3A_406, %get3A_407, %get3A_408] {strides = array<i32>} : memref<3x80x80xf32, #tpu.memory_space<vmem>>, vector<16xf32>,
      %mul3A_410 = arith.mulf %get3A_409, %gather3A_393 : vector<16xf32>
      %swap3A_411 = arith.constant 1 : i32
      %swap3A_412 = arith.index_cast %swap3A_411 : i32 to index
      %swap3A_413 = arith.index_cast %add3A_388 : i32 to index
      %swap3A_414 = arith.constant 16 : index
      %swap3A_415 = tpu.vector_load %arg10[%swap3A_412, %swap3A_413, %swap3A_414] {strides = array<i32>} : memref<3x80x80xf32, #tpu.memory_space<vmem>>, vector<16xf32>,
      tpu.vector_store %arg10[%swap3A_412, %swap3A_413, %swap3A_414], %mul3A_410 {strides = array<i32>} : memref<3x80x80xf32, #tpu.memory_space<vmem>>, vector<16xf32>,
      %get3A_416 = arith.constant 1 : i32
      %get3A_417 = arith.index_cast %get3A_416 : i32 to index
      %get3A_418 = arith.index_cast %add3A_388 : i32 to index
      %get3A_419 = arith.constant 32 : index
      %get3A_420 = tpu.vector_load %arg10[%get3A_417, %get3A_418, %get3A_419] {strides = array<i32>} : memref<3x80x80xf32, #tpu.memory_space<vmem>>, vector<16xf32>,
      %mul3A_421 = arith.mulf %get3A_420, %gather3A_393 : vector<16xf32>
      %swap3A_422 = arith.constant 1 : i32
      %swap3A_423 = arith.index_cast %swap3A_422 : i32 to index
      %swap3A_424 = arith.index_cast %add3A_388 : i32 to index
      %swap3A_425 = arith.constant 32 : index
      %swap3A_426 = tpu.vector_load %arg10[%swap3A_423, %swap3A_424, %swap3A_425] {strides = array<i32>} : memref<3x80x80xf32, #tpu.memory_space<vmem>>, vector<16xf32>,
      tpu.vector_store %arg10[%swap3A_423, %swap3A_424, %swap3A_425], %mul3A_421 {strides = array<i32>} : memref<3x80x80xf32, #tpu.memory_space<vmem>>, vector<16xf32>,
      %get3A_427 = arith.constant 1 : i32
      %get3A_428 = arith.index_cast %get3A_427 : i32 to index
      %get3A_429 = arith.index_cast %add3A_388 : i32 to index
      %get3A_430 = arith.constant 48 : index
      %get3A_431 = tpu.vector_load %arg10[%get3A_428, %get3A_429, %get3A_430] {strides = array<i32>} : memref<3x80x80xf32, #tpu.memory_space<vmem>>, vector<16xf32>,
      %mul3A_432 = arith.mulf %get3A_431, %gather3A_393 : vector<16xf32>
      %swap3A_433 = arith.constant 1 : i32
      %swap3A_434 = arith.index_cast %swap3A_433 : i32 to index
      %swap3A_435 = arith.index_cast %add3A_388 : i32 to index
      %swap3A_436 = arith.constant 48 : index
      %swap3A_437 = tpu.vector_load %arg10[%swap3A_434, %swap3A_435, %swap3A_436] {strides = array<i32>} : memref<3x80x80xf32, #tpu.memory_space<vmem>>, vector<16xf32>,
      tpu.vector_store %arg10[%swap3A_434, %swap3A_435, %swap3A_436], %mul3A_432 {strides = array<i32>} : memref<3x80x80xf32, #tpu.memory_space<vmem>>, vector<16xf32>,
      %get3A_438 = arith.constant 1 : i32
      %get3A_439 = arith.index_cast %get3A_438 : i32 to index
      %get3A_440 = arith.index_cast %add3A_388 : i32 to index
      %get3A_441 = arith.constant 64 : index
      %get3A_442 = tpu.vector_load %arg10[%get3A_439, %get3A_440, %get3A_441] {strides = array<i32>} : memref<3x80x80xf32, #tpu.memory_space<vmem>>, vector<16xf32>,
      %mul3A_443 = arith.mulf %get3A_442, %gather3A_393 : vector<16xf32>
      %swap3A_444 = arith.constant 1 : i32
      %swap3A_445 = arith.index_cast %swap3A_444 : i32 to index
      %swap3A_446 = arith.index_cast %add3A_388 : i32 to index
      %swap3A_447 = arith.constant 64 : index
      %swap3A_448 = tpu.vector_load %arg10[%swap3A_445, %swap3A_446, %swap3A_447] {strides = array<i32>} : memref<3x80x80xf32, #tpu.memory_space<vmem>>, vector<16xf32>,
      tpu.vector_store %arg10[%swap3A_445, %swap3A_446, %swap3A_447], %mul3A_443 {strides = array<i32>} : memref<3x80x80xf32, #tpu.memory_space<vmem>>, vector<16xf32>,
      %mul3A_449 = arith.constant 4 : i32
      %mul3A_450 = arith.muli %scan3A_259, %mul3A_449 : i32
      %add3A_451 = arith.constant 3 : i32
      %add3A_452 = arith.addi %mul3A_450, %add3A_451 : i32
      %broadcast_in_dim3A_453 = arith.constant 80 : i32
      %broadcast_in_dim3A_454 = vector.broadcast %broadcast_in_dim3A_453 : i32 to vector<16xi32>
      %broadcast_in_dim3A_455 = vector.broadcast %add3A_452 : i32 to vector<16xi32>
      %add3A_456 = arith.addi %broadcast_in_dim3A_454, %broadcast_in_dim3A_455 : vector<16xi32>
      %gather3A_457 = tpu.vector_load_idx %arg9[%add3A_456] : memref<240xf32, #tpu.memory_space<vmem>>[vector<16xi32>], vector<16xf32>,
      %get3A_458 = arith.constant 1 : i32
      %get3A_459 = arith.index_cast %get3A_458 : i32 to index
      %get3A_460 = arith.index_cast %add3A_452 : i32 to index
      %get3A_461 = arith.constant 0 : index
      %get3A_462 = tpu.vector_load %arg10[%get3A_459, %get3A_460, %get3A_461] {strides = array<i32>} : memref<3x80x80xf32, #tpu.memory_space<vmem>>, vector<16xf32>,
      %mul3A_463 = arith.mulf %get3A_462, %gather3A_457 : vector<16xf32>
      %swap3A_464 = arith.constant 1 : i32
      %swap3A_465 = arith.index_cast %swap3A_464 : i32 to index
      %swap3A_466 = arith.index_cast %add3A_452 : i32 to index
      %swap3A_467 = arith.constant 0 : index
      %swap3A_468 = tpu.vector_load %arg10[%swap3A_465, %swap3A_466, %swap3A_467] {strides = array<i32>} : memref<3x80x80xf32, #tpu.memory_space<vmem>>, vector<16xf32>,
      tpu.vector_store %arg10[%swap3A_465, %swap3A_466, %swap3A_467], %mul3A_463 {strides = array<i32>} : memref<3x80x80xf32, #tpu.memory_space<vmem>>, vector<16xf32>,
      %get3A_469 = arith.constant 1 : i32
      %get3A_470 = arith.index_cast %get3A_469 : i32 to index
      %get3A_471 = arith.index_cast %add3A_452 : i32 to index
      %get3A_472 = arith.constant 16 : index
      %get3A_473 = tpu.vector_load %arg10[%get3A_470, %get3A_471, %get3A_472] {strides = array<i32>} : memref<3x80x80xf32, #tpu.memory_space<vmem>>, vector<16xf32>,
      %mul3A_474 = arith.mulf %get3A_473, %gather3A_457 : vector<16xf32>
      %swap3A_475 = arith.constant 1 : i32
      %swap3A_476 = arith.index_cast %swap3A_475 : i32 to index
      %swap3A_477 = arith.index_cast %add3A_452 : i32 to index
      %swap3A_478 = arith.constant 16 : index
      %swap3A_479 = tpu.vector_load %arg10[%swap3A_476, %swap3A_477, %swap3A_478] {strides = array<i32>} : memref<3x80x80xf32, #tpu.memory_space<vmem>>, vector<16xf32>,
      tpu.vector_store %arg10[%swap3A_476, %swap3A_477, %swap3A_478], %mul3A_474 {strides = array<i32>} : memref<3x80x80xf32, #tpu.memory_space<vmem>>, vector<16xf32>,
      %get3A_480 = arith.constant 1 : i32
      %get3A_481 = arith.index_cast %get3A_480 : i32 to index
      %get3A_482 = arith.index_cast %add3A_452 : i32 to index
      %get3A_483 = arith.constant 32 : index
      %get3A_484 = tpu.vector_load %arg10[%get3A_481, %get3A_482, %get3A_483] {strides = array<i32>} : memref<3x80x80xf32, #tpu.memory_space<vmem>>, vector<16xf32>,
      %mul3A_485 = arith.mulf %get3A_484, %gather3A_457 : vector<16xf32>
      %swap3A_486 = arith.constant 1 : i32
      %swap3A_487 = arith.index_cast %swap3A_486 : i32 to index
      %swap3A_488 = arith.index_cast %add3A_452 : i32 to index
      %swap3A_489 = arith.constant 32 : index
      %swap3A_490 = tpu.vector_load %arg10[%swap3A_487, %swap3A_488, %swap3A_489] {strides = array<i32>} : memref<3x80x80xf32, #tpu.memory_space<vmem>>, vector<16xf32>,
      tpu.vector_store %arg10[%swap3A_487, %swap3A_488, %swap3A_489], %mul3A_485 {strides = array<i32>} : memref<3x80x80xf32, #tpu.memory_space<vmem>>, vector<16xf32>,
      %get3A_491 = arith.constant 1 : i32
      %get3A_492 = arith.index_cast %get3A_491 : i32 to index
      %get3A_493 = arith.index_cast %add3A_452 : i32 to index
      %get3A_494 = arith.constant 48 : index
      %get3A_495 = tpu.vector_load %arg10[%get3A_492, %get3A_493, %get3A_494] {strides = array<i32>} : memref<3x80x80xf32, #tpu.memory_space<vmem>>, vector<16xf32>,
      %mul3A_496 = arith.mulf %get3A_495, %gather3A_457 : vector<16xf32>
      %swap3A_497 = arith.constant 1 : i32
      %swap3A_498 = arith.index_cast %swap3A_497 : i32 to index
      %swap3A_499 = arith.index_cast %add3A_452 : i32 to index
      %swap3A_500 = arith.constant 48 : index
      %swap3A_501 = tpu.vector_load %arg10[%swap3A_498, %swap3A_499, %swap3A_500] {strides = array<i32>} : memref<3x80x80xf32, #tpu.memory_space<vmem>>, vector<16xf32>,
      tpu.vector_store %arg10[%swap3A_498, %swap3A_499, %swap3A_500], %mul3A_496 {strides = array<i32>} : memref<3x80x80xf32, #tpu.memory_space<vmem>>, vector<16xf32>,
      %get3A_502 = arith.constant 1 : i32
      %get3A_503 = arith.index_cast %get3A_502 : i32 to index
      %get3A_504 = arith.index_cast %add3A_452 : i32 to index
      %get3A_505 = arith.constant 64 : index
      %get3A_506 = tpu.vector_load %arg10[%get3A_503, %get3A_504, %get3A_505] {strides = array<i32>} : memref<3x80x80xf32, #tpu.memory_space<vmem>>, vector<16xf32>,
      %mul3A_507 = arith.mulf %get3A_506, %gather3A_457 : vector<16xf32>
      %swap3A_508 = arith.constant 1 : i32
      %swap3A_509 = arith.index_cast %swap3A_508 : i32 to index
      %swap3A_510 = arith.index_cast %add3A_452 : i32 to index
      %swap3A_511 = arith.constant 64 : index
      %swap3A_512 = tpu.vector_load %arg10[%swap3A_509, %swap3A_510, %swap3A_511] {strides = array<i32>} : memref<3x80x80xf32, #tpu.memory_space<vmem>>, vector<16xf32>,
      tpu.vector_store %arg10[%swap3A_509, %swap3A_510, %swap3A_511], %mul3A_507 {strides = array<i32>} : memref<3x80x80xf32, #tpu.memory_space<vmem>>, vector<16xf32>,
    }
    %scan3A_221 = arith.constant 20 : i32
    %dma_wait3A_222 = arith.constant 0 : i32
    %dma_wait3A_223 = arith.constant 0 : i32
    %dma_wait3A_224 = arith.constant 0 : i32
    %dma_wait3A_225 = arith.constant 0 : i32
    %dma_wait3A_226 = tpu.memref_slice %arg10[%dma_wait3A_222, %dma_wait3A_224, %dma_wait3A_225] : memref<3x80x80xf32, #tpu.memory_space<vmem>> -> memref<1x80x80xf32, #tpu.memory_space<vmem>>
    %dma_wait3A_227 = tpu.memref_squeeze %dma_wait3A_226 : memref<1x80x80xf32, #tpu.memory_space<vmem>> -> memref<80x80xf32, #tpu.memory_space<vmem>>
    %dma_wait3A_228 = arith.constant 0 : i32
    %dma_wait3A_229 = tpu.memref_slice %arg8[%dma_wait3A_223, %dma_wait3A_228] : memref<3x80xi32, #tpu.memory_space<vmem>> -> memref<1x80xi32, #tpu.memory_space<vmem>>
    %dma_wait3A_230 = tpu.memref_squeeze %dma_wait3A_229 : memref<1x80xi32, #tpu.memory_space<vmem>> -> memref<80xi32, #tpu.memory_space<vmem>>
    %dma_wait3A_231 = arith.constant 0 : i32
    %dma_wait3A_232 = arith.constant 0 : i32
    %dma_wait3A_233 = tpu.memref_slice %arg12[%dma_wait3A_231, %dma_wait3A_232] : memref<10240x80xf32, #tpu.memory_space<vmem_shared>> -> memref<10240x80xf32, #tpu.memory_space<vmem_shared>>
    tpu.wait_indirect_dma semaphore(%arg19 : memref<!tpu.dma_semaphore, #tpu.memory_space<semaphore_mem>>) src(%dma_wait3A_227 : memref<80x80xf32, #tpu.memory_space<vmem>>) dst(%dma_wait3A_233 : memref<10240x80xf32, #tpu.memory_space<vmem_shared>>)
    %dma_start3A_234 = arith.constant 1 : i32
    %dma_start3A_235 = arith.constant 1 : i32
    %dma_start3A_236 = arith.constant 0 : i32
    %dma_start3A_237 = arith.constant 0 : i32
    %dma_start3A_238 = tpu.memref_slice %arg10[%dma_start3A_234, %dma_start3A_236, %dma_start3A_237] : memref<3x80x80xf32, #tpu.memory_space<vmem>> -> memref<1x80x80xf32, #tpu.memory_space<vmem>>
    %dma_start3A_239 = tpu.memref_squeeze %dma_start3A_238 : memref<1x80x80xf32, #tpu.memory_space<vmem>> -> memref<80x80xf32, #tpu.memory_space<vmem>>
    %dma_start3A_240 = arith.constant 0 : i32
    %dma_start3A_241 = tpu.memref_slice %arg8[%dma_start3A_235, %dma_start3A_240] : memref<3x80xi32, #tpu.memory_space<vmem>> -> memref<1x80xi32, #tpu.memory_space<vmem>>
    %dma_start3A_242 = tpu.memref_squeeze %dma_start3A_241 : memref<1x80xi32, #tpu.memory_space<vmem>> -> memref<80xi32, #tpu.memory_space<vmem>>
    %dma_start3A_243 = arith.constant 0 : i32
    %dma_start3A_244 = arith.constant 0 : i32
    %dma_start3A_245 = tpu.memref_slice %arg12[%dma_start3A_243, %dma_start3A_244] : memref<10240x80xf32, #tpu.memory_space<vmem_shared>> -> memref<10240x80xf32, #tpu.memory_space<vmem_shared>>
    tpu.enqueue_indirect_dma source(%dma_start3A_239 : memref<80x80xf32, #tpu.memory_space<vmem>>) target(%dma_start3A_245 : memref<10240x80xf32, #tpu.memory_space<vmem_shared>>) offsets(%dma_start3A_242 : memref<80xi32, #tpu.memory_space<vmem>>) semaphore(%arg20 : memref<!tpu.dma_semaphore, #tpu.memory_space<semaphore_mem>>) {add = true}
    %dma_wait3A_246 = arith.constant 1 : i32
    %dma_wait3A_247 = arith.constant 1 : i32
    %dma_wait3A_248 = arith.constant 0 : i32
    %dma_wait3A_249 = arith.constant 0 : i32
    %dma_wait3A_250 = tpu.memref_slice %arg10[%dma_wait3A_246, %dma_wait3A_248, %dma_wait3A_249] : memref<3x80x80xf32, #tpu.memory_space<vmem>> -> memref<1x80x80xf32, #tpu.memory_space<vmem>>
    %dma_wait3A_251 = tpu.memref_squeeze %dma_wait3A_250 : memref<1x80x80xf32, #tpu.memory_space<vmem>> -> memref<80x80xf32, #tpu.memory_space<vmem>>
    %dma_wait3A_252 = arith.constant 0 : i32
    %dma_wait3A_253 = tpu.memref_slice %arg8[%dma_wait3A_247, %dma_wait3A_252] : memref<3x80xi32, #tpu.memory_space<vmem>> -> memref<1x80xi32, #tpu.memory_space<vmem>>
    %dma_wait3A_254 = tpu.memref_squeeze %dma_wait3A_253 : memref<1x80xi32, #tpu.memory_space<vmem>> -> memref<80xi32, #tpu.memory_space<vmem>>
    %dma_wait3A_255 = arith.constant 0 : i32
    %dma_wait3A_256 = arith.constant 0 : i32
    %dma_wait3A_257 = tpu.memref_slice %arg12[%dma_wait3A_255, %dma_wait3A_256] : memref<10240x80xf32, #tpu.memory_space<vmem_shared>> -> memref<10240x80xf32, #tpu.memory_space<vmem_shared>>
    tpu.wait_indirect_dma semaphore(%arg20 : memref<!tpu.dma_semaphore, #tpu.memory_space<semaphore_mem>>) src(%dma_wait3A_251 : memref<80x80xf32, #tpu.memory_space<vmem>>) dst(%dma_wait3A_257 : memref<10240x80xf32, #tpu.memory_space<vmem_shared>>)
    %barrier3A_258 = arith.constant 0 : index
    tpu.barrier barrier_id(%barrier3A_258)
    "tpu.region"() ({
      %run_scoped3A = tpu.sem_alloc : memref<!tpu.dma_semaphore, #tpu.memory_space<semaphore_mem>>
      %dma_start3A_259 = arith.constant 0 : i32
      %dma_start3A_260 = tpu.memref_slice %arg6[%arg0, %mul3A_10, %dma_start3A_259] : memref<2x10240x80xf32, #tpu.memory_space<hbm>> -> memref<1x640x80xf32, #tpu.memory_space<hbm>>
      %dma_start3A_261 = tpu.memref_squeeze %dma_start3A_260 : memref<1x640x80xf32, #tpu.memory_space<hbm>> -> memref<640x80xf32, #tpu.memory_space<hbm>>
      %dma_start3A_262 = arith.constant 0 : i32
      %dma_start3A_263 = tpu.memref_slice %arg12[%mul3A_10, %dma_start3A_262] : memref<10240x80xf32, #tpu.memory_space<vmem_shared>> -> memref<640x80xf32, #tpu.memory_space<vmem_shared>>
      tpu.enqueue_dma source(%dma_start3A_263 : memref<640x80xf32, #tpu.memory_space<vmem_shared>>) target(%dma_start3A_261 : memref<640x80xf32, #tpu.memory_space<hbm>>) target_semaphore(%run_scoped3A : memref<!tpu.dma_semaphore, #tpu.memory_space<semaphore_mem>>)
      %dma_wait3A_264 = arith.constant 0 : i32
      %dma_wait3A_265 = tpu.memref_slice %arg6[%arg0, %mul3A_10, %dma_wait3A_264] : memref<2x10240x80xf32, #tpu.memory_space<hbm>> -> memref<1x640x80xf32, #tpu.memory_space<hbm>>
      %dma_wait3A_266 = tpu.memref_squeeze %dma_wait3A_265 : memref<1x640x80xf32, #tpu.memory_space<hbm>> -> memref<640x80xf32, #tpu.memory_space<hbm>>
      %dma_wait3A_267 = arith.constant 0 : i32
      %dma_wait3A_268 = tpu.memref_slice %arg12[%mul3A_10, %dma_wait3A_267] : memref<10240x80xf32, #tpu.memory_space<vmem_shared>> -> memref<640x80xf32, #tpu.memory_space<vmem_shared>>
      tpu.wait_dma2 semaphore(%run_scoped3A : memref<!tpu.dma_semaphore, #tpu.memory_space<semaphore_mem>>) src(%dma_wait3A_268 : memref<640x80xf32, #tpu.memory_space<vmem_shared>>) dst(%dma_wait3A_266 : memref<640x80xf32, #tpu.memory_space<hbm>>)
      tpu.yield
    }) : () -> ()
    return
  }
}

module attributes {stable_mosaic.version = 14 : i64} {
  func.func @_rel_transform_body(%arg0: i32, %arg1: memref<1000x200xf32, #tpu.memory_space<vmem>>, %arg2: memref<200x640xf32, #tpu.memory_space<vmem>>, %arg3: memref<200x80xf32, #tpu.memory_space<vmem>>, %arg4: memref<1x1x32000xi32, #tpu.memory_space<vmem>>, %arg5: memref<1x1x32000xi32, #tpu.memory_space<vmem>>, %arg6: memref<1000x640xf32, #tpu.memory_space<vmem>>, %arg7: memref<1000x80xf32, #tpu.memory_space<vmem>>, %arg8: memref<1x1x32000xi32, #tpu.memory_space<vmem>>) attributes {dimension_semantics = [#tpu.dimension_semantics<arbitrary>], iteration_bounds = array<i64: 10>, scalar_prefetch = 0 : i64, scratch_operands = 0 : i64, tpu.core_type = #tpu.core_type<tc>, window_params = [{transform_indices = @transform_0, window_bounds = array<i64: 1000, 200>}, {pipeline_mode = #tpu.pipeline_mode<synchronous>, transform_indices = @transform_1, window_bounds = array<i64: 200, 640>}, {pipeline_mode = #tpu.pipeline_mode<synchronous>, transform_indices = @transform_2, window_bounds = array<i64: 200, 80>}, {transform_indices = @transform_3, window_bounds = array<i64: 1, 1, 32000>}, {transform_indices = @transform_4, window_bounds = array<i64: 1, 1, 32000>}, {transform_indices = @transform_5, window_bounds = array<i64: 1000, 640>}, {transform_indices = @transform_6, window_bounds = array<i64: 1000, 80>}, {transform_indices = @transform_7, window_bounds = array<i64: 1, 1, 32000>}]} {
    %get3A = arith.constant 0 : index
    %get3A_0 = arith.constant 0 : index
    %get3A_1 = vector.load %arg1[%get3A, %get3A_0] : memref<1000x200xf32, #tpu.memory_space<vmem>>, vector<1000x200xf32>
    %get3A_2 = arith.constant 0 : index
    %get3A_3 = arith.constant 0 : index
    %get3A_4 = vector.load %arg2[%get3A_2, %get3A_3] : memref<200x640xf32, #tpu.memory_space<vmem>>, vector<200x640xf32>
    %dot_general3A = arith.constant dense<0.000000e+00> : vector<1000x640xf32>
    %dot_general3A_5 = tpu.matmul %get3A_1, %get3A_4, %dot_general3A {dimension_numbers = #tpu.dot_dimension_numbers<[1], [0], [0], [1], [0, 0, 1, 1], [], []>, transpose_lhs_hint = false} : vector<1000x200xf32>, vector<200x640xf32>, vector<1000x640xf32> -> vector<1000x640xf32>
    %swap3A = arith.constant 0 : index
    %swap3A_6 = arith.constant 0 : index
    %swap3A_7 = vector.load %arg6[%swap3A, %swap3A_6] : memref<1000x640xf32, #tpu.memory_space<vmem>>, vector<1000x640xf32>
    tpu.vector_store %arg6[%swap3A, %swap3A_6], %dot_general3A_5 {strides = array<i32>} : memref<1000x640xf32, #tpu.memory_space<vmem>>, vector<1000x640xf32>,
    %get3A_8 = arith.constant 0 : index
    %get3A_9 = arith.constant 0 : index
    %get3A_10 = vector.load %arg3[%get3A_8, %get3A_9] : memref<200x80xf32, #tpu.memory_space<vmem>>, vector<200x80xf32>
    %dot_general3A_11 = arith.constant dense<0.000000e+00> : vector<1000x80xf32>
    %dot_general3A_12 = tpu.matmul %get3A_1, %get3A_10, %dot_general3A_11 {dimension_numbers = #tpu.dot_dimension_numbers<[1], [0], [0], [1], [0, 0, 1, 1], [], []>, transpose_lhs_hint = false} : vector<1000x200xf32>, vector<200x80xf32>, vector<1000x80xf32> -> vector<1000x80xf32>
    %swap3A_13 = arith.constant 0 : index
    %swap3A_14 = arith.constant 0 : index
    %swap3A_15 = vector.load %arg7[%swap3A_13, %swap3A_14] : memref<1000x80xf32, #tpu.memory_space<vmem>>, vector<1000x80xf32>
    tpu.vector_store %arg7[%swap3A_13, %swap3A_14], %dot_general3A_12 {strides = array<i32>} : memref<1000x80xf32, #tpu.memory_space<vmem>>, vector<1000x80xf32>,
    %get3A_16 = arith.constant 0 : index
    %get3A_17 = arith.constant 0 : index
    %get3A_18 = arith.constant 0 : index
    %get3A_19 = vector.load %arg4[%get3A_16, %get3A_17, %get3A_18] : memref<1x1x32000xi32, #tpu.memory_space<vmem>>, vector<1x1x32000xi32>
    %mul3A = arith.constant 8 : i32
    %mul3A_20 = vector.broadcast %mul3A : i32 to vector<1x1x32000xi32>
    %mul3A_21 = arith.muli %get3A_19, %mul3A_20 : vector<1x1x32000xi32>
    %get3A_22 = arith.constant 0 : index
    %get3A_23 = arith.constant 0 : index
    %get3A_24 = arith.constant 0 : index
    %get3A_25 = vector.load %arg5[%get3A_22, %get3A_23, %get3A_24] : memref<1x1x32000xi32, #tpu.memory_space<vmem>>, vector<1x1x32000xi32>
    %add3A = arith.addi %mul3A_21, %get3A_25 : vector<1x1x32000xi32>
    %swap3A_26 = arith.constant 0 : index
    %swap3A_27 = arith.constant 0 : index
    %swap3A_28 = arith.constant 0 : index
    %swap3A_29 = vector.load %arg8[%swap3A_26, %swap3A_27, %swap3A_28] : memref<1x1x32000xi32, #tpu.memory_space<vmem>>, vector<1x1x32000xi32>
    tpu.vector_store %arg8[%swap3A_26, %swap3A_27, %swap3A_28], %add3A {strides = array<i32>} : memref<1x1x32000xi32, #tpu.memory_space<vmem>>, vector<1x1x32000xi32>,
    return
  }
  func.func @transform_0(%arg0: i32) -> (i32, i32) {
    %c0_i32 = arith.constant 0 : i32
    %c0_i32_0 = arith.constant 0 : i32
    return %arg0, %c0_i32 : i32, i32
  }
  func.func @transform_1(%arg0: i32) -> (i32, i32) {
    %c0_i32 = arith.constant 0 : i32
    %c0_i32_0 = arith.constant 0 : i32
    %c0_i32_1 = arith.constant 0 : i32
    return %c0_i32, %c0_i32_0 : i32, i32
  }
  func.func @transform_2(%arg0: i32) -> (i32, i32) {
    %c0_i32 = arith.constant 0 : i32
    %c0_i32_0 = arith.constant 0 : i32
    %c0_i32_1 = arith.constant 0 : i32
    return %c0_i32, %c0_i32_0 : i32, i32
  }
  func.func @transform_3(%arg0: i32) -> (i32, i32, i32) {
    %c0_i32 = arith.constant 0 : i32
    %c0_i32_0 = arith.constant 0 : i32
    %c0_i32_1 = arith.constant 0 : i32
    return %arg0, %c0_i32, %c0_i32_0 : i32, i32, i32
  }
  func.func @transform_4(%arg0: i32) -> (i32, i32, i32) {
    %c0_i32 = arith.constant 0 : i32
    %c0_i32_0 = arith.constant 0 : i32
    %c0_i32_1 = arith.constant 0 : i32
    return %arg0, %c0_i32, %c0_i32_0 : i32, i32, i32
  }
  func.func @transform_5(%arg0: i32) -> (i32, i32) {
    %c0_i32 = arith.constant 0 : i32
    %c0_i32_0 = arith.constant 0 : i32
    return %arg0, %c0_i32 : i32, i32
  }
  func.func @transform_6(%arg0: i32) -> (i32, i32) {
    %c0_i32 = arith.constant 0 : i32
    %c0_i32_0 = arith.constant 0 : i32
    return %arg0, %c0_i32 : i32, i32
  }
  func.func @transform_7(%arg0: i32) -> (i32, i32, i32) {
    %c0_i32 = arith.constant 0 : i32
    %c0_i32_0 = arith.constant 0 : i32
    %c0_i32_1 = arith.constant 0 : i32
    return %arg0, %c0_i32, %c0_i32_0 : i32, i32, i32
  }
}

module attributes {stable_mosaic.version = 14 : i64} {
  func.func @_finish_body(%arg0: i32, %arg1: memref<2x1000x80xf32, #tpu.memory_space<vmem>>, %arg2: memref<1000x80xf32, #tpu.memory_space<vmem>>, %arg3: memref<1x80xf32, #tpu.memory_space<vmem>>, %arg4: memref<80x6xf32, #tpu.memory_space<vmem>>, %arg5: memref<1x6xf32, #tpu.memory_space<vmem>>, %arg6: memref<1000x6xf32, #tpu.memory_space<vmem>>) attributes {dimension_semantics = [#tpu.dimension_semantics<arbitrary>], iteration_bounds = array<i64: 10>, scalar_prefetch = 0 : i64, scratch_operands = 0 : i64, tpu.core_type = #tpu.core_type<tc>, window_params = [{transform_indices = @transform_0, window_bounds = array<i64: 2, 1000, 80>}, {transform_indices = @transform_1, window_bounds = array<i64: 1000, 80>}, {pipeline_mode = #tpu.pipeline_mode<synchronous>, transform_indices = @transform_2, window_bounds = array<i64: 1, 80>}, {pipeline_mode = #tpu.pipeline_mode<synchronous>, transform_indices = @transform_3, window_bounds = array<i64: 80, 6>}, {pipeline_mode = #tpu.pipeline_mode<synchronous>, transform_indices = @transform_4, window_bounds = array<i64: 1, 6>}, {transform_indices = @transform_5, window_bounds = array<i64: 1000, 6>}]} {
    %get3A = arith.constant 0 : index
    %get3A_0 = arith.constant 0 : index
    %get3A_1 = arith.constant 0 : index
    %get3A_2 = vector.load %arg1[%get3A, %get3A_0, %get3A_1] : memref<2x1000x80xf32, #tpu.memory_space<vmem>>, vector<1x1000x80xf32>
    %get3A_3 = vector.shape_cast %get3A_2 : vector<1x1000x80xf32> to vector<1000x80xf32>
    %get3A_4 = arith.constant 1 : index
    %get3A_5 = arith.constant 0 : index
    %get3A_6 = arith.constant 0 : index
    %get3A_7 = vector.load %arg1[%get3A_4, %get3A_5, %get3A_6] : memref<2x1000x80xf32, #tpu.memory_space<vmem>>, vector<1x1000x80xf32>
    %get3A_8 = vector.shape_cast %get3A_7 : vector<1x1000x80xf32> to vector<1000x80xf32>
    %add3A = arith.addf %get3A_3, %get3A_8 : vector<1000x80xf32>
    %get3A_9 = arith.constant 0 : index
    %get3A_10 = arith.constant 0 : index
    %get3A_11 = vector.load %arg2[%get3A_9, %get3A_10] : memref<1000x80xf32, #tpu.memory_space<vmem>>, vector<1000x80xf32>
    %add3A_12 = arith.addf %add3A, %get3A_11 : vector<1000x80xf32>
    %get3A_13 = arith.constant 0 : index
    %get3A_14 = arith.constant 0 : index
    %get3A_15 = vector.load %arg3[%get3A_13, %get3A_14] : memref<1x80xf32, #tpu.memory_space<vmem>>, vector<1x80xf32>
    %add3A_16 = vector.broadcast %get3A_15 : vector<1x80xf32> to vector<1000x80xf32>
    %add3A_17 = arith.addf %add3A_12, %add3A_16 : vector<1000x80xf32>
    %max3A = arith.constant 0.000000e+00 : f32
    %max3A_18 = vector.broadcast %max3A : f32 to vector<1000x80xf32>
    %max3A_19 = arith.maximumf %add3A_17, %max3A_18 : vector<1000x80xf32>
    %get3A_20 = arith.constant 0 : index
    %get3A_21 = arith.constant 0 : index
    %get3A_22 = vector.load %arg4[%get3A_20, %get3A_21] : memref<80x6xf32, #tpu.memory_space<vmem>>, vector<80x6xf32>
    %dot_general3A = arith.constant dense<0.000000e+00> : vector<1000x6xf32>
    %dot_general3A_23 = tpu.matmul %max3A_19, %get3A_22, %dot_general3A {dimension_numbers = #tpu.dot_dimension_numbers<[1], [0], [0], [1], [0, 0, 1, 1], [], []>, transpose_lhs_hint = false} : vector<1000x80xf32>, vector<80x6xf32>, vector<1000x6xf32> -> vector<1000x6xf32>
    %get3A_24 = arith.constant 0 : index
    %get3A_25 = arith.constant 0 : index
    %get3A_26 = vector.load %arg5[%get3A_24, %get3A_25] : memref<1x6xf32, #tpu.memory_space<vmem>>, vector<1x6xf32>
    %add3A_27 = vector.broadcast %get3A_26 : vector<1x6xf32> to vector<1000x6xf32>
    %add3A_28 = arith.addf %dot_general3A_23, %add3A_27 : vector<1000x6xf32>
    %reduce_max3A = arith.constant dense<0xFF800000> : vector<1000xf32>
    %reduce_max3A_29 = vector.multi_reduction <maximumf>, %add3A_28, %reduce_max3A [1] : vector<1000x6xf32> to vector<1000xf32>
    %broadcast_in_dim3A = vector.shape_cast %reduce_max3A_29 : vector<1000xf32> to vector<1000x1xf32>
    %sub3A = vector.broadcast %broadcast_in_dim3A : vector<1000x1xf32> to vector<1000x6xf32>
    %sub3A_30 = arith.subf %add3A_28, %sub3A : vector<1000x6xf32>
    %exp3A = math.exp %sub3A_30 : vector<1000x6xf32>
    %reduce_sum3A = arith.constant dense<0.000000e+00> : vector<1000xf32>
    %reduce_sum3A_31 = vector.multi_reduction <add>, %exp3A, %reduce_sum3A [1] : vector<1000x6xf32> to vector<1000xf32>
    %broadcast_in_dim3A_32 = vector.shape_cast %reduce_sum3A_31 : vector<1000xf32> to vector<1000x1xf32>
    %log3A = math.log %broadcast_in_dim3A_32 : vector<1000x1xf32>
    %add3A_33 = arith.addf %log3A, %broadcast_in_dim3A : vector<1000x1xf32>
    %sub3A_34 = vector.broadcast %add3A_33 : vector<1000x1xf32> to vector<1000x6xf32>
    %sub3A_35 = arith.subf %add3A_28, %sub3A_34 : vector<1000x6xf32>
    %swap3A = arith.constant 0 : index
    %swap3A_36 = arith.constant 0 : index
    %swap3A_37 = vector.load %arg6[%swap3A, %swap3A_36] : memref<1000x6xf32, #tpu.memory_space<vmem>>, vector<1000x6xf32>
    tpu.vector_store %arg6[%swap3A, %swap3A_36], %sub3A_35 {strides = array<i32>} : memref<1000x6xf32, #tpu.memory_space<vmem>>, vector<1000x6xf32>,
    return
  }
  func.func @transform_0(%arg0: i32) -> (i32, i32, i32) {
    %c0_i32 = arith.constant 0 : i32
    %c0_i32_0 = arith.constant 0 : i32
    %c0_i32_1 = arith.constant 0 : i32
    return %c0_i32, %arg0, %c0_i32_0 : i32, i32, i32
  }
  func.func @transform_1(%arg0: i32) -> (i32, i32) {
    %c0_i32 = arith.constant 0 : i32
    %c0_i32_0 = arith.constant 0 : i32
    return %arg0, %c0_i32 : i32, i32
  }
  func.func @transform_2(%arg0: i32) -> (i32, i32) {
    %c0_i32 = arith.constant 0 : i32
    %c0_i32_0 = arith.constant 0 : i32
    %c0_i32_1 = arith.constant 0 : i32
    return %c0_i32, %c0_i32_0 : i32, i32
  }
  func.func @transform_3(%arg0: i32) -> (i32, i32) {
    %c0_i32 = arith.constant 0 : i32
    %c0_i32_0 = arith.constant 0 : i32
    %c0_i32_1 = arith.constant 0 : i32
    return %c0_i32, %c0_i32_0 : i32, i32
  }
  func.func @transform_4(%arg0: i32) -> (i32, i32) {
    %c0_i32 = arith.constant 0 : i32
    %c0_i32_0 = arith.constant 0 : i32
    %c0_i32_1 = arith.constant 0 : i32
    return %c0_i32, %c0_i32_0 : i32, i32
  }
  func.func @transform_5(%arg0: i32) -> (i32, i32) {
    %c0_i32 = arith.constant 0 : i32
    %c0_i32_0 = arith.constant 0 : i32
    return %arg0, %c0_i32 : i32, i32
  }
}

</mosaic_0001>

<sc_bundles>
// kernel: kernel.5.cloned.1.call-start
scs
__scs_entry_jumppad:
0x0: {  	(pc) =	sbr.rel $0x88, $3  }
0x1: {  	(tag) =	ssettag $0x0;
	lr =	simm.s32 $0x1  }
0x2: {  	[smem:$0x3F98] =	sst lr;
	_ =	strace $0xD0000000  }
0x3: {  	_ = 	snop  }
0x4: {  	_ = 	snop  }
0x5: {  	_ = 	snop  }
0x6: {  	_ = 	snop  }
0x7: {  	_ = 	snop  }
__scs_overlays_trampoline_lowered:
0x8: {  	[smem:$0x3FA7] =	sst s0  }
0x9: {  	[smem:$0x3FA8] =	sst s1  }
0xa: {  	[smem:$0x3FA9] =	sst s2  }
0xb: {  	[smem:$0x3FAA] =	sst s3  }
0xc: {  	[smem:$0x3FAB] =	sst s4  }
0xd: {  	[smem:$0x3FAC] =	sst s5  }
0xe: {  	[smem:$0x3FAD] =	sst s6  }
0xf: {  	[smem:$0x3FAE] =	sst s7  }
0x10: {  	[smem:$0x3FAF] =	sst s8  }
0x11: {  	[smem:$0x3FB0] =	sst s9;
	s0 =	simm.s32 @!p0 $0x0  }
0x12: {  	s1 =	sld [smem:$0x3F96];
	s0 =	simm.s32 @p0 $0x1  }
0x13: {  	[smem:$0x3FB1] =	sst s0;
	s0 =	simm.s32 @!p1 $0x0  }
0x14: {  	s2 =	sld [smem:$0x3F95];
	s0 =	simm.s32 @p1 $0x1  }
0x15: {  	[smem:$0x3FB2] =	sst s0;
	s0 =	simm.s32 @!p2 $0x0  }
0x16: {  	s3 =	sld [smem:$0x3FDB];
	s0 =	simm.s32 @p2 $0x1  }
0x17: {  	s4 =	simm.s32 $0x1BF5;
	[smem:$0x3FB4] =	sst s0  }
0x18: {  	s0 =	sld [smem:$0x3F97];
	_ =	swait.ge [sflag:s4], $0x0  }
0x19: {  	s7 =	sld [smem:$0x3F98]  }
0x1a: {  	s8 =	sadd.s32 $0xFFFFE003, lr  }
0x1b: {  	s9 =	sadd.s32 $0xFFFFFEF7, lr;
	s5 =	simm.s32 $0xFFFFFFFF;
	p2 =	slt.u32 s8, $0xFFFFF086  }
0x1c: {  	p1 =	slt.u32 s9, $0xF7A;
	s5 =	simm.s32 @!p2 $0x0  }
0x1d: {  	s5 =	simm.s32 @p1 $0x1;
	p0 =	seq.s32 s7, s2  }
0x1e: {  	s7 =	smul.u32 @!p0 $0xF7A, s2;
	p2 =	seq.s32 @!p0 s5, $0x0  }
0x1f: {  	s9 =	smul.u32 $0xF7A, s1;
	s8 =	simm.s32 @!p0 $0x1BF5;
	p2 =	por !p2, p0  }
0x20: {  	[sflag:s8] =	ssyncset.s32 @!p0 $0xFFFFF086;
	s6 =	sadd.s32 @!p0 s3, s7;
	s7 =	simm.s32 @!p0 $0x108  }
0x21: {  	s3 =	sadd.s32 s3, s9;
	s6 =	sadd.s32 @!p0 $0x88, s6;
	s7 =	simm.s32 @p2 $0x1082  }
0x22: {  	[simem:s7], [sflag:s8] =	dma.local @!p0 [hbm:s6], $0xF7A  }
0x23: {  	s9 =	sor.u32 $0xD0000000, s2;
	s6 =	simm.s32 $0x108;
	_ =	swait.ge @!p0 [sflag:s8], $0x0  }
0x24: {  	s3 =	sadd.s32 $0x88, s3;
	s6 =	simm.s32 @!p1 $0x1082;
	[sflag:s4] =	ssyncset.s32 $0xFFFFF086  }
0x25: {  	[simem:s6], [sflag:s4] =	dma.local [hbm:s3], $0xF7A  }
0x26: {  	[smem:$0x3F98] =	sst s1;
	(tag) =	ssettag s2;
	_ =	strace s9  }
0x27: {  	s1 =	sld [smem:$0x3FA8]  }
0x28: {  	s2 =	sld [smem:$0x3FA9]  }
0x29: {  	s4 =	sld [smem:$0x3FAB]  }
0x2a: {  	p0 =	seq.s32 s5, $0x0;
	s5 =	sld [smem:$0x3FAC]  }
0x2b: {  	s6 =	sld [smem:$0x3FAD]  }
0x2c: {  	s7 =	sld [smem:$0x3FAE]  }
0x2d: {  	s3 =	simm.s32 $0x108;
	s8 =	sld [smem:$0x3FAF]  }
0x2e: {  	s3 =	simm.s32 @!p0 $0x1082;
	s9 =	sld [smem:$0x3FB0]  }
0x2f: {  	lr =	sadd.s32 s0, s3;
	s0 =	sld [smem:$0x3FA7]  }
0x30: {  	s3 =	sld [smem:$0x3FAA]  }
0x31: {  	[smem:$0x3FB3] =	sst s10  }
0x32: {  	s10 =	sld [smem:$0x3FB1];
	_ =	sdelay $0x3  }
0x33: {  	p0 =	seq.s32 s10, $0x1;
	s10 =	sld [smem:$0x3FB3];
	_ =	sdelay $0x3  }
0x34: {  	[smem:$0x3FB3] =	sst s10  }
0x35: {  	s10 =	sld [smem:$0x3FB2];
	_ =	sdelay $0x3  }
0x36: {  	p1 =	seq.s32 s10, $0x1;
	s10 =	sld [smem:$0x3FB3];
	_ =	sdelay $0x3  }
0x37: {  	[smem:$0x3FB3] =	sst s10  }
0x38: {  	s10 =	sld [smem:$0x3FB4]  }
0x39: {  	_ = 	snop;
	(pc) =	sbr.ind lr, $3  }
0x3a: {  	_ = 	snop  }
0x3b: {  	_ = 	snop  }
0x3c: {  	p2 =	seq.s32 s10, $0x1;
	s10 =	sld [smem:$0x3FB3]  }
0x3d: {  	_ =	shalt  }
0x3e: {  	_ =	shalt  }
0x3f: {  	_ =	shalt  }
0x40: {  	_ =	shalt  }
0x41: {  	_ =	shalt  }
0x42: {  	_ =	shalt  }
0x43: {  	_ =	shalt  }
0x44: {  	_ =	shalt  }
0x45: {  	_ =	shalt  }
0x46: {  	_ =	shalt  }
0x47: {  	_ =	shalt  }
0x48: {  	_ =	shalt  }
0x49: {  	_ =	shalt  }
0x4a: {  	_ =	shalt  }
0x4b: {  	_ =	shalt  }
0x4c: {  	_ =	shalt  }
0x4d: {  	_ =	shalt  }
0x4e: {  	_ =	shalt  }
0x4f: {  	_ =	shalt  }
0x50: {  	_ =	shalt  }
0x51: {  	_ =	shalt  }
0x52: {  	_ =	shalt  }
0x53: {  	_ =	shalt  }
0x54: {  	_ =	shalt  }
0x55: {  	_ =	shalt  }
0x56: {  	_ =	shalt  }
0x57: {  	_ =	shalt  }
0x58: {  	_ =	shalt  }
0x59: {  	_ =	shalt  }
0x5a: {  	_ =	shalt  }
0x5b: {  	_ =	shalt  }
0x5c: {  	_ =	shalt  }
0x5d: {  	_ =	shalt  }
0x5e: {  	_ =	shalt  }
0x5f: {  	_ =	shalt  }
0x60: {  	_ =	shalt  }
0x61: {  	_ =	shalt  }
0x62: {  	_ =	shalt  }
0x63: {  	_ =	shalt  }
0x64: {  	_ =	shalt  }
0x65: {  	_ =	shalt  }
0x66: {  	_ =	shalt  }
0x67: {  	_ =	shalt  }
0x68: {  	_ =	shalt  }
0x69: {  	_ =	shalt  }
0x6a: {  	_ =	shalt  }
0x6b: {  	_ =	shalt  }
0x6c: {  	_ =	shalt  }
0x6d: {  	_ =	shalt  }
0x6e: {  	_ =	shalt  }
0x6f: {  	_ =	shalt  }
0x70: {  	_ =	shalt  }
0x71: {  	_ =	shalt  }
0x72: {  	_ =	shalt  }
0x73: {  	_ =	shalt  }
0x74: {  	_ =	shalt  }
0x75: {  	_ =	shalt  }
0x76: {  	_ =	shalt  }
0x77: {  	_ =	shalt  }
0x78: {  	_ =	shalt  }
0x79: {  	_ =	shalt  }
0x7a: {  	_ =	shalt  }
0x7b: {  	_ =	shalt  }
0x7c: {  	_ =	shalt  }
0x7d: {  	_ =	shalt  }
0x7e: {  	_ =	shalt  }
0x7f: {  	_ =	shalt  }
0x80: {  	_ =	shalt  }
0x81: {  	_ =	shalt  }
0x82: {  	_ =	shalt  }
0x83: {  	_ =	shalt  }
0x84: {  	_ =	shalt  }
0x85: {  	_ =	shalt  }
0x86: {  	_ =	shalt  }
0x87: {  	_ =	shalt  }
.Lfunc_end0:
.L_simem_size_0:
called_computation_lowered:
.L_overlay_start_0:
0x88: {  	s2 =	sld [smem:$0x3FD9]  }
0x89: {  	s3 =	sld [smem:$0x3FFE];
	_ =	sdelay $0x1  }
0x8a: {  	s1 =	srdreg.scid  }
0x8b: {  	s0 =	sand.u32 $0x1, s1  }
0x8c: {  	s17 =	sshll.u32 s0, $0xA;
	s2 =	sadd.s32 s3, s2  }
0x8d: {  	s2 =	sadd.s32 s2, s17  }
0x8e: {  	[smem:$0x3FBF] =	sst s2  }
0x8f: {  	_ = 	snop  }
0x90: {  	s2 =	sld [smem:$0x3FC7];
	(tm) =	ssettm $0x1  }
0x91: {  	s18 =	sld [smem:$0x3FFB];
	_ =	sdelay $0x3  }
0x92: {  	_ =	strace s18  }
0x93: {  	s3 =	sld [smem:$0x3FFC];
	_ =	sdelay $0x3  }
0x94: {  	_ =	strace s3  }
0x95: {  	s3 =	sld [smem:$0x3FFD];
	_ =	sdelay $0x3  }
0x96: {  	_ =	strace s3  }
0x97: {  	_ =	strace $0x8FFFFFFF  }
0x98: {  	s19 =	sld [smem:$0x3FDB];
	_ =	sdelay $0x1  }
0x99: {  	s4 =	simm.s32 $_scs_section_size  }
0x9a: {  	s5 =	simm.s32 $_size__tile_overlayer_lowered;
	s6 =	simm.s32 $_tile_overlayer_lowered  }
0x9b: {  	s22 =	simm.s32 $0x1BFF;
	s21 =	sshll.u32 s6, $0x1;
	s3 =	sadd.s32 s4, s19  }
0x9c: {  	s7 =	simm.s32 $0x0;
	s20 =	sshll.u32 s5, $0x1;
	s5 =	sadd.s32 s21, s3  }
0x9d: {  	[timem:s7], [sflag:s22] =	dma.local [hbm:s5], s20  }
0x9e: {  	_ =	swait.ge [sflag:s22], s20  }
0x9f: {  	s4 =	ssub.s32 $0x0, s20;
	[sflag:s22] =	ssyncset.done $0x0  }
0xa0: {  	[sflag:s22] =	ssyncadd.s32 s4;
	_ =	sdelay $0x1  }
0xa1: {  	s23 =	simm.s32 $0x1B8B  }
0xa2: {  	_ =	swait.ge [sflag:s23], $0x1  }
0xa3: {  	[sflag:s23] =	ssyncset.done $0x0  }
0xa4: {  	s25 =	simm.s32 $0x1B8E;
	s24 =	sld [smem:$0x3FFE];
	[sflag:s23] =	ssyncadd.s32 $0xFFFFFFFF  }
0xa5: {  	s26 =	simm.s32 $execute0_lowered;
	[smem:$0x3FD2] =	sst s25  }
0xa6: {  	s5 =	sshll.u32 s26, $0x1;
	_ =	strace $0x80000046;
	[dreg:$0x1] =	wrdreg $0xFFFFFFFF  }
0xa7: {  	s28 =	simm.s32 $_size_execute0_lowered;
	s3 =	sadd.s32 s3, s5;
	[dreg:$0x0] =	wrdreg $0x0  }
0xa8: {  	s5 =	sshll.u32 s28, $0x1;
	[dreg:$0x2] =	wrdreg s3  }
0xa9: {  	[dreg:$0x3] =	wrdreg s5  }
0xaa: {  	[dreg:$0x4] =	wrdreg $0xC0  }
0xab: {  	_ =	task [dreg:s7], $0x5FFFF  }
0xac: {  	[dreg:$0x1] =	wrdreg $0xFFFFFFFF  }
0xad: {  	[dreg:$0x0] =	wrdreg $0x60  }
0xae: {  	[dreg:$0x2] =	wrdreg s24  }
0xaf: {  	[dreg:$0x3] =	wrdreg s2  }
0xb0: {  	[dreg:$0x4] =	wrdreg $0x66D00  }
0xb1: {  	[dreg:$0x5] =	wrdreg $0x9  }
0xb2: {  	_ =	task.clear_ibuf [dreg:s7], $0x6FFFF;
	_ =	strace $0x90000046  }
0xb3: {  	s29 =	simm.s32 $0x9;
	_ =	strace $0x80000048  }
0xb4: {  	_ =	swait.ge [sflag:s29], $0x1  }
0xb5: {  	[sflag:s29] =	ssyncadd.s32 $0xFFFFFFFF  }
0xb6: {  	_ =	strace $0x90000048  }
0xb7: {  	_ =	sfence  }
0xb8: {  	s30 =	sld [smem:$0x0];
	_ =	sdelay $0x2  }
0xb9: {  	s31 =	sshll.u32 s1, $0xD;
	s1 =	sshrl.u32 s1, $0x2  }
0xba: {  	s3 =	sand.u32 $0x4000, s31;
	s1 =	sadd.s32 s1, s30  }
0xbb: {  	s0 =	sor.u32 s3, s0;
	s1 =	sshll.u32 s1, $0x11  }
0xbc: {  	s0 =	sor.u32 s1, s0  }
0xbd: {  	s0 =	sadd.s32 $0x8F2B, s0  }
0xbe: {  	[sflag:s0] =	ssyncadd.remote.s32 $0x1  }
0xbf: {  	_ =	sfence.sel $0xFFFF  }
0xc0: {  	[dreg:$0x0] =	wrdreg $0xFFFFFFFF;
	(pc) =	sbr.abs _section_cstart, $3  }
0xc1: {  	[dreg:$0x1] =	wrdreg $0xFFFFFFFF  }
0xc2: {  	_ =	task.clear_ibuf [dreg:s7], $0x2FFFF;
	_ =	strace $0x9FFFFFFF  }
0xc3: {  	(tm) =	ssettm $0x7FFFFFFF  }
tec
execute0_lowered:
.L_overlay_start_1:
0x0: {  	(tag) =	ssettag $0x1  }
0x1: {  	s0 =	rddreg [dreg:$0x0]  }
0x2: {  	s2 =	rddreg [dreg:$0x1]  }
0x3: {  	s3 =	rddreg [dreg:$0x2]  }
0x4: {  	s1 =	srdreg.scid;
	s12 =	stileid.u32  }
0x5: {  	s4 =	simm.s32 $0x0;
	s30 =	simm.s32 $0xF0;
	s31 =	simm.s32 $0x1E0  }
0x6: {  	s1 =	sand.u32 $0x1, s1;
	s8 =	smul.u32 $0xC800, s12;
	[smem:$0x7FF] =	sst s4  }
0x7: {  	s5 =	sadd.s32 $0xCDE00, s0;
	s6 =	sadd.s32 $0xA800, s0;
	s11 =	smul.u32 $0x32000, s12  }
0x8: {  	s7 =	sadd.s32 $0xA00, s0;
	s12 =	sshll.u32 s12, $0x1;
	s9 =	smul.u32 $0xC8000, s1  }
0x9: {  	_ =	strace $0x80000047;
	s10 =	ssub.s32 $0x2, s1;
	s1 =	sor.u32 s1, s12  }
0xa: {  	s29 =	sshrl.u32 s10, $0x1;
	s12 =	sshrl.u32 s11, $0x2;
	s1 =	smul.u32 $0x2710, s1  }
0xb: {  	s22 =	sadd.s32 s8, s3;
	s11 =	simm.s32 $0x0;
	s13 =	sadd.s32 s12, s3  }
0xc: {  	s9 =	sadd.s32 s8, s9;
	[dreg:$0x4] =	wrdreg s22;
	s14 =	sadd.s32 $0x3200, s13  }
0xd: {  	s12 =	simm.s32 $0x5;
	s15 =	sadd.s32 $0x4B00, s13;
	[dreg:$0x6] =	wrdreg s14  }
0xe: {  	s9 =	sshrl.u32 s9, $0x3;
	s16 =	sadd.s32 $0x6400, s13;
	[dreg:$0x7] =	wrdreg s15  }
0xf: {  	s17 =	sadd.s32 $0x7D00, s13;
	s18 =	sshrl.u32 s1, $0x3;
	[dreg:$0x8] =	wrdreg s16  }
0x10: {  	s19 =	sadd.s32 $0x9600, s13;
	s8 =	sadd.s32 $0xAF00, s13;
	[dreg:$0x9] =	wrdreg s17  }
0x11: {  	s26 =	sadd.s32 $0xA0, s1;
	s28 =	sadd.s32 $0xF0, s1;
	[dreg:$0xa] =	wrdreg s19  }
0x12: {  	s0 =	sadd.s32 s9, s0;
	s9 =	ssub.s32 s10, s29;
	[dreg:$0xb] =	wrdreg s8  }
0x13: {  	s10 =	sadd.s32 $0x1900, s13;
	s20 =	sadd.s32 s6, s18;
	[dreg:$0x12] =	wrdreg s26  }
0x14: {  	s21 =	sadd.s32 s7, s18;
	s23 =	sadd.s32 s2, s18;
	[dreg:$0x13] =	wrdreg s28  }
0x15: {  	s24 =	sadd.s32 $0xA, s18;
	s13 =	simm.s32 $0x1BD0;
	[dreg:$0x5] =	wrdreg s10  }
0x16: {  	s14 =	simm.s32 $0xA0;
	s15 =	simm.s32 $0x190;
	[dreg:$0xc] =	wrdreg s20  }
0x17: {  	s17 =	simm.s32 $0x1;
	s18 =	simm.s32 $0x6;
	[dreg:$0xd] =	wrdreg s21  }
0x18: {  	s19 =	simm.s32 $0x34D0;
	[dreg:$0xe] =	wrdreg s23;
	s10 =	sadd.s32 s6, s24  }
0x19: {  	s25 =	sadd.s32 s7, s24;
	s8 =	sadd.s32 s2, s24;
	[dreg:$0xf] =	wrdreg s10  }
0x1a: {  	s24 =	sadd.s32 $0x140, s1;
	s0 =	sadd.s32 $0x14600, s0;
	[dreg:$0x10] =	wrdreg s25  }
0x1b: {  	s29 =	smax.u32 s9, $0x1;
	s23 =	simm.s32 $0xA;
	[dreg:$0x11] =	wrdreg s8  }
0x1c: {  	s1 =	simm.s32 $0x50;
	s9 =	simm.s32 $0x2D0;
	[dreg:$0x14] =	wrdreg s0  }
0x1d: {  	s20 =	simm.s32 $0x7;
	s21 =	simm.s32 $0x2;
	[dreg:$0x15] =	wrdreg s29  }
0x1e: {  	v0 =	vimm.f32 $0.0e+00;
	s0 =	simm.s32 $0x4;
	s10 =	simm.s32 $0x140;
	s25 =	simm.s32 $0x8  }
.LBB2_1:
0x1f: {  	[dreg:$0x16] =	wrdreg s11;
	s11 =	simm.s32 $0x140;
	s8 =	simm.s32 $0x0  }
.LBB2_2:
0x20: {  	p0 =	sne.s32 s11, $0x62C0;
	[tilespmem:s8+$0x4E10] =	vst v0;
	s16 =	smov.u32 s11;
	s11 =	sadd.s32 $0x140, s11  }
.Ltmp0:
0x21: {  	[tilespmem:s8+$0x4E00] =	vst v0;
	(pc) =	sbr.rel @p0 .LBB2_2-.Ltmp0, $4  }
0x22: {  	[tilespmem:s8+$0x4DF0] =	vst v0  }
0x23: {  	[tilespmem:s8+$0x4DD0] =	vst v0  }
0x24: {  	[tilespmem:s8+$0x4DE0] =	vst v0  }
0x25: {  	s8 =	sshra.s32 s16, $0x2  }
0x26: {  	[tilespmem:s8+$0x4E10] =	vst v0  }
0x27: {  	[tilespmem:s8+$0x4E00] =	vst v0  }
0x28: {  	[tilespmem:s8+$0x4DF0] =	vst v0  }
0x29: {  	[tilespmem:s8+$0x4DD0] =	vst v0  }
0x2a: {  	[tilespmem:s8+$0x4DE0] =	vst v0;
	s11 =	simm.s32 $0x4DD0  }
0x2b: {  	[spmem:s22] =	stream.linear.scatter [tilespmem:s11], [sflag:$0xA], $0x1900, $0x38;
	[tilespmem:$0x12ED0] =	vst v63  }
0x2c: {  	_ =	swait.ge [sflag:s23], $0x1900  }
0x2d: {  	[sflag:s23] =	ssyncset.done $0x0  }
0x2e: {  	s28 =	rddreg [dreg:$0x5];
	[sflag:s23] =	ssyncadd.s32 $0xFFFFE700  }
0x2f: {  	[spmem:s28] =	stream.linear.scatter [tilespmem:s11], [sflag:$0xA], $0x1900, $0x38;
	[tilespmem:$0x12ED0] =	vst v63  }
0x30: {  	_ =	swait.ge [sflag:s23], $0x1900  }
0x31: {  	[sflag:s23] =	ssyncset.done $0x0  }
0x32: {  	s29 =	rddreg [dreg:$0x6];
	[sflag:s23] =	ssyncadd.s32 $0xFFFFE700  }
0x33: {  	[spmem:s29] =	stream.linear.scatter [tilespmem:s11], [sflag:$0xA], $0x1900, $0x38;
	[tilespmem:$0x12ED0] =	vst v63  }
0x34: {  	_ =	swait.ge [sflag:s23], $0x1900  }
0x35: {  	[sflag:s23] =	ssyncset.done $0x0  }
0x36: {  	s16 =	rddreg [dreg:$0x7];
	[sflag:s23] =	ssyncadd.s32 $0xFFFFE700  }
0x37: {  	[spmem:s16] =	stream.linear.scatter [tilespmem:s11], [sflag:$0xA], $0x1900, $0x38;
	[tilespmem:$0x12ED0] =	vst v63  }
0x38: {  	_ =	swait.ge [sflag:s23], $0x1900  }
0x39: {  	[sflag:s23] =	ssyncset.done $0x0  }
0x3a: {  	s22 =	rddreg [dreg:$0x8];
	[sflag:s23] =	ssyncadd.s32 $0xFFFFE700  }
0x3b: {  	[spmem:s22] =	stream.linear.scatter [tilespmem:s11], [sflag:$0xA], $0x1900, $0x38;
	[tilespmem:$0x12ED0] =	vst v63  }
0x3c: {  	_ =	swait.ge [sflag:s23], $0x1900  }
0x3d: {  	[sflag:s23] =	ssyncset.done $0x0  }
0x3e: {  	s26 =	rddreg [dreg:$0x9];
	[sflag:s23] =	ssyncadd.s32 $0xFFFFE700  }
0x3f: {  	[spmem:s26] =	stream.linear.scatter [tilespmem:s11], [sflag:$0xA], $0x1900, $0x38;
	[tilespmem:$0x12ED0] =	vst v63  }
0x40: {  	_ =	swait.ge [sflag:s23], $0x1900  }
0x41: {  	[sflag:s23] =	ssyncset.done $0x0  }
0x42: {  	s28 =	rddreg [dreg:$0xa];
	[sflag:s23] =	ssyncadd.s32 $0xFFFFE700  }
0x43: {  	[spmem:s28] =	stream.linear.scatter [tilespmem:s11], [sflag:$0xA], $0x1900, $0x38;
	[tilespmem:$0x12ED0] =	vst v63  }
0x44: {  	_ =	swait.ge [sflag:s23], $0x1900  }
0x45: {  	[sflag:s23] =	ssyncset.done $0x0  }
0x46: {  	s29 =	rddreg [dreg:$0xb];
	[sflag:s23] =	ssyncadd.s32 $0xFFFFE700  }
0x47: {  	[spmem:s29] =	stream.linear.scatter [tilespmem:s11], [sflag:$0xA], $0x1900, $0x38;
	[tilespmem:$0x12ED0] =	vst v63  }
0x48: {  	_ =	swait.ge [sflag:s23], $0x1900  }
0x49: {  	[sflag:s23] =	ssyncset.done $0x0  }
0x4a: {  	[sflag:s23] =	ssyncadd.s32 $0xFFFFE700  }
0x4b: {  	[bflag:$0x0] =	sbarrier.arrive $0xFFFF  }
0x4c: {  	s8 =	simm.s32 $0x0;
	s16 =	rddreg [dreg:$0xc]  }
0x4d: {  	[tilespmem:s8], [sflag:$0x4] =	stream.linear.gather [hbm4b:s16+s8], $0x50, $0x38;
	[tilespmem:$0x12ED0] =	vst v63  }
0x4e: {  	s22 =	rddreg [dreg:$0xd]  }
0x4f: {  	[tilespmem:s30], [sflag:$0x4] =	stream.linear.gather [hbm4b:s22+s8], $0x50, $0x38;
	[tilespmem:$0x12ED0] =	vst v63  }
0x50: {  	s23 =	rddreg [dreg:$0xe]  }
0x51: {  	[tilespmem:s31], [sflag:$0x4] =	stream.linear.gather [hbm4b:s23+s8], $0x50, $0x38;
	[tilespmem:$0x12ED0] =	vst v63  }
0x52: {  	_ =	swait.ge [sflag:s0], $0x50  }
0x53: {  	[sflag:s0] =	ssyncset.done $0x0  }
0x54: {  	[sflag:s0] =	ssyncadd.s32 $0xFFFFFFB0  }
0x55: {  	_ =	swait.ge [sflag:s0], $0x50  }
0x56: {  	[sflag:s0] =	ssyncset.done $0x0  }
0x57: {  	[sflag:s0] =	ssyncadd.s32 $0xFFFFFFB0  }
0x58: {  	_ =	swait.ge [sflag:s0], $0x50  }
0x59: {  	[sflag:s0] =	ssyncset.done $0x0  }
0x5a: {  	[sflag:s0] =	ssyncadd.s32 $0xFFFFFFB0  }
0x5b: {  	[tilespmem:s9], [sflag:$0x1] =	stream.indirect.gather [hbm4b:s5+s1], $0x50, s8, s1, $0xb8;
	[tilespmem:$0x12ED0] =	vst v63  }
0x5c: {  	s26 =	rddreg [dreg:$0xf]  }
0x5d: {  	[tilespmem:s1], [sflag:$0x5] =	stream.linear.gather [hbm4b:s26+s8], $0x50, $0x38;
	[tilespmem:$0x12ED0] =	vst v63  }
0x5e: {  	s28 =	rddreg [dreg:$0x10]  }
0x5f: {  	[tilespmem:s10], [sflag:$0x5] =	stream.linear.gather [hbm4b:s28+s8], $0x50, $0x38;
	[tilespmem:$0x12ED0] =	vst v63  }
0x60: {  	s16 =	simm.s32 $0x230;
	s29 =	rddreg [dreg:$0x11]  }
0x61: {  	[tilespmem:s16], [sflag:$0x5] =	stream.linear.gather [hbm4b:s29+s8], $0x50, $0x38;
	[tilespmem:$0x12ED0] =	vst v63  }
.LBB2_4:
0x62: {  	_ =	swait.ge [sflag:s12], $0x50  }
0x63: {  	[sflag:s12] =	ssyncset.done $0x0  }
0x64: {  	[sflag:s12] =	ssyncadd.s32 $0xFFFFFFB0  }
0x65: {  	_ =	swait.ge [sflag:s12], $0x50  }
0x66: {  	[sflag:s12] =	ssyncset.done $0x0  }
0x67: {  	[sflag:s12] =	ssyncadd.s32 $0xFFFFFFB0  }
0x68: {  	_ =	swait.ge [sflag:s12], $0x50  }
0x69: {  	p0 =	seq.s32 s8, $0x0;
	[sflag:s12] =	ssyncset.done $0x0  }
0x6a: {  	s11 =	simm.s32 @!p0 $0x9;
	[sflag:s12] =	ssyncadd.s32 $0xFFFFFFB0  }
0x6b: {  	[tilespmem:s13], [sflag:$0x2] =	stream.indirect.gather [hbm4b:s5+s1], $0x50, s1, s1, $0xb8;
	[tilespmem:$0x12ED0] =	vst v63  }
0x6c: {  	s28 =	smul.u32 $0xF0, s8;
	_ =	swait.ge @!p0 [sflag:s11], $0x1900  }
0x6d: {  	s16 =	rddreg [dreg:$0x12]  }
0x6e: {  	s16 =	sadd.s32 s28, s16  }
0x6f: {  	[sflag:s11] =	ssyncset.done @!p0 $0x0;
	s16 =	sshrl.u32 s16, $0x3  }
0x70: {  	s23 =	simm.s32 $0x0;
	[sflag:s11] =	ssyncadd.s32 @!p0 $0xFFFFE700;
	s22 =	sadd.s32 s6, s16  }
0x71: {  	[tilespmem:s14], [sflag:$0x6] =	stream.linear.gather [hbm4b:s22+s4], $0x50, $0x38;
	[tilespmem:$0x12ED0] =	vst v63  }
0x72: {  	v1 =	vmov s23;
	s26 =	sadd.s32 s7, s16  }
0x73: {  	v1 =	vand.u32 $0xFFFFFFFC, v1;
	[tilespmem:s15], [sflag:$0x6] =	stream.linear.gather [hbm4b:s26+s4], $0x50, $0x38;
	[tilespmem:$0x12ED0] =	vst v63  }
0x74: {  	v1 =	vbroadcast v1, $0x0;
	s16 =	sadd.s32 s2, s16;
	s22 =	simm.s32 $0x280  }
0x75: {  	[tilespmem:s22], [sflag:$0x6] =	stream.linear.gather [hbm4b:s16+s4], $0x50, $0x38;
	[tilespmem:$0x12ED0] =	vst v63  }
0x76: {  	_ =	swait.ge [sflag:s17], $0x1900  }
0x77: {  	[sflag:s17] =	ssyncset.done $0x0  }
0x78: {  	s26 =	simm.s32 $0x370;
	[sflag:s17] =	ssyncadd.s32 $0xFFFFE700  }
0x79: {  	v2 =	vld [tilespmem:s26+$0xFFFFFF90]  }
0x7a: {  	v3 =	vld.idx.msk [tilespmem:v1+s31+$0x0], $0xffff  }
0x7b: {  	v4 =	vld [tilespmem:s26+$0xFFFFFF80]  }
0x7c: {  	v5 =	vld [tilespmem:s26+$0xFFFFFFA0]  }
0x7d: {  	s23 =	simm.s32 $0x1;
	v6 =	vld [tilespmem:s26+$0xFFFFFF60]  }
0x7e: {  	v1 =	vmov s23;
	v7 =	vld [tilespmem:s26+$0xFFFFFF70]  }
0x7f: {  	v8 =	vand.u32 $0xFFFFFFFD, v1;
	v2 =	vmul.f32 v2, v3  }
0x80: {  	v8 =	vbroadcast v8, $0x0;
	v4 =	vmul.f32 v4, v3  }
0x81: {  	v5 =	vmul.f32 v5, v3;
	[tilespmem:s26+$0xFFFFFF90] =	vst v2  }
0x82: {  	v2 =	vmul.f32 v6, v3;
	[tilespmem:s26+$0xFFFFFF80] =	vst v4  }
0x83: {  	v3 =	vmul.f32 v7, v3;
	[tilespmem:s26+$0xFFFFFFA0] =	vst v5  }
0x84: {  	v1 =	vld [tilespmem:s26+$0xFFFFFFB0];
	[tilespmem:s26+$0xFFFFFF60] =	vst v2  }
0x85: {  	v2 =	vld [tilespmem:s26+$0xFFFFFFF0];
	[tilespmem:s26+$0xFFFFFF70] =	vst v3  }
0x86: {  	s29 =	simm.s32 $0x3;
	s11 =	simm.s32 $0x370;
	s16 =	simm.s32 $0x7;
	v3 =	vld.idx.msk [tilespmem:v8+s31+$0x0], $0xffff  }
.LBB2_5:
0x87: {  	p0 =	sne.s32 s16, $0x4F  }
0x88: {  	v4 =	vld [tilespmem:s26+$0xFFFFFFD0];
	s11 =	sadd.s32 $0x140, s11;
	s22 =	smov.u32 s16;
	s16 =	sadd.s32 $0x4, s16  }
0x89: {  	v5 =	vld [tilespmem:s26+$0xFFFFFFE0]  }
0x8a: {  	v6 =	vld [tilespmem:s26+$0xFFFFFFC0]  }
0x8b: {  	s23 =	sadd.s32 $0xFFFFFFFF, s29;
	v7 =	vld [tilespmem:s11+$0xFFFFFFF0]  }
0x8c: {  	v8 =	vmov s23  }
0x8d: {  	v1 =	vmul.f32 v1, v3;
	v9 =	vmul.f32 v2, v3;
	v2 =	vand.u32 $0xFFFFFFFE, v8  }
0x8e: {  	v4 =	vmul.f32 v4, v3;
	v8 =	vbroadcast v2, $0x0  }
0x8f: {  	[tilespmem:s26+$0xFFFFFFB0] =	vst v1;
	v6 =	vmul.f32 v6, v3;
	v3 =	vmul.f32 v5, v3  }
0x90: {  	s23 =	sadd.s32 $0xFFFFFFFD, s22;
	v1 =	vld [tilespmem:s11+$0xFFFFFFB0];
	[tilespmem:s26+$0xFFFFFFD0] =	vst v4;
	v2 =	vmov v7  }
0x91: {  	v4 =	vmov s23;
	[tilespmem:s26+$0xFFFFFFF0] =	vst v9  }
0x92: {  	v4 =	vand.u32 $0xFFFFFFFC, v4;
	[tilespmem:s26+$0xFFFFFFC0] =	vst v6;
	v5 =	vld [tilespmem:s26+$0x0]  }
0x93: {  	v4 =	vbroadcast v4, $0x0;
	[tilespmem:s26+$0xFFFFFFE0] =	vst v3;
	v3 =	vld [tilespmem:s26+$0x30]  }
0x94: {  	v6 =	vld.idx.msk [tilespmem:v8+s31+$0x0], $0xffff  }
0x95: {  	v7 =	vld [tilespmem:s26+$0x10]  }
0x96: {  	v8 =	vld [tilespmem:s26+$0x20]  }
0x97: {  	v9 =	vld [tilespmem:s26+$0x40];
	_ =	sdelay $0x1  }
0x98: {  	v10 =	vld [tilespmem:s11+$0xFFFFFFA0]  }
0x99: {  	v5 =	vmul.f32 v5, v6;
	v11 =	vld [tilespmem:s11+$0xFFFFFF90];
	v7 =	vmul.f32 v7, v6  }
0x9a: {  	v3 =	vmul.f32 v3, v6;
	v8 =	vmul.f32 v8, v6  }
0x9b: {  	[tilespmem:s26+$0x0] =	vst v5;
	v5 =	vmul.f32 v9, v6;
	v6 =	vmov s29;
	s29 =	smov.u32 s22  }
0x9c: {  	[tilespmem:s26+$0x20] =	vst v8  }
0x9d: {  	[tilespmem:s26+$0x40] =	vst v5  }
0x9e: {  	s22 =	sadd.s32 $0xFFFFFFFE, s29;
	[tilespmem:s26+$0x10] =	vst v7;
	v5 =	vld [tilespmem:s26+$0x50]  }
0x9f: {  	v7 =	vmov s22;
	[tilespmem:s26+$0x30] =	vst v3;
	v3 =	vld [tilespmem:s26+$0x70]  }
0xa0: {  	v7 =	vand.u32 $0xFFFFFFFD, v7;
	v6 =	vld.idx.msk [tilespmem:v6+s31+$0x0], $0xffff  }
0xa1: {  	v8 =	vld [tilespmem:s26+$0x60]  }
0xa2: {  	v7 =	vbroadcast v7, $0x0;
	v9 =	vld [tilespmem:s26+$0x80]  }
0xa3: {  	v12 =	vld [tilespmem:s26+$0x90];
	_ =	sdelay $0x2  }
0xa4: {  	v5 =	vmul.f32 v5, v6;
	v8 =	vmul.f32 v8, v6  }
0xa5: {  	v3 =	vmul.f32 v3, v6;
	v9 =	vmul.f32 v9, v6  }
0xa6: {  	[tilespmem:s26+$0x50] =	vst v5;
	v5 =	vmul.f32 v12, v6  }
0xa7: {  	[tilespmem:s26+$0x70] =	vst v3  }
0xa8: {  	[tilespmem:s26+$0x80] =	vst v9  }
0xa9: {  	[tilespmem:s26+$0x90] =	vst v5  }
0xaa: {  	[tilespmem:s26+$0x60] =	vst v8;
	s26 =	smov.u32 s11  }
0xab: {  	v3 =	vld.idx.msk [tilespmem:v4+s31+$0x0], $0xffff  }
0xac: {  	v4 =	vld [tilespmem:s11+$0xFFFFFF80]  }
0xad: {  	v5 =	vld [tilespmem:s11+$0xFFFFFF60]  }
0xae: {  	v6 =	vld [tilespmem:s11+$0xFFFFFF70];
	_ =	sdelay $0x2  }
0xaf: {  	v8 =	vmul.f32 v11, v3;
	v9 =	vmul.f32 v10, v3  }
0xb0: {  	v4 =	vmul.f32 v4, v3;
	v5 =	vmul.f32 v5, v3  }
0xb1: {  	v3 =	vmul.f32 v6, v3;
	[tilespmem:s11+$0xFFFFFF90] =	vst v8  }
.Ltmp1:
0xb2: {  	[tilespmem:s11+$0xFFFFFF80] =	vst v4;
	(pc) =	sbr.rel @p0 .LBB2_5-.Ltmp1, $4  }
0xb3: {  	[tilespmem:s11+$0xFFFFFFA0] =	vst v9  }
0xb4: {  	[tilespmem:s11+$0xFFFFFF60] =	vst v5  }
0xb5: {  	[tilespmem:s11+$0xFFFFFF70] =	vst v3  }
0xb6: {  	v3 =	vld.idx.msk [tilespmem:v7+s31+$0x0], $0xffff  }
0xb7: {  	_ = 	snop  }
0xb8: {  	v4 =	vld [tilespmem:s26+$0xFFFFFFD0]  }
0xb9: {  	v5 =	vld [tilespmem:s26+$0xFFFFFFC0];
	s11 =	sadd.s32 $0xFFFFFFFF, s29  }
0xba: {  	v6 =	vld [tilespmem:s26+$0xFFFFFFE0];
	v7 =	vmov s11  }
0xbb: {  	v7 =	vand.u32 $0xFFFFFFFE, v7;
	v1 =	vmul.f32 v1, v3  }
0xbc: {  	v7 =	vbroadcast v7, $0x0;
	v2 =	vmul.f32 v2, v3  }
0xbd: {  	v4 =	vmul.f32 v4, v3;
	[tilespmem:s26+$0xFFFFFFB0] =	vst v1  }
0xbe: {  	v1 =	vmul.f32 v5, v3;
	[tilespmem:s26+$0xFFFFFFF0] =	vst v2  }
0xbf: {  	v3 =	vmul.f32 v6, v3;
	[tilespmem:s26+$0xFFFFFFD0] =	vst v4  }
0xc0: {  	v5 =	vld [tilespmem:s26+$0x10];
	[tilespmem:s26+$0xFFFFFFC0] =	vst v1  }
0xc1: {  	v1 =	vld [tilespmem:s26+$0x0];
	[tilespmem:s26+$0xFFFFFFE0] =	vst v3  }
0xc2: {  	v2 =	vld.idx.msk [tilespmem:v7+s31+$0x0], $0xffff  }
0xc3: {  	v3 =	vld [tilespmem:s26+$0x20]  }
0xc4: {  	v4 =	vld [tilespmem:s26+$0x40];
	_ =	sdelay $0x1  }
0xc5: {  	v6 =	vld [tilespmem:s26+$0x30]  }
0xc6: {  	v1 =	vmul.f32 v1, v2  }
0xc7: {  	v3 =	vmul.f32 v3, v2  }
0xc8: {  	v5 =	vmul.f32 v5, v2;
	[tilespmem:s26+$0x0] =	vst v1;
	v1 =	vmul.f32 v4, v2;
	v4 =	vmov s29  }
0xc9: {  	[tilespmem:s26+$0x20] =	vst v3  }
0xca: {  	v2 =	vmul.f32 v6, v2;
	[tilespmem:s26+$0x10] =	vst v5  }
0xcb: {  	[tilespmem:s26+$0x40] =	vst v1  }
0xcc: {  	v1 =	vld [tilespmem:s26+$0x50];
	[tilespmem:s26+$0x30] =	vst v2  }
0xcd: {  	v2 =	vld.idx.msk [tilespmem:v4+s31+$0x0], $0xffff  }
0xce: {  	v3 =	vld [tilespmem:s26+$0x70]  }
0xcf: {  	v4 =	vld [tilespmem:s26+$0x80]  }
0xd0: {  	v5 =	vld [tilespmem:s26+$0x90]  }
0xd1: {  	v6 =	vld [tilespmem:s26+$0x60]  }
0xd2: {  	v1 =	vmul.f32 v1, v2  }
0xd3: {  	v3 =	vmul.f32 v3, v2  }
0xd4: {  	v4 =	vmul.f32 v4, v2;
	[tilespmem:s26+$0x50] =	vst v1  }
0xd5: {  	v1 =	vmul.f32 v5, v2;
	[tilespmem:s26+$0x70] =	vst v3  }
0xd6: {  	v2 =	vmul.f32 v6, v2;
	[tilespmem:s26+$0x80] =	vst v4  }
0xd7: {  	[tilespmem:s26+$0x90] =	vst v1  }
0xd8: {  	[tilespmem:s26+$0x60] =	vst v2  }
0xd9: {  	[spmem:s3] =	stream.indirect.scatter.add.f32 [tilespmem:s9], [sflag:$0x7], $0x50, s30, s1, $0xb8;
	[tilespmem:$0x12ED0] =	vst v63  }
0xda: {  	_ =	swait.ge [sflag:s18], $0x50  }
0xdb: {  	[sflag:s18] =	ssyncset.done $0x0  }
0xdc: {  	[sflag:s18] =	ssyncadd.s32 $0xFFFFFFB0  }
0xdd: {  	_ =	swait.ge [sflag:s18], $0x50  }
0xde: {  	[sflag:s18] =	ssyncset.done $0x0  }
0xdf: {  	[sflag:s18] =	ssyncadd.s32 $0xFFFFFFB0  }
0xe0: {  	_ =	swait.ge [sflag:s18], $0x50  }
0xe1: {  	[sflag:s18] =	ssyncset.done $0x0  }
0xe2: {  	[sflag:s18] =	ssyncadd.s32 $0xFFFFFFB0  }
0xe3: {  	[tilespmem:s19], [sflag:$0x3] =	stream.indirect.gather [hbm4b:s5+s1], $0x50, s14, s1, $0xb8;
	[tilespmem:$0x12ED0] =	vst v63  }
0xe4: {  	_ =	swait.ge [sflag:s20], $0x1900  }
0xe5: {  	s23 =	rddreg [dreg:$0x13]  }
0xe6: {  	s11 =	sadd.s32 s28, s23  }
0xe7: {  	s16 =	simm.s32 $0x0;
	[sflag:s20] =	ssyncset.done $0x0;
	s11 =	sshrl.u32 s11, $0x3  }
0xe8: {  	v1 =	vmov s16;
	[sflag:s20] =	ssyncadd.s32 $0xFFFFE700;
	s22 =	sadd.s32 s6, s11  }
0xe9: {  	v1 =	vadd.s32 $0x50, v1;
	[tilespmem:s4], [sflag:$0x4] =	stream.linear.gather [hbm4b:s22+s4], $0x50, $0x38;
	[tilespmem:$0x12ED0] =	vst v63  }
0xea: {  	v1 =	vand.u32 $0xFFFFFFFC, v1;
	s26 =	sadd.s32 s7, s11  }
0xeb: {  	v1 =	vbroadcast v1, $0x0;
	[tilespmem:s30], [sflag:$0x4] =	stream.linear.gather [hbm4b:s26+s4], $0x50, $0x38;
	[tilespmem:$0x12ED0] =	vst v63  }
0xec: {  	s11 =	sadd.s32 s2, s11  }
0xed: {  	[tilespmem:s31], [sflag:$0x4] =	stream.linear.gather [hbm4b:s11+s4], $0x50, $0x38;
	[tilespmem:$0x12ED0] =	vst v63  }
0xee: {  	_ =	swait.ge [sflag:s21], $0x1900  }
0xef: {  	[sflag:s21] =	ssyncset.done $0x0  }
0xf0: {  	[sflag:s21] =	ssyncadd.s32 $0xFFFFE700  }
0xf1: {  	s26 =	simm.s32 $0x1D00;
	v1 =	vld.idx.msk [tilespmem:v1+s31+$0x0], $0xffff  }
0xf2: {  	v2 =	vld [tilespmem:s26+$0xFFFFFED0]  }
0xf3: {  	v3 =	vld [tilespmem:s26+$0xFFFFFF10]  }
0xf4: {  	s16 =	simm.s32 $0x1;
	v4 =	vld [tilespmem:s26+$0xFFFFFF00]  }
0xf5: {  	v6 =	vmov s16;
	v5 =	vld [tilespmem:s26+$0xFFFFFEE0]  }
0xf6: {  	v6 =	vadd.s32 $0x50, v6;
	v7 =	vld [tilespmem:s26+$0xFFFFFEF0]  }
0xf7: {  	v6 =	vand.u32 $0xFFFFFFFD, v6;
	v2 =	vmul.f32 v2, v1  }
0xf8: {  	v6 =	vbroadcast v6, $0x0;
	v3 =	vmul.f32 v3, v1  }
0xf9: {  	[tilespmem:s26+$0xFFFFFED0] =	vst v2;
	v2 =	vmul.f32 v4, v1  }
0xfa: {  	v4 =	vmul.f32 v5, v1;
	[tilespmem:s26+$0xFFFFFF10] =	vst v3  }
0xfb: {  	v1 =	vmul.f32 v7, v1;
	[tilespmem:s26+$0xFFFFFF00] =	vst v2  }
0xfc: {  	[tilespmem:s26+$0xFFFFFEE0] =	vst v4  }
0xfd: {  	[tilespmem:s26+$0xFFFFFEF0] =	vst v1;
	v2 =	vld [tilespmem:s26+$0xFFFFFF20]  }
0xfe: {  	v1 =	vld.idx.msk [tilespmem:v6+s31+$0x0], $0xffff  }
0xff: {  	v3 =	vld [tilespmem:s26+$0xFFFFFF30]  }
0x100: {  	s22 =	simm.s32 $0x2;
	v4 =	vld [tilespmem:s26+$0xFFFFFF50]  }
0x101: {  	v5 =	vld [tilespmem:s26+$0xFFFFFF60];
	v6 =	vmov s22  }
0x102: {  	v7 =	vld [tilespmem:s26+$0xFFFFFF40];
	v6 =	vadd.s32 $0x50, v6  }
0x103: {  	v6 =	vand.u32 $0xFFFFFFFE, v6;
	v2 =	vmul.f32 v2, v1  }
0x104: {  	v6 =	vbroadcast v6, $0x0;
	v3 =	vmul.f32 v3, v1  }
0x105: {  	[tilespmem:s26+$0xFFFFFF20] =	vst v2;
	v2 =	vmul.f32 v4, v1  }
0x106: {  	v4 =	vmul.f32 v5, v1;
	[tilespmem:s26+$0xFFFFFF30] =	vst v3  }
0x107: {  	v1 =	vmul.f32 v7, v1;
	v3 =	vld [tilespmem:s26+$0xFFFFFF80];
	[tilespmem:s26+$0xFFFFFF50] =	vst v2  }
0x108: {  	v5 =	vld [tilespmem:s26+$0xFFFFFFA0];
	[tilespmem:s26+$0xFFFFFF60] =	vst v4  }
0x109: {  	v2 =	vld [tilespmem:s26+$0xFFFFFF70];
	[tilespmem:s26+$0xFFFFFF40] =	vst v1  }
0x10a: {  	v4 =	vld.idx.msk [tilespmem:v6+s31+$0x0], $0xffff  }
0x10b: {  	v1 =	vld [tilespmem:s26+$0xFFFFFF90]  }
0x10c: {  	v6 =	vld [tilespmem:s26+$0xFFFFFFB0]  }
0x10d: {  	s23 =	simm.s32 $0x3  }
0x10e: {  	v7 =	vmov s23  }
0x10f: {  	v7 =	vadd.s32 $0x50, v7;
	v8 =	vmul.f32 v2, v4;
	v3 =	vmul.f32 v3, v4  }
0x110: {  	v2 =	vmul.f32 v1, v4;
	v1 =	vbroadcast v7, $0x0  }
0x111: {  	s29 =	simm.s32 $0x7;
	s16 =	simm.s32 $0x1D00;
	v5 =	vmul.f32 v5, v4;
	v4 =	vmul.f32 v6, v4;
	[tilespmem:s26+$0xFFFFFF70] =	vst v8  }
.LBB2_7:
0x112: {  	p0 =	sne.s32 s29, $0x4F  }
0x113: {  	[tilespmem:s26+$0xFFFFFF80] =	vst v3;
	s16 =	sadd.s32 $0x140, s16;
	s11 =	smov.u32 s29;
	s29 =	sadd.s32 $0x4, s29  }
0x114: {  	[tilespmem:s26+$0xFFFFFF90] =	vst v2  }
0x115: {  	[tilespmem:s26+$0xFFFFFFA0] =	vst v5;
	v2 =	vld [tilespmem:s26+$0xFFFFFFF0]  }
0x116: {  	[tilespmem:s26+$0xFFFFFFB0] =	vst v4;
	v3 =	vld [tilespmem:s26+$0xFFFFFFC0]  }
0x117: {  	v1 =	vld.idx.msk [tilespmem:v1+s31+$0x0], $0xffff  }
0x118: {  	v4 =	vld [tilespmem:s26+$0x0]  }
0x119: {  	v5 =	vld [tilespmem:s26+$0xFFFFFFE0]  }
0x11a: {  	s22 =	sadd.s32 $0xFFFFFFFD, s11;
	v6 =	vld [tilespmem:s26+$0xFFFFFFD0]  }
0x11b: {  	v7 =	vmov s22  }
0x11c: {  	v7 =	vadd.s32 $0x50, v7  }
0x11d: {  	v7 =	vand.u32 $0xFFFFFFFC, v7;
	v3 =	vmul.f32 v3, v1;
	v4 =	vmul.f32 v4, v1  }
0x11e: {  	v7 =	vbroadcast v7, $0x0;
	v5 =	vmul.f32 v5, v1  }
0x11f: {  	[tilespmem:s26+$0xFFFFFFC0] =	vst v3;
	v3 =	vmul.f32 v6, v1;
	v1 =	vmul.f32 v2, v1  }
0x120: {  	[tilespmem:s26+$0xFFFFFFE0] =	vst v5  }
0x121: {  	[tilespmem:s26+$0x0] =	vst v4  }
0x122: {  	v2 =	vld [tilespmem:s16+$0xFFFFFF00];
	[tilespmem:s26+$0xFFFFFFD0] =	vst v3  }
0x123: {  	v3 =	vld [tilespmem:s16+$0xFFFFFF10];
	[tilespmem:s26+$0xFFFFFFF0] =	vst v1;
	s26 =	smov.u32 s16  }
0x124: {  	v1 =	vld.idx.msk [tilespmem:v7+s31+$0x0], $0xffff  }
0x125: {  	v4 =	vld [tilespmem:s16+$0xFFFFFED0]  }
0x126: {  	v5 =	vld [tilespmem:s16+$0xFFFFFEF0]  }
0x127: {  	s22 =	sadd.s32 $0xFFFFFFFE, s11;
	v6 =	vld [tilespmem:s16+$0xFFFFFEE0]  }
0x128: {  	v7 =	vmov s22  }
0x129: {  	v7 =	vadd.s32 $0x50, v7  }
0x12a: {  	v7 =	vand.u32 $0xFFFFFFFD, v7;
	v3 =	vmul.f32 v3, v1;
	v4 =	vmul.f32 v4, v1  }
0x12b: {  	v7 =	vbroadcast v7, $0x0;
	v5 =	vmul.f32 v5, v1  }
0x12c: {  	[tilespmem:s16+$0xFFFFFED0] =	vst v4;
	v4 =	vmul.f32 v6, v1;
	v1 =	vmul.f32 v2, v1  }
0x12d: {  	[tilespmem:s16+$0xFFFFFF10] =	vst v3  }
0x12e: {  	[tilespmem:s16+$0xFFFFFF00] =	vst v1  }
0x12f: {  	[tilespmem:s16+$0xFFFFFEE0] =	vst v4;
	v1 =	vld [tilespmem:s16+$0xFFFFFF50]  }
0x130: {  	[tilespmem:s16+$0xFFFFFEF0] =	vst v5;
	v2 =	vld [tilespmem:s16+$0xFFFFFF30]  }
0x131: {  	v3 =	vld.idx.msk [tilespmem:v7+s31+$0x0], $0xffff  }
0x132: {  	v4 =	vld [tilespmem:s16+$0xFFFFFF20]  }
0x133: {  	v5 =	vld [tilespmem:s16+$0xFFFFFF40]  }
0x134: {  	s22 =	sadd.s32 $0xFFFFFFFF, s11;
	v6 =	vld [tilespmem:s16+$0xFFFFFF60]  }
0x135: {  	v7 =	vmov s22  }
0x136: {  	v7 =	vadd.s32 $0x50, v7  }
0x137: {  	v7 =	vand.u32 $0xFFFFFFFE, v7;
	v2 =	vmul.f32 v2, v3;
	v4 =	vmul.f32 v4, v3  }
0x138: {  	v7 =	vbroadcast v7, $0x0;
	v5 =	vmul.f32 v5, v3  }
0x139: {  	v1 =	vmul.f32 v1, v3;
	[tilespmem:s16+$0xFFFFFF20] =	vst v4;
	v3 =	vmul.f32 v6, v3  }
0x13a: {  	[tilespmem:s16+$0xFFFFFF30] =	vst v2  }
0x13b: {  	[tilespmem:s16+$0xFFFFFF50] =	vst v1  }
0x13c: {  	[tilespmem:s16+$0xFFFFFF60] =	vst v3;
	v1 =	vld [tilespmem:s16+$0xFFFFFF70]  }
0x13d: {  	[tilespmem:s16+$0xFFFFFF40] =	vst v5;
	v2 =	vld [tilespmem:s16+$0xFFFFFF90]  }
0x13e: {  	v4 =	vld.idx.msk [tilespmem:v7+s31+$0x0], $0xffff  }
0x13f: {  	v3 =	vld [tilespmem:s16+$0xFFFFFF80]  }
0x140: {  	v5 =	vld [tilespmem:s16+$0xFFFFFFA0]  }
0x141: {  	v6 =	vld [tilespmem:s16+$0xFFFFFFB0]  }
.Ltmp2:
0x142: {  	(pc) =	sbr.rel @p0 .LBB2_7-.Ltmp2, $4  }
0x143: {  	v7 =	vmov s11  }
0x144: {  	v8 =	vmul.f32 v1, v4;
	v1 =	vadd.s32 $0x50, v7;
	v3 =	vmul.f32 v3, v4  }
0x145: {  	v2 =	vmul.f32 v2, v4;
	v1 =	vbroadcast v1, $0x0  }
0x146: {  	v5 =	vmul.f32 v5, v4;
	[tilespmem:s16+$0xFFFFFF70] =	vst v8;
	v4 =	vmul.f32 v6, v4  }
0x147: {  	[tilespmem:s26+$0xFFFFFF80] =	vst v3  }
0x148: {  	[tilespmem:s26+$0xFFFFFF90] =	vst v2  }
0x149: {  	[tilespmem:s26+$0xFFFFFFA0] =	vst v5  }
0x14a: {  	v2 =	vld [tilespmem:s26+$0xFFFFFFC0];
	[tilespmem:s26+$0xFFFFFFB0] =	vst v4  }
0x14b: {  	v1 =	vld.idx.msk [tilespmem:v1+s31+$0x0], $0xffff  }
0x14c: {  	v3 =	vld [tilespmem:s26+$0xFFFFFFE0]  }
0x14d: {  	v4 =	vld [tilespmem:s26+$0x0]  }
0x14e: {  	v5 =	vld [tilespmem:s26+$0xFFFFFFD0]  }
0x14f: {  	v6 =	vld [tilespmem:s26+$0xFFFFFFF0]  }
0x150: {  	v2 =	vmul.f32 v2, v1  }
0x151: {  	v3 =	vmul.f32 v3, v1  }
0x152: {  	v4 =	vmul.f32 v4, v1;
	[tilespmem:s26+$0xFFFFFFC0] =	vst v2  }
0x153: {  	v2 =	vmul.f32 v5, v1;
	[tilespmem:s26+$0xFFFFFFE0] =	vst v3  }
0x154: {  	v1 =	vmul.f32 v6, v1;
	[tilespmem:s26+$0x0] =	vst v4  }
0x155: {  	[tilespmem:s26+$0xFFFFFFD0] =	vst v2  }
0x156: {  	[tilespmem:s26+$0xFFFFFFF0] =	vst v1  }
0x157: {  	[spmem:s3] =	stream.indirect.scatter.add.f32 [tilespmem:s13], [sflag:$0x8], $0x50, s10, s1, $0xb8;
	[tilespmem:$0x12ED0] =	vst v63  }
0x158: {  	_ =	swait.ge [sflag:s0], $0x50  }
0x159: {  	[sflag:s0] =	ssyncset.done $0x0  }
0x15a: {  	[sflag:s0] =	ssyncadd.s32 $0xFFFFFFB0  }
0x15b: {  	_ =	swait.ge [sflag:s0], $0x50  }
0x15c: {  	[sflag:s0] =	ssyncset.done $0x0  }
0x15d: {  	[sflag:s0] =	ssyncadd.s32 $0xFFFFFFB0  }
0x15e: {  	_ =	swait.ge [sflag:s0], $0x50  }
0x15f: {  	[sflag:s0] =	ssyncset.done $0x0  }
0x160: {  	[sflag:s0] =	ssyncadd.s32 $0xFFFFFFB0  }
0x161: {  	[tilespmem:s9], [sflag:$0x1] =	stream.indirect.gather [hbm4b:s5+s1], $0x50, s4, s1, $0xb8;
	[tilespmem:$0x12ED0] =	vst v63  }
0x162: {  	s11 =	sadd.s32 s28, s24;
	_ =	swait.ge [sflag:s25], $0x1900  }
0x163: {  	s22 =	simm.s32 $0x0;
	s11 =	sshrl.u32 s11, $0x3;
	[sflag:s25] =	ssyncset.done $0x0  }
0x164: {  	s16 =	sadd.s32 s6, s11;
	v1 =	vmov s22;
	[sflag:s25] =	ssyncadd.s32 $0xFFFFE700  }
0x165: {  	v1 =	vadd.s32 $0xA0, v1;
	[tilespmem:s1], [sflag:$0x5] =	stream.linear.gather [hbm4b:s16+s4], $0x50, $0x38;
	[tilespmem:$0x12ED0] =	vst v63  }
0x166: {  	s26 =	sadd.s32 s7, s11;
	v1 =	vand.u32 $0xFFFFFFFC, v1  }
0x167: {  	v1 =	vbroadcast v1, $0x0;
	[tilespmem:s10], [sflag:$0x5] =	stream.linear.gather [hbm4b:s26+s4], $0x50, $0x38;
	[tilespmem:$0x12ED0] =	vst v63  }
0x168: {  	s29 =	simm.s32 $0x230;
	s11 =	sadd.s32 s2, s11;
	s22 =	simm.s32 $0x3  }
0x169: {  	[tilespmem:s29], [sflag:$0x5] =	stream.linear.gather [hbm4b:s11+s4], $0x50, $0x38;
	[tilespmem:$0x12ED0] =	vst v63  }
0x16a: {  	_ =	swait.ge [sflag:s22], $0x1900  }
0x16b: {  	[sflag:s22] =	ssyncset.done $0x0  }
0x16c: {  	[sflag:s22] =	ssyncadd.s32 $0xFFFFE700  }
0x16d: {  	s26 =	simm.s32 $0x3600;
	v1 =	vld.idx.msk [tilespmem:v1+s31+$0x0], $0xffff  }
0x16e: {  	v2 =	vld [tilespmem:s26+$0xFFFFFED0]  }
0x16f: {  	v3 =	vld [tilespmem:s26+$0xFFFFFF10]  }
0x170: {  	s23 =	simm.s32 $0x1;
	v4 =	vld [tilespmem:s26+$0xFFFFFF00]  }
0x171: {  	v6 =	vmov s23;
	v5 =	vld [tilespmem:s26+$0xFFFFFEE0]  }
0x172: {  	v6 =	vadd.s32 $0xA0, v6;
	v7 =	vld [tilespmem:s26+$0xFFFFFEF0]  }
0x173: {  	v6 =	vand.u32 $0xFFFFFFFD, v6;
	v2 =	vmul.f32 v2, v1  }
0x174: {  	v6 =	vbroadcast v6, $0x0;
	v3 =	vmul.f32 v3, v1  }
0x175: {  	[tilespmem:s26+$0xFFFFFED0] =	vst v2;
	v2 =	vmul.f32 v4, v1  }
0x176: {  	v4 =	vmul.f32 v5, v1;
	[tilespmem:s26+$0xFFFFFF10] =	vst v3  }
0x177: {  	v1 =	vmul.f32 v7, v1;
	[tilespmem:s26+$0xFFFFFF00] =	vst v2  }
0x178: {  	[tilespmem:s26+$0xFFFFFEE0] =	vst v4  }
0x179: {  	[tilespmem:s26+$0xFFFFFEF0] =	vst v1;
	v2 =	vld [tilespmem:s26+$0xFFFFFF20]  }
0x17a: {  	v1 =	vld.idx.msk [tilespmem:v6+s31+$0x0], $0xffff  }
0x17b: {  	v3 =	vld [tilespmem:s26+$0xFFFFFF30]  }
0x17c: {  	s29 =	simm.s32 $0x2;
	v4 =	vld [tilespmem:s26+$0xFFFFFF50]  }
0x17d: {  	v5 =	vld [tilespmem:s26+$0xFFFFFF60];
	v6 =	vmov s29  }
0x17e: {  	v7 =	vld [tilespmem:s26+$0xFFFFFF40];
	v6 =	vadd.s32 $0xA0, v6  }
0x17f: {  	v6 =	vand.u32 $0xFFFFFFFE, v6;
	v2 =	vmul.f32 v2, v1  }
0x180: {  	v6 =	vbroadcast v6, $0x0;
	v3 =	vmul.f32 v3, v1  }
0x181: {  	[tilespmem:s26+$0xFFFFFF20] =	vst v2;
	v2 =	vmul.f32 v4, v1  }
0x182: {  	v4 =	vmul.f32 v5, v1;
	[tilespmem:s26+$0xFFFFFF30] =	vst v3  }
0x183: {  	v1 =	vmul.f32 v7, v1;
	v3 =	vld [tilespmem:s26+$0xFFFFFF80];
	[tilespmem:s26+$0xFFFFFF50] =	vst v2  }
0x184: {  	v5 =	vld [tilespmem:s26+$0xFFFFFFA0];
	[tilespmem:s26+$0xFFFFFF60] =	vst v4  }
0x185: {  	v2 =	vld [tilespmem:s26+$0xFFFFFF70];
	[tilespmem:s26+$0xFFFFFF40] =	vst v1  }
0x186: {  	v4 =	vld.idx.msk [tilespmem:v6+s31+$0x0], $0xffff  }
0x187: {  	v1 =	vld [tilespmem:s26+$0xFFFFFF90]  }
0x188: {  	v6 =	vld [tilespmem:s26+$0xFFFFFFB0];
	_ =	sdelay $0x1  }
0x189: {  	v7 =	vmov s22  }
0x18a: {  	v7 =	vadd.s32 $0xA0, v7;
	v8 =	vmul.f32 v2, v4;
	v3 =	vmul.f32 v3, v4  }
0x18b: {  	v2 =	vmul.f32 v1, v4;
	v1 =	vbroadcast v7, $0x0  }
0x18c: {  	s28 =	simm.s32 $0x7;
	s16 =	simm.s32 $0x3600;
	v5 =	vmul.f32 v5, v4;
	v4 =	vmul.f32 v6, v4;
	[tilespmem:s26+$0xFFFFFF70] =	vst v8  }
.LBB2_9:
0x18d: {  	p0 =	sne.s32 s28, $0x4F  }
0x18e: {  	[tilespmem:s26+$0xFFFFFF80] =	vst v3;
	s16 =	sadd.s32 $0x140, s16;
	s11 =	smov.u32 s28;
	s28 =	sadd.s32 $0x4, s28  }
0x18f: {  	[tilespmem:s26+$0xFFFFFF90] =	vst v2  }
0x190: {  	[tilespmem:s26+$0xFFFFFFA0] =	vst v5;
	v2 =	vld [tilespmem:s26+$0xFFFFFFF0]  }
0x191: {  	[tilespmem:s26+$0xFFFFFFB0] =	vst v4;
	v3 =	vld [tilespmem:s26+$0xFFFFFFC0]  }
0x192: {  	v1 =	vld.idx.msk [tilespmem:v1+s31+$0x0], $0xffff  }
0x193: {  	v4 =	vld [tilespmem:s26+$0x0]  }
0x194: {  	v5 =	vld [tilespmem:s26+$0xFFFFFFE0]  }
0x195: {  	s22 =	sadd.s32 $0xFFFFFFFD, s11;
	v6 =	vld [tilespmem:s26+$0xFFFFFFD0]  }
0x196: {  	v7 =	vmov s22  }
0x197: {  	v7 =	vadd.s32 $0xA0, v7  }
0x198: {  	v7 =	vand.u32 $0xFFFFFFFC, v7;
	v3 =	vmul.f32 v3, v1;
	v4 =	vmul.f32 v4, v1  }
0x199: {  	v7 =	vbroadcast v7, $0x0;
	v5 =	vmul.f32 v5, v1  }
0x19a: {  	[tilespmem:s26+$0xFFFFFFC0] =	vst v3;
	v3 =	vmul.f32 v6, v1;
	v1 =	vmul.f32 v2, v1  }
0x19b: {  	[tilespmem:s26+$0xFFFFFFE0] =	vst v5  }
0x19c: {  	[tilespmem:s26+$0x0] =	vst v4  }
0x19d: {  	v2 =	vld [tilespmem:s16+$0xFFFFFF00];
	[tilespmem:s26+$0xFFFFFFD0] =	vst v3  }
0x19e: {  	v3 =	vld [tilespmem:s16+$0xFFFFFF10];
	[tilespmem:s26+$0xFFFFFFF0] =	vst v1;
	s26 =	smov.u32 s16  }
0x19f: {  	v1 =	vld.idx.msk [tilespmem:v7+s31+$0x0], $0xffff  }
0x1a0: {  	v4 =	vld [tilespmem:s16+$0xFFFFFED0]  }
0x1a1: {  	v5 =	vld [tilespmem:s16+$0xFFFFFEF0]  }
0x1a2: {  	s22 =	sadd.s32 $0xFFFFFFFE, s11;
	v6 =	vld [tilespmem:s16+$0xFFFFFEE0]  }
0x1a3: {  	v7 =	vmov s22  }
0x1a4: {  	v7 =	vadd.s32 $0xA0, v7  }
0x1a5: {  	v7 =	vand.u32 $0xFFFFFFFD, v7;
	v3 =	vmul.f32 v3, v1;
	v4 =	vmul.f32 v4, v1  }
0x1a6: {  	v7 =	vbroadcast v7, $0x0;
	v5 =	vmul.f32 v5, v1  }
0x1a7: {  	[tilespmem:s16+$0xFFFFFED0] =	vst v4;
	v4 =	vmul.f32 v6, v1;
	v1 =	vmul.f32 v2, v1  }
0x1a8: {  	[tilespmem:s16+$0xFFFFFF10] =	vst v3  }
0x1a9: {  	[tilespmem:s16+$0xFFFFFF00] =	vst v1  }
0x1aa: {  	[tilespmem:s16+$0xFFFFFEE0] =	vst v4;
	v1 =	vld [tilespmem:s16+$0xFFFFFF50]  }
0x1ab: {  	[tilespmem:s16+$0xFFFFFEF0] =	vst v5;
	v2 =	vld [tilespmem:s16+$0xFFFFFF30]  }
0x1ac: {  	v3 =	vld.idx.msk [tilespmem:v7+s31+$0x0], $0xffff  }
0x1ad: {  	v4 =	vld [tilespmem:s16+$0xFFFFFF20]  }
0x1ae: {  	v5 =	vld [tilespmem:s16+$0xFFFFFF40]  }
0x1af: {  	s22 =	sadd.s32 $0xFFFFFFFF, s11;
	v6 =	vld [tilespmem:s16+$0xFFFFFF60]  }
0x1b0: {  	v7 =	vmov s22  }
0x1b1: {  	v7 =	vadd.s32 $0xA0, v7  }
0x1b2: {  	v7 =	vand.u32 $0xFFFFFFFE, v7;
	v2 =	vmul.f32 v2, v3;
	v4 =	vmul.f32 v4, v3  }
0x1b3: {  	v7 =	vbroadcast v7, $0x0;
	v5 =	vmul.f32 v5, v3  }
0x1b4: {  	v1 =	vmul.f32 v1, v3;
	[tilespmem:s16+$0xFFFFFF20] =	vst v4;
	v3 =	vmul.f32 v6, v3  }
0x1b5: {  	[tilespmem:s16+$0xFFFFFF30] =	vst v2  }
0x1b6: {  	[tilespmem:s16+$0xFFFFFF50] =	vst v1  }
0x1b7: {  	[tilespmem:s16+$0xFFFFFF60] =	vst v3;
	v1 =	vld [tilespmem:s16+$0xFFFFFF70]  }
0x1b8: {  	[tilespmem:s16+$0xFFFFFF40] =	vst v5;
	v2 =	vld [tilespmem:s16+$0xFFFFFF90]  }
0x1b9: {  	v4 =	vld.idx.msk [tilespmem:v7+s31+$0x0], $0xffff  }
0x1ba: {  	v3 =	vld [tilespmem:s16+$0xFFFFFF80]  }
0x1bb: {  	v5 =	vld [tilespmem:s16+$0xFFFFFFA0]  }
0x1bc: {  	v6 =	vld [tilespmem:s16+$0xFFFFFFB0]  }
.Ltmp3:
0x1bd: {  	(pc) =	sbr.rel @p0 .LBB2_9-.Ltmp3, $4  }
0x1be: {  	v7 =	vmov s11  }
0x1bf: {  	v8 =	vmul.f32 v1, v4;
	v1 =	vadd.s32 $0xA0, v7;
	v3 =	vmul.f32 v3, v4  }
0x1c0: {  	v2 =	vmul.f32 v2, v4;
	v1 =	vbroadcast v1, $0x0  }
0x1c1: {  	v5 =	vmul.f32 v5, v4;
	[tilespmem:s16+$0xFFFFFF70] =	vst v8;
	v4 =	vmul.f32 v6, v4  }
0x1c2: {  	[tilespmem:s26+$0xFFFFFF80] =	vst v3  }
0x1c3: {  	[tilespmem:s26+$0xFFFFFF90] =	vst v2  }
0x1c4: {  	[tilespmem:s26+$0xFFFFFFA0] =	vst v5  }
0x1c5: {  	v2 =	vld [tilespmem:s26+$0xFFFFFFC0];
	[tilespmem:s26+$0xFFFFFFB0] =	vst v4  }
0x1c6: {  	v1 =	vld.idx.msk [tilespmem:v1+s31+$0x0], $0xffff  }
0x1c7: {  	v3 =	vld [tilespmem:s26+$0xFFFFFFE0]  }
0x1c8: {  	v62 =	vld [tilespmem:s26+$0x0]  }
0x1c9: {  	v63 =	vld [tilespmem:s26+$0xFFFFFFD0]  }
0x1ca: {  	v6 =	vld [tilespmem:s26+$0xFFFFFFF0]  }
0x1cb: {  	v2 =	vmul.f32 v2, v1  }
0x1cc: {  	s8 =	sadd.s32 $0x1, s8;
	v3 =	vmul.f32 v3, v1  }
0x1cd: {  	p0 =	sne.s32 s8, $0x29;
	v4 =	vmul.f32 v62, v1;
	[tilespmem:s26+$0xFFFFFFC0] =	vst v2  }
.Ltmp4:
0x1ce: {  	v2 =	vmul.f32 v63, v1;
	[tilespmem:s26+$0xFFFFFFE0] =	vst v3;
	(pc) =	sbr.rel @p0 .LBB2_4-.Ltmp4, $4  }
0x1cf: {  	v1 =	vmul.f32 v6, v1;
	[tilespmem:s26+$0x0] =	vst v4  }
0x1d0: {  	[tilespmem:s26+$0xFFFFFFD0] =	vst v2  }
0x1d1: {  	[tilespmem:s26+$0xFFFFFFF0] =	vst v1  }
0x1d2: {  	[spmem:s3] =	stream.indirect.scatter.add.f32 [tilespmem:s19], [sflag:$0x9], $0x50, s15, s1, $0xb8;
	[tilespmem:$0x12ED0] =	vst v63  }
0x1d3: {  	_ =	swait.ge [sflag:s12], $0x50  }
0x1d4: {  	[sflag:s12] =	ssyncset.done $0x0  }
0x1d5: {  	[sflag:s12] =	ssyncadd.s32 $0xFFFFFFB0  }
0x1d6: {  	_ =	swait.ge [sflag:s12], $0x50  }
0x1d7: {  	[sflag:s12] =	ssyncset.done $0x0  }
0x1d8: {  	s8 =	simm.s32 $0x0;
	[sflag:s12] =	ssyncadd.s32 $0xFFFFFFB0  }
0x1d9: {  	v1 =	vmov s8;
	_ =	swait.ge [sflag:s12], $0x50  }
0x1da: {  	v1 =	vand.u32 $0xFFFFFFFC, v1;
	[sflag:s12] =	ssyncset.done $0x0  }
0x1db: {  	v1 =	vbroadcast v1, $0x0;
	[sflag:s12] =	ssyncadd.s32 $0xFFFFFFB0  }
0x1dc: {  	[tilespmem:s13], [sflag:$0x2] =	stream.indirect.gather [hbm4b:s5+s1], $0x50, s1, s1, $0xb8;
	[tilespmem:$0x12ED0] =	vst v63  }
0x1dd: {  	_ =	swait.ge [sflag:s17], $0x1900  }
0x1de: {  	[sflag:s17] =	ssyncset.done $0x0  }
0x1df: {  	s8 =	simm.s32 $0x370;
	[sflag:s17] =	ssyncadd.s32 $0xFFFFE700  }
0x1e0: {  	v2 =	vld [tilespmem:s8+$0xFFFFFF90]  }
0x1e1: {  	v3 =	vld.idx.msk [tilespmem:v1+s31+$0x0], $0xffff  }
0x1e2: {  	v4 =	vld [tilespmem:s8+$0xFFFFFF80]  }
0x1e3: {  	v5 =	vld [tilespmem:s8+$0xFFFFFFA0]  }
0x1e4: {  	s11 =	simm.s32 $0x1;
	v6 =	vld [tilespmem:s8+$0xFFFFFF60]  }
0x1e5: {  	v1 =	vmov s11;
	v7 =	vld [tilespmem:s8+$0xFFFFFF70]  }
0x1e6: {  	v8 =	vand.u32 $0xFFFFFFFD, v1;
	v2 =	vmul.f32 v2, v3  }
0x1e7: {  	v8 =	vbroadcast v8, $0x0;
	v4 =	vmul.f32 v4, v3  }
0x1e8: {  	v5 =	vmul.f32 v5, v3;
	[tilespmem:s8+$0xFFFFFF90] =	vst v2  }
0x1e9: {  	v2 =	vmul.f32 v6, v3;
	[tilespmem:s8+$0xFFFFFF80] =	vst v4  }
0x1ea: {  	v3 =	vmul.f32 v7, v3;
	[tilespmem:s8+$0xFFFFFFA0] =	vst v5  }
0x1eb: {  	v1 =	vld [tilespmem:s8+$0xFFFFFFB0];
	[tilespmem:s8+$0xFFFFFF60] =	vst v2  }
0x1ec: {  	v2 =	vld [tilespmem:s8+$0xFFFFFFF0];
	[tilespmem:s8+$0xFFFFFF70] =	vst v3  }
0x1ed: {  	s26 =	simm.s32 $0x3;
	s16 =	simm.s32 $0x7;
	s11 =	simm.s32 $0x370;
	v3 =	vld.idx.msk [tilespmem:v8+s31+$0x0], $0xffff  }
.LBB2_12:
0x1ee: {  	p0 =	sne.s32 s16, $0x4F  }
0x1ef: {  	v4 =	vld [tilespmem:s8+$0xFFFFFFD0];
	s11 =	sadd.s32 $0x140, s11;
	s22 =	smov.u32 s16;
	s16 =	sadd.s32 $0x4, s16  }
0x1f0: {  	v5 =	vld [tilespmem:s8+$0xFFFFFFE0]  }
0x1f1: {  	v6 =	vld [tilespmem:s8+$0xFFFFFFC0]  }
0x1f2: {  	s23 =	sadd.s32 $0xFFFFFFFF, s26;
	v7 =	vld [tilespmem:s11+$0xFFFFFFF0]  }
0x1f3: {  	v8 =	vmov s23  }
0x1f4: {  	v1 =	vmul.f32 v1, v3;
	v9 =	vmul.f32 v2, v3;
	v2 =	vand.u32 $0xFFFFFFFE, v8  }
0x1f5: {  	v4 =	vmul.f32 v4, v3;
	v8 =	vbroadcast v2, $0x0  }
0x1f6: {  	[tilespmem:s8+$0xFFFFFFB0] =	vst v1;
	v6 =	vmul.f32 v6, v3;
	v3 =	vmul.f32 v5, v3  }
0x1f7: {  	s23 =	sadd.s32 $0xFFFFFFFD, s22;
	v1 =	vld [tilespmem:s11+$0xFFFFFFB0];
	[tilespmem:s8+$0xFFFFFFD0] =	vst v4;
	v2 =	vmov v7  }
0x1f8: {  	v4 =	vmov s23;
	[tilespmem:s8+$0xFFFFFFF0] =	vst v9  }
0x1f9: {  	v4 =	vand.u32 $0xFFFFFFFC, v4;
	[tilespmem:s8+$0xFFFFFFC0] =	vst v6;
	v5 =	vld [tilespmem:s8+$0x0]  }
0x1fa: {  	v4 =	vbroadcast v4, $0x0;
	[tilespmem:s8+$0xFFFFFFE0] =	vst v3;
	v3 =	vld [tilespmem:s8+$0x30]  }
0x1fb: {  	v6 =	vld.idx.msk [tilespmem:v8+s31+$0x0], $0xffff  }
0x1fc: {  	v7 =	vld [tilespmem:s8+$0x10]  }
0x1fd: {  	v8 =	vld [tilespmem:s8+$0x20]  }
0x1fe: {  	v9 =	vld [tilespmem:s8+$0x40];
	_ =	sdelay $0x1  }
0x1ff: {  	v10 =	vld [tilespmem:s11+$0xFFFFFFA0]  }
0x200: {  	v5 =	vmul.f32 v5, v6;
	v11 =	vld [tilespmem:s11+$0xFFFFFF90];
	v7 =	vmul.f32 v7, v6  }
0x201: {  	v3 =	vmul.f32 v3, v6;
	v8 =	vmul.f32 v8, v6  }
0x202: {  	[tilespmem:s8+$0x0] =	vst v5;
	v5 =	vmul.f32 v9, v6;
	v6 =	vmov s26;
	s26 =	smov.u32 s22  }
0x203: {  	[tilespmem:s8+$0x20] =	vst v8  }
0x204: {  	[tilespmem:s8+$0x40] =	vst v5  }
0x205: {  	s22 =	sadd.s32 $0xFFFFFFFE, s26;
	[tilespmem:s8+$0x10] =	vst v7;
	v5 =	vld [tilespmem:s8+$0x50]  }
0x206: {  	v7 =	vmov s22;
	[tilespmem:s8+$0x30] =	vst v3;
	v3 =	vld [tilespmem:s8+$0x70]  }
0x207: {  	v7 =	vand.u32 $0xFFFFFFFD, v7;
	v6 =	vld.idx.msk [tilespmem:v6+s31+$0x0], $0xffff  }
0x208: {  	v8 =	vld [tilespmem:s8+$0x60]  }
0x209: {  	v7 =	vbroadcast v7, $0x0;
	v9 =	vld [tilespmem:s8+$0x80]  }
0x20a: {  	v12 =	vld [tilespmem:s8+$0x90];
	_ =	sdelay $0x2  }
0x20b: {  	v5 =	vmul.f32 v5, v6;
	v8 =	vmul.f32 v8, v6  }
0x20c: {  	v3 =	vmul.f32 v3, v6;
	v9 =	vmul.f32 v9, v6  }
0x20d: {  	[tilespmem:s8+$0x50] =	vst v5;
	v5 =	vmul.f32 v12, v6  }
0x20e: {  	[tilespmem:s8+$0x70] =	vst v3  }
0x20f: {  	[tilespmem:s8+$0x80] =	vst v9  }
0x210: {  	[tilespmem:s8+$0x90] =	vst v5  }
0x211: {  	[tilespmem:s8+$0x60] =	vst v8;
	s8 =	smov.u32 s11  }
0x212: {  	v3 =	vld.idx.msk [tilespmem:v4+s31+$0x0], $0xffff  }
0x213: {  	v4 =	vld [tilespmem:s11+$0xFFFFFF80]  }
0x214: {  	v5 =	vld [tilespmem:s11+$0xFFFFFF60]  }
0x215: {  	v6 =	vld [tilespmem:s11+$0xFFFFFF70];
	_ =	sdelay $0x2  }
0x216: {  	v8 =	vmul.f32 v11, v3;
	v9 =	vmul.f32 v10, v3  }
0x217: {  	v4 =	vmul.f32 v4, v3;
	v5 =	vmul.f32 v5, v3  }
0x218: {  	v3 =	vmul.f32 v6, v3;
	[tilespmem:s11+$0xFFFFFF90] =	vst v8  }
.Ltmp5:
0x219: {  	[tilespmem:s11+$0xFFFFFF80] =	vst v4;
	(pc) =	sbr.rel @p0 .LBB2_12-.Ltmp5, $4  }
0x21a: {  	[tilespmem:s11+$0xFFFFFFA0] =	vst v9  }
0x21b: {  	[tilespmem:s11+$0xFFFFFF60] =	vst v5  }
0x21c: {  	[tilespmem:s11+$0xFFFFFF70] =	vst v3  }
0x21d: {  	v3 =	vld.idx.msk [tilespmem:v7+s31+$0x0], $0xffff  }
0x21e: {  	_ = 	snop  }
0x21f: {  	v4 =	vld [tilespmem:s8+$0xFFFFFFD0]  }
0x220: {  	v5 =	vld [tilespmem:s8+$0xFFFFFFC0];
	s11 =	sadd.s32 $0xFFFFFFFF, s26  }
0x221: {  	v6 =	vld [tilespmem:s8+$0xFFFFFFE0];
	v7 =	vmov s11  }
0x222: {  	v7 =	vand.u32 $0xFFFFFFFE, v7;
	v1 =	vmul.f32 v1, v3  }
0x223: {  	v7 =	vbroadcast v7, $0x0;
	v2 =	vmul.f32 v2, v3  }
0x224: {  	v4 =	vmul.f32 v4, v3;
	[tilespmem:s8+$0xFFFFFFB0] =	vst v1  }
0x225: {  	v1 =	vmul.f32 v5, v3;
	[tilespmem:s8+$0xFFFFFFF0] =	vst v2  }
0x226: {  	v3 =	vmul.f32 v6, v3;
	[tilespmem:s8+$0xFFFFFFD0] =	vst v4  }
0x227: {  	v5 =	vld [tilespmem:s8+$0x10];
	[tilespmem:s8+$0xFFFFFFC0] =	vst v1  }
0x228: {  	v1 =	vld [tilespmem:s8+$0x0];
	[tilespmem:s8+$0xFFFFFFE0] =	vst v3  }
0x229: {  	v2 =	vld.idx.msk [tilespmem:v7+s31+$0x0], $0xffff  }
0x22a: {  	v3 =	vld [tilespmem:s8+$0x20]  }
0x22b: {  	v4 =	vld [tilespmem:s8+$0x40];
	_ =	sdelay $0x1  }
0x22c: {  	v6 =	vld [tilespmem:s8+$0x30]  }
0x22d: {  	v1 =	vmul.f32 v1, v2  }
0x22e: {  	v3 =	vmul.f32 v3, v2  }
0x22f: {  	v5 =	vmul.f32 v5, v2;
	[tilespmem:s8+$0x0] =	vst v1;
	v1 =	vmul.f32 v4, v2;
	v4 =	vmov s26  }
0x230: {  	[tilespmem:s8+$0x20] =	vst v3  }
0x231: {  	v2 =	vmul.f32 v6, v2;
	[tilespmem:s8+$0x10] =	vst v5  }
0x232: {  	[tilespmem:s8+$0x40] =	vst v1  }
0x233: {  	v1 =	vld [tilespmem:s8+$0x50];
	[tilespmem:s8+$0x30] =	vst v2  }
0x234: {  	v2 =	vld.idx.msk [tilespmem:v4+s31+$0x0], $0xffff  }
0x235: {  	v3 =	vld [tilespmem:s8+$0x70]  }
0x236: {  	v4 =	vld [tilespmem:s8+$0x80]  }
0x237: {  	v5 =	vld [tilespmem:s8+$0x90]  }
0x238: {  	v6 =	vld [tilespmem:s8+$0x60]  }
0x239: {  	v1 =	vmul.f32 v1, v2  }
0x23a: {  	v3 =	vmul.f32 v3, v2  }
0x23b: {  	v4 =	vmul.f32 v4, v2;
	[tilespmem:s8+$0x50] =	vst v1  }
0x23c: {  	v1 =	vmul.f32 v5, v2;
	[tilespmem:s8+$0x70] =	vst v3  }
0x23d: {  	v2 =	vmul.f32 v6, v2;
	[tilespmem:s8+$0x80] =	vst v4  }
0x23e: {  	s22 =	simm.s32 $0x0;
	[tilespmem:s8+$0x90] =	vst v1  }
0x23f: {  	s23 =	simm.s32 $0x9;
	v1 =	vmov s22;
	[tilespmem:s8+$0x60] =	vst v2  }
0x240: {  	v1 =	vadd.s32 $0x50, v1;
	_ =	swait.ge [sflag:s23], $0x1900  }
0x241: {  	v1 =	vand.u32 $0xFFFFFFFC, v1;
	[sflag:s23] =	ssyncset.done $0x0  }
0x242: {  	v1 =	vbroadcast v1, $0x0;
	[sflag:s23] =	ssyncadd.s32 $0xFFFFE700  }
0x243: {  	[spmem:s3] =	stream.indirect.scatter.add.f32 [tilespmem:s9], [sflag:$0x7], $0x50, s30, s1, $0xb8;
	[tilespmem:$0x12ED0] =	vst v63  }
0x244: {  	_ =	swait.ge [sflag:s21], $0x1900  }
0x245: {  	[sflag:s21] =	ssyncset.done $0x0  }
0x246: {  	s8 =	simm.s32 $0x1D00;
	[sflag:s21] =	ssyncadd.s32 $0xFFFFE700  }
0x247: {  	v2 =	vld [tilespmem:s8+$0xFFFFFED0]  }
0x248: {  	v1 =	vld.idx.msk [tilespmem:v1+s31+$0x0], $0xffff  }
0x249: {  	v3 =	vld [tilespmem:s8+$0xFFFFFF10]  }
0x24a: {  	s26 =	simm.s32 $0x1;
	v4 =	vld [tilespmem:s8+$0xFFFFFF00]  }
0x24b: {  	v6 =	vmov s26;
	v5 =	vld [tilespmem:s8+$0xFFFFFEE0]  }
0x24c: {  	v6 =	vadd.s32 $0x50, v6;
	v7 =	vld [tilespmem:s8+$0xFFFFFEF0]  }
0x24d: {  	v6 =	vand.u32 $0xFFFFFFFD, v6;
	v2 =	vmul.f32 v2, v1  }
0x24e: {  	v6 =	vbroadcast v6, $0x0;
	v3 =	vmul.f32 v3, v1  }
0x24f: {  	[tilespmem:s8+$0xFFFFFED0] =	vst v2;
	v2 =	vmul.f32 v4, v1  }
0x250: {  	v4 =	vmul.f32 v5, v1;
	[tilespmem:s8+$0xFFFFFF10] =	vst v3  }
0x251: {  	v1 =	vmul.f32 v7, v1;
	[tilespmem:s8+$0xFFFFFF00] =	vst v2  }
0x252: {  	[tilespmem:s8+$0xFFFFFEE0] =	vst v4  }
0x253: {  	[tilespmem:s8+$0xFFFFFEF0] =	vst v1;
	v2 =	vld [tilespmem:s8+$0xFFFFFF20]  }
0x254: {  	v1 =	vld.idx.msk [tilespmem:v6+s31+$0x0], $0xffff  }
0x255: {  	v3 =	vld [tilespmem:s8+$0xFFFFFF30]  }
0x256: {  	s28 =	simm.s32 $0x2;
	v4 =	vld [tilespmem:s8+$0xFFFFFF50]  }
0x257: {  	v5 =	vld [tilespmem:s8+$0xFFFFFF60];
	v6 =	vmov s28  }
0x258: {  	v7 =	vld [tilespmem:s8+$0xFFFFFF40];
	v6 =	vadd.s32 $0x50, v6  }
0x259: {  	v6 =	vand.u32 $0xFFFFFFFE, v6;
	v2 =	vmul.f32 v2, v1  }
0x25a: {  	v6 =	vbroadcast v6, $0x0;
	v3 =	vmul.f32 v3, v1  }
0x25b: {  	[tilespmem:s8+$0xFFFFFF20] =	vst v2;
	v2 =	vmul.f32 v4, v1  }
0x25c: {  	v4 =	vmul.f32 v5, v1;
	[tilespmem:s8+$0xFFFFFF30] =	vst v3  }
0x25d: {  	v1 =	vmul.f32 v7, v1;
	v3 =	vld [tilespmem:s8+$0xFFFFFF80];
	[tilespmem:s8+$0xFFFFFF50] =	vst v2  }
0x25e: {  	v5 =	vld [tilespmem:s8+$0xFFFFFFA0];
	[tilespmem:s8+$0xFFFFFF60] =	vst v4  }
0x25f: {  	v2 =	vld [tilespmem:s8+$0xFFFFFF70];
	[tilespmem:s8+$0xFFFFFF40] =	vst v1  }
0x260: {  	v4 =	vld.idx.msk [tilespmem:v6+s31+$0x0], $0xffff  }
0x261: {  	v1 =	vld [tilespmem:s8+$0xFFFFFF90]  }
0x262: {  	v6 =	vld [tilespmem:s8+$0xFFFFFFB0]  }
0x263: {  	s29 =	simm.s32 $0x3  }
0x264: {  	v7 =	vmov s29  }
0x265: {  	v7 =	vadd.s32 $0x50, v7;
	v8 =	vmul.f32 v2, v4;
	v3 =	vmul.f32 v3, v4  }
0x266: {  	v2 =	vmul.f32 v1, v4;
	v1 =	vbroadcast v7, $0x0  }
0x267: {  	s16 =	simm.s32 $0x1D00;
	s26 =	simm.s32 $0x7;
	v5 =	vmul.f32 v5, v4;
	v4 =	vmul.f32 v6, v4;
	[tilespmem:s8+$0xFFFFFF70] =	vst v8  }
.LBB2_14:
0x268: {  	p0 =	sne.s32 s26, $0x4F  }
0x269: {  	[tilespmem:s8+$0xFFFFFF80] =	vst v3;
	s16 =	sadd.s32 $0x140, s16;
	s11 =	smov.u32 s26;
	s26 =	sadd.s32 $0x4, s26  }
0x26a: {  	[tilespmem:s8+$0xFFFFFF90] =	vst v2  }
0x26b: {  	[tilespmem:s8+$0xFFFFFFA0] =	vst v5;
	v2 =	vld [tilespmem:s8+$0xFFFFFFF0]  }
0x26c: {  	[tilespmem:s8+$0xFFFFFFB0] =	vst v4;
	v3 =	vld [tilespmem:s8+$0xFFFFFFC0]  }
0x26d: {  	v1 =	vld.idx.msk [tilespmem:v1+s31+$0x0], $0xffff  }
0x26e: {  	v4 =	vld [tilespmem:s8+$0x0]  }
0x26f: {  	v5 =	vld [tilespmem:s8+$0xFFFFFFE0]  }
0x270: {  	s22 =	sadd.s32 $0xFFFFFFFD, s11;
	v6 =	vld [tilespmem:s8+$0xFFFFFFD0]  }
0x271: {  	v7 =	vmov s22  }
0x272: {  	v7 =	vadd.s32 $0x50, v7  }
0x273: {  	v7 =	vand.u32 $0xFFFFFFFC, v7;
	v3 =	vmul.f32 v3, v1;
	v4 =	vmul.f32 v4, v1  }
0x274: {  	v7 =	vbroadcast v7, $0x0;
	v5 =	vmul.f32 v5, v1  }
0x275: {  	[tilespmem:s8+$0xFFFFFFC0] =	vst v3;
	v3 =	vmul.f32 v6, v1;
	v1 =	vmul.f32 v2, v1  }
0x276: {  	[tilespmem:s8+$0xFFFFFFE0] =	vst v5  }
0x277: {  	[tilespmem:s8+$0x0] =	vst v4  }
0x278: {  	v2 =	vld [tilespmem:s16+$0xFFFFFF00];
	[tilespmem:s8+$0xFFFFFFD0] =	vst v3  }
0x279: {  	v3 =	vld [tilespmem:s16+$0xFFFFFF10];
	[tilespmem:s8+$0xFFFFFFF0] =	vst v1;
	s8 =	smov.u32 s16  }
0x27a: {  	v1 =	vld.idx.msk [tilespmem:v7+s31+$0x0], $0xffff  }
0x27b: {  	v4 =	vld [tilespmem:s16+$0xFFFFFED0]  }
0x27c: {  	v5 =	vld [tilespmem:s16+$0xFFFFFEF0]  }
0x27d: {  	s22 =	sadd.s32 $0xFFFFFFFE, s11;
	v6 =	vld [tilespmem:s16+$0xFFFFFEE0]  }
0x27e: {  	v7 =	vmov s22  }
0x27f: {  	v7 =	vadd.s32 $0x50, v7  }
0x280: {  	v7 =	vand.u32 $0xFFFFFFFD, v7;
	v3 =	vmul.f32 v3, v1;
	v4 =	vmul.f32 v4, v1  }
0x281: {  	v7 =	vbroadcast v7, $0x0;
	v5 =	vmul.f32 v5, v1  }
0x282: {  	[tilespmem:s16+$0xFFFFFED0] =	vst v4;
	v4 =	vmul.f32 v6, v1;
	v1 =	vmul.f32 v2, v1  }
0x283: {  	[tilespmem:s16+$0xFFFFFF10] =	vst v3  }
0x284: {  	[tilespmem:s16+$0xFFFFFF00] =	vst v1  }
0x285: {  	[tilespmem:s16+$0xFFFFFEE0] =	vst v4;
	v1 =	vld [tilespmem:s16+$0xFFFFFF50]  }
0x286: {  	[tilespmem:s16+$0xFFFFFEF0] =	vst v5;
	v2 =	vld [tilespmem:s16+$0xFFFFFF30]  }
0x287: {  	v3 =	vld.idx.msk [tilespmem:v7+s31+$0x0], $0xffff  }
0x288: {  	v4 =	vld [tilespmem:s16+$0xFFFFFF20]  }
0x289: {  	v5 =	vld [tilespmem:s16+$0xFFFFFF40]  }
0x28a: {  	s22 =	sadd.s32 $0xFFFFFFFF, s11;
	v6 =	vld [tilespmem:s16+$0xFFFFFF60]  }
0x28b: {  	v7 =	vmov s22  }
0x28c: {  	v7 =	vadd.s32 $0x50, v7  }
0x28d: {  	v7 =	vand.u32 $0xFFFFFFFE, v7;
	v2 =	vmul.f32 v2, v3;
	v4 =	vmul.f32 v4, v3  }
0x28e: {  	v7 =	vbroadcast v7, $0x0;
	v5 =	vmul.f32 v5, v3  }
0x28f: {  	v1 =	vmul.f32 v1, v3;
	[tilespmem:s16+$0xFFFFFF20] =	vst v4;
	v3 =	vmul.f32 v6, v3  }
0x290: {  	[tilespmem:s16+$0xFFFFFF30] =	vst v2  }
0x291: {  	[tilespmem:s16+$0xFFFFFF50] =	vst v1  }
0x292: {  	[tilespmem:s16+$0xFFFFFF60] =	vst v3;
	v1 =	vld [tilespmem:s16+$0xFFFFFF70]  }
0x293: {  	[tilespmem:s16+$0xFFFFFF40] =	vst v5;
	v2 =	vld [tilespmem:s16+$0xFFFFFF90]  }
0x294: {  	v4 =	vld.idx.msk [tilespmem:v7+s31+$0x0], $0xffff  }
0x295: {  	v3 =	vld [tilespmem:s16+$0xFFFFFF80]  }
0x296: {  	v5 =	vld [tilespmem:s16+$0xFFFFFFA0]  }
0x297: {  	v6 =	vld [tilespmem:s16+$0xFFFFFFB0]  }
.Ltmp6:
0x298: {  	(pc) =	sbr.rel @p0 .LBB2_14-.Ltmp6, $4  }
0x299: {  	v7 =	vmov s11  }
0x29a: {  	v8 =	vmul.f32 v1, v4;
	v1 =	vadd.s32 $0x50, v7;
	v3 =	vmul.f32 v3, v4  }
0x29b: {  	v2 =	vmul.f32 v2, v4;
	v1 =	vbroadcast v1, $0x0  }
0x29c: {  	v5 =	vmul.f32 v5, v4;
	[tilespmem:s16+$0xFFFFFF70] =	vst v8;
	v4 =	vmul.f32 v6, v4  }
0x29d: {  	[tilespmem:s8+$0xFFFFFF80] =	vst v3  }
0x29e: {  	[tilespmem:s8+$0xFFFFFF90] =	vst v2  }
0x29f: {  	[tilespmem:s8+$0xFFFFFFA0] =	vst v5  }
0x2a0: {  	v2 =	vld [tilespmem:s8+$0xFFFFFFC0];
	[tilespmem:s8+$0xFFFFFFB0] =	vst v4  }
0x2a1: {  	v1 =	vld.idx.msk [tilespmem:v1+s31+$0x0], $0xffff  }
0x2a2: {  	v3 =	vld [tilespmem:s8+$0xFFFFFFE0]  }
0x2a3: {  	v62 =	vld [tilespmem:s8+$0x0]  }
0x2a4: {  	v63 =	vld [tilespmem:s8+$0xFFFFFFD0]  }
0x2a5: {  	v6 =	vld [tilespmem:s8+$0xFFFFFFF0]  }
0x2a6: {  	v2 =	vmul.f32 v2, v1  }
0x2a7: {  	v3 =	vmul.f32 v3, v1  }
0x2a8: {  	v4 =	vmul.f32 v62, v1;
	[tilespmem:s8+$0xFFFFFFC0] =	vst v2  }
0x2a9: {  	v2 =	vmul.f32 v63, v1;
	[tilespmem:s8+$0xFFFFFFE0] =	vst v3  }
0x2aa: {  	v1 =	vmul.f32 v6, v1;
	[tilespmem:s8+$0x0] =	vst v4  }
0x2ab: {  	[tilespmem:s8+$0xFFFFFFD0] =	vst v2  }
0x2ac: {  	[tilespmem:s8+$0xFFFFFFF0] =	vst v1  }
0x2ad: {  	_ =	swait.ge [sflag:s20], $0x1900  }
0x2ae: {  	[sflag:s20] =	ssyncset.done $0x0  }
0x2af: {  	[sflag:s20] =	ssyncadd.s32 $0xFFFFE700  }
0x2b0: {  	[spmem:s3] =	stream.indirect.scatter.add.f32 [tilespmem:s13], [sflag:$0x8], $0x50, s10, s1, $0xb8;
	[tilespmem:$0x12ED0] =	vst v63  }
0x2b1: {  	_ =	swait.ge [sflag:s25], $0x1900  }
0x2b2: {  	[sflag:s25] =	ssyncset.done $0x0  }
0x2b3: {  	[sflag:s25] =	ssyncadd.s32 $0xFFFFE700  }
0x2b4: {  	s26 =	stileid.u32;
	[bflag:$0x0] =	sbarrier.arrive $0xFFFF  }
0x2b5: {  	s23 =	simm.s32 $0xA;
	s8 =	sshll.u32 s26, $0x6;
	s22 =	rddreg [dreg:$0x4]  }
0x2b6: {  	s8 =	sor.u32 $0x1C0A, s8;
	s16 =	rddreg [dreg:$0x14];
	s11 =	sshrl.u32 s22, $0x3  }
0x2b7: {  	[hbm:s16], [sflag:s8] =	dma.local [spmem:s11], $0x1900  }
0x2b8: {  	_ =	swait.ge [sflag:s23], $0x1900  }
0x2b9: {  	s28 =	rddreg [dreg:$0x16]  }
0x2ba: {  	s29 =	rddreg [dreg:$0x15];
	s11 =	sadd.s32 $0x1, s28  }
0x2bb: {  	p0 =	sne.s32 s11, s29  }
.Ltmp7:
0x2bc: {  	_ = 	snop;
	(pc) =	sbr.rel @p0 .LBB2_1-.Ltmp7, $3  }
0x2bd: {  	_ =	sdelay $0x1  }
0x2be: {  	[sflag:s23] =	ssyncset.done $0x0  }
0x2bf: {  	[sflag:s23] =	ssyncadd.s32 $0xFFFFE700  }
0x2c0: {  	_ =	sfence.sel $0x180000  }
0x2c1: {  	[bflag:$0x0] =	sbarrier.arrive $0xFFFF  }
0x2c2: {  	_ =	strace $0x90000047  }
0x2c3: {  	s0 =	stileid.u32;
	[bflag:$0x2] =	sbarrier.arrive $0xFFFF  }
0x2c4: {  	p0 =	sne.s32 s0, $0x0;
	s0 =	rddreg [dreg:$0x3]  }
0x2c5: {  	s0 =	sadd.s32 @!p0 $0x100000, s0  }
0x2c6: {  	[sflag:s0] =	ssyncadd.tile.s32 @!p0 $0x1;
	_ =	shalt  }
.Lfunc_end2:
_tile_overlayer_lowered:
.L_overlay_start_2:
0x2c7: {  	(tag) =	ssettag $0x2  }
0x2c8: {  	s0 =	rddreg [dreg:$0x0];
	s2 =	stileid.u32  }
0x2c9: {  	s1 =	rddreg [dreg:$0x1];
	p0 =	sne.s32 s2, $0x0  }
0x2ca: {  	s3 =	rddreg [dreg:$0x2];
	[bflag:$0x3] =	sbarrier.arrive $0xFFFF;
	s2 =	simm.s32 @!p0 $0x1C0A  }
0x2cb: {  	[timem:s3], [sflag:s2] =	dma.local @!p0 [hbm:s0], s1  }
0x2cc: {  	s0 =	simm.s32 @!p0 $0xA  }
0x2cd: {  	_ =	swait.ge @!p0 [sflag:s0], s1  }
0x2ce: {  	s1 =	ssub.s32 @!p0 $0x0, s1;
	[sflag:s0] =	ssyncset.done @!p0 $0x0  }
0x2cf: {  	[sflag:s0] =	ssyncadd.s32 @!p0 s1  }
0x2d0: {  	[bflag:$0x3] =	sbarrier.arrive $0xFFFF  }
0x2d1: {  	_ =	shalt  }

</sc_bundles>
